<compile_context>
chip_gen: v7x
topology: tpu7x:2x2x1
jax: 0.10.2.dev20260603
libtpu: 0.0.44.dev20260713+nightly
codegen_flags: <defaults>
</compile_context>

<pallas_src>
import dataclasses

import jax
import jax.numpy as jnp
from jax import lax
from jax.experimental import pallas as pl
from jax.experimental.pallas import tpu as pltpu
from jax.experimental.pallas import tpu_sc as plsc

_N = 10000
_E = 320000
_H = 128
_NSUB = 16
_CHUNK = 128
_CHUNKS = 157
_EPAD = _NSUB * _CHUNKS * _CHUNK
_ROWS_PER_TILE = 624
_ROWS_REM = _N - _NSUB * _ROWS_PER_TILE


def _dense_in_body(feat_ref, g_ref, b_ref, wi_ref, bi_ref, wo_ref, bo_ref,
                   x_ref, t_ref):
    f = feat_ref[...]
    mean = jnp.mean(f, axis=0, keepdims=True)
    cen = f - mean
    var = jnp.mean(cen * cen, axis=0, keepdims=True)
    x = cen * lax.rsqrt(var + 1e-5) * g_ref[...] + b_ref[...]
    x_ref[...] = x
    cd = (((1,), (1,)), ((), ()))
    t_ref[0:_N, :] = lax.dot_general(
        x, wi_ref[...], cd, preferred_element_type=jnp.float32) + bi_ref[...]
    t_ref[_N:, :] = lax.dot_general(
        x, wo_ref[...], cd, preferred_element_type=jnp.float32) + bo_ref[...]


def _dense_out_body(x_ref, a_ref, wg_ref, bg_ref, wo_ref, o_ref):
    cd = (((1,), (1,)), ((), ()))
    x = x_ref[...]
    wg = wg_ref[...]
    f = (lax.dot_general(a_ref[0], wg[:, :_H], cd,
                         preferred_element_type=jnp.float32)
         + lax.dot_general(a_ref[1], wg[:, _H:], cd,
                           preferred_element_type=jnp.float32)
         + bg_ref[...])
    s = f + lax.dot_general(x, wo_ref[...], cd,
                            preferred_element_type=jnp.float32)
    ig = jax.nn.sigmoid(s[:, :_H])
    ng = jnp.tanh(s[:, _H:])
    o_ref[...] = ng + ig * (x - ng)


def _sc_edge_body(table_ref, edata_ref, out_ref, ebuf, rows_v, acc):
    c = lax.axis_index("c")
    s = lax.axis_index("s")
    zeros16 = jnp.zeros((16,), jnp.float32)

    @pl.loop(0, _CHUNK)
    def _(i):
        for k in range(_H // 16):
            rows_v[i, pl.ds(16 * k, 16)] = zeros16

    base = s * _ROWS_PER_TILE
    off = 0
    while off < _ROWS_PER_TILE:
        sz = min(_CHUNK, _ROWS_PER_TILE - off)
        pltpu.sync_copy(rows_v.at[pl.ds(0, sz)], acc.at[pl.ds(base + off, sz)])
        off += sz

    @pl.when(s == 0)
    def _():
        pltpu.sync_copy(rows_v.at[pl.ds(0, _ROWS_REM)],
                        acc.at[pl.ds(_NSUB * _ROWS_PER_TILE, _ROWS_REM)])

    plsc.subcore_barrier()

    @pl.loop(0, _CHUNKS)
    def _(j):
        pltpu.sync_copy(edata_ref.at[c, s, j], ebuf)

        pltpu.sync_copy(table_ref.at[ebuf.at[0]], rows_v)

        @pl.loop(0, _CHUNK, step=16)
        def _(g):
            wv = plsc.bitcast(ebuf[2, pl.ds(g, 16)], jnp.float32)
            for t in range(16):
                w = wv[t]
                for k in range(_H // 16):
                    sl = pl.ds(16 * k, 16)
                    rows_v[g + t, sl] = rows_v[g + t, sl] * w

        pltpu.sync_copy(rows_v, acc.at[ebuf.at[1]], add=True)

    plsc.subcore_barrier()
    pltpu.sync_copy(acc.at[pl.ds(base, _ROWS_PER_TILE)],
                    out_ref.at[c, pl.ds(base, _ROWS_PER_TILE)])

    @pl.when(s == 0)
    def _():
        pltpu.sync_copy(acc.at[pl.ds(_NSUB * _ROWS_PER_TILE, _ROWS_REM)],
                        out_ref.at[c, pl.ds(_NSUB * _ROWS_PER_TILE, _ROWS_REM)])


def kernel(feat, edge_index, iw, ow, bn_gamma, bn_beta, W_in, b_in,
           W_out, b_out, Wg_in, bg_in, Wg_out):
    f32 = jnp.float32
    x, table = pl.pallas_call(
        _dense_in_body,
        out_shape=(jax.ShapeDtypeStruct((_N, _H), f32),
                   jax.ShapeDtypeStruct((2 * _N, _H), f32)),
    )(feat, bn_gamma.reshape(1, _H), bn_beta.reshape(1, _H),
      W_in, b_in.reshape(1, _H), W_out, b_out.reshape(1, _H))

    src = edge_index[0]
    dst = edge_index[1]
    pad = _EPAD - _E
    zi = jnp.zeros((pad,), jnp.int32)
    zf = jnp.zeros((pad,), f32)
    src_p = jnp.concatenate([src, zi])
    dst_p = jnp.concatenate([dst, zi])
    gidx = jnp.stack([src_p, dst_p + _N]).reshape(2, _NSUB, _CHUNKS, _CHUNK)
    sidx = jnp.stack([dst_p, src_p]).reshape(2, _NSUB, _CHUNKS, _CHUNK)
    warr = jnp.stack([jnp.concatenate([iw[:, 0], zf]),
                      jnp.concatenate([ow[:, 0], zf])]
                     ).reshape(2, _NSUB, _CHUNKS, _CHUNK)
    edata = jnp.stack(
        [gidx, sidx, lax.bitcast_convert_type(warr, jnp.int32)], axis=3)

    mesh = plsc.VectorSubcoreMesh(core_axis_name="c", subcore_axis_name="s")
    cp = pltpu.CompilerParams()
    if "needs_layout_passes" in pltpu.CompilerParams.__dataclass_fields__:
        cp = dataclasses.replace(cp, needs_layout_passes=False)
    a_io = pl.kernel(
        _sc_edge_body,
        mesh=mesh,
        compiler_params=cp,
        out_type=jax.ShapeDtypeStruct((2, _N, _H), f32),
        scratch_types=[
            pltpu.VMEM((3, _CHUNK), jnp.int32),
            pltpu.VMEM((_CHUNK, _H), f32),
            pltpu.VMEM_SHARED((_N, _H), f32),
        ],
    )(table, edata)

    hn = pl.pallas_call(
        _dense_out_body,
        out_shape=jax.ShapeDtypeStruct((_N, _H), f32),
    )(x, a_io, Wg_in, bg_in.reshape(1, 2 * _H), Wg_out)
    return hn

# --- scband reference (transcript-rebuilt; emitter-appended) ---
"""Pipeline reference for scband-gru-25091198943527 (READ-ONLY COPY).

The authoritative reference and input builder live on the scoring server;
editing this copy changes nothing except your own understanding.
"""

import jax, jax.numpy as jnp
import numpy as np

N = 10000
E = 320000
H = 128


def setup_inputs(seed: int = 0) -> dict:
    key = jax.random.key(seed)
    ks = jax.random.split(key, 13)
    feat = jax.random.normal(ks[0], (N, H), dtype=jnp.float32)
    edge_index = jax.random.randint(ks[1], (2, E), 0, N, dtype=jnp.int32)
    iw = jax.random.uniform(ks[2], (E, 1), dtype=jnp.float32)
    ow = jax.random.uniform(ks[3], (E, 1), dtype=jnp.float32)
    s1 = 1.0 / np.sqrt(H)
    s2 = 1.0 / np.sqrt(2 * H)
    # BatchNorm1d affine params
    bn_gamma = jnp.ones((H,), dtype=jnp.float32)
    bn_beta = jnp.zeros((H,), dtype=jnp.float32)
    # fc_in: Linear(H, H, bias=True)
    W_in = jax.random.normal(ks[4], (H, H), dtype=jnp.float32) * s1
    b_in = jax.random.normal(ks[5], (H,), dtype=jnp.float32) * s1
    # fc_out: Linear(H, H, bias=True)
    W_out = jax.random.normal(ks[6], (H, H), dtype=jnp.float32) * s1
    b_out = jax.random.normal(ks[7], (H,), dtype=jnp.float32) * s1
    # update_gate.f_in: Linear(2H, 2H, bias=True)
    Wg_in = jax.random.normal(ks[8], (2 * H, 2 * H), dtype=jnp.float32) * s2
    bg_in = jax.random.normal(ks[9], (2 * H,), dtype=jnp.float32) * s2
    # update_gate.f_out: Linear(H, 2H, bias=False)
    Wg_out = jax.random.normal(ks[10], (2 * H, H), dtype=jnp.float32) * s1
    return {
        "feat": feat, "edge_index": edge_index, "iw": iw, "ow": ow,
        "bn_gamma": bn_gamma, "bn_beta": bn_beta,
        "W_in": W_in, "b_in": b_in, "W_out": W_out, "b_out": b_out,
        "Wg_in": Wg_in, "bg_in": bg_in, "Wg_out": Wg_out,
    }


def reference(feat, edge_index, iw, ow, bn_gamma, bn_beta,
              W_in, b_in, W_out, b_out, Wg_in, bg_in, Wg_out):
    eps = 1e-5
    # BatchNorm1d (training-mode batch statistics, biased variance like torch)
    mean = jnp.mean(feat, axis=0)
    var = jnp.var(feat, axis=0)
    x = (feat - mean) / jnp.sqrt(var + eps) * bn_gamma + bn_beta
    # input_dim == hidden_dim so fc_i2h is None; num_steps = 1 propagate
    src = edge_index[0]
    dst = edge_index[1]
    feat_in = x @ W_in.T + b_in
    feat_out = x @ W_out.T + b_out
    # u_mul_e_sum on g: gather from src, weight by iw, scatter-add to dst
    a_in = jax.ops.segment_sum(feat_in[src] * iw, dst, num_segments=N)
    # u_mul_e_sum on reverse graph: gather from dst, weight by ow, scatter-add to src
    a_out = jax.ops.segment_sum(feat_out[dst] * ow, src, num_segments=N)
    a = jnp.concatenate([a_in, a_out], axis=1)  # [N, 2H]
    # update_gate
    f = a @ Wg_in.T + bg_in
    f_i = f[:, :H]
    f_n = f[:, H:]
    b = x @ Wg_out.T
    b_z = b[:, :H]
    b_h = b[:, H:]
    input_gate = jax.nn.sigmoid(f_i + b_z)
    new_gate = jnp.tanh(f_n + b_h)
    hn = new_gate + input_gate * (x - new_gate)
    # hidden_dim == output_dim so fc_h2o is None; activation is None
    return hn

if __name__ == "__main__":
    import jax
    _d = setup_inputs()
    print(jax.jit(kernel)(*tuple(_d.values())))

</pallas_src>

<mosaic_0001>
#map = affine_map<(d0, d1) -> (0, 0)>
#map1 = affine_map<(d0, d1) -> (0, 0, 0, 0, 0)>
#map2 = affine_map<(d0, d1) -> (0, 0, 0)>
module attributes {stable_mosaic.version = 14 : i64} {
  func.func @_sc_edge_body(%arg0: i32, %arg1: i32, %arg2: memref<20000x128xf32, #tpu.memory_space<hbm>>, %arg3: memref<2x16x157x3x128xi32, #tpu.memory_space<hbm>>, %arg4: memref<2x10000x128xf32, #tpu.memory_space<hbm>>, %arg5: memref<3x128xi32, #tpu.memory_space<vmem>>, %arg6: memref<128x128xf32, #tpu.memory_space<vmem>>, %arg7: memref<10000x128xf32, #tpu.memory_space<vmem_shared>>) attributes {dimension_semantics = [#tpu.dimension_semantics<core_parallel>, #tpu.dimension_semantics<subcore_parallel>], iteration_bounds = array<i64: 2, 16>, scalar_prefetch = 0 : i64, scratch_operands = 3 : i64, tpu.core_type = #tpu.core_type<sc_vector_subcore>, window_params = [{transform_indices = #map}, {transform_indices = #map1}, {transform_indices = #map2}]} {
    %broadcast_in_dim3A = arith.constant 0.000000e+00 : f32
    %broadcast_in_dim3A_0 = vector.broadcast %broadcast_in_dim3A : f32 to vector<16xf32>
    %scan3A = arith.constant 0 : i32
    %scan3A_1 = arith.constant 128 : i32
    %scan3A_2 = arith.addi %scan3A, %scan3A_1 : i32
    %scan3A_3 = arith.constant 1 : i32
    scf.for %scan3A_28 = %scan3A to %scan3A_2 step %scan3A_3  : i32 {
      %mul3A_29 = arith.constant 1 : i32
      %mul3A_30 = arith.muli %scan3A_28, %mul3A_29 : i32
      %add3A_31 = arith.constant 0 : i32
      %add3A_32 = arith.addi %add3A_31, %mul3A_30 : i32
      %swap3A = arith.index_cast %add3A_32 : i32 to index
      %swap3A_33 = arith.constant 0 : index
      %swap3A_34 = tpu.vector_load %arg6[%swap3A, %swap3A_33] {strides = array<i32>} : memref<128x128xf32, #tpu.memory_space<vmem>>, vector<16xf32>,
      tpu.vector_store %arg6[%swap3A, %swap3A_33], %broadcast_in_dim3A_0 {strides = array<i32>} : memref<128x128xf32, #tpu.memory_space<vmem>>, vector<16xf32>,
      %swap3A_35 = arith.index_cast %add3A_32 : i32 to index
      %swap3A_36 = arith.constant 16 : index
      %swap3A_37 = tpu.vector_load %arg6[%swap3A_35, %swap3A_36] {strides = array<i32>} : memref<128x128xf32, #tpu.memory_space<vmem>>, vector<16xf32>,
      tpu.vector_store %arg6[%swap3A_35, %swap3A_36], %broadcast_in_dim3A_0 {strides = array<i32>} : memref<128x128xf32, #tpu.memory_space<vmem>>, vector<16xf32>,
      %swap3A_38 = arith.index_cast %add3A_32 : i32 to index
      %swap3A_39 = arith.constant 32 : index
      %swap3A_40 = tpu.vector_load %arg6[%swap3A_38, %swap3A_39] {strides = array<i32>} : memref<128x128xf32, #tpu.memory_space<vmem>>, vector<16xf32>,
      tpu.vector_store %arg6[%swap3A_38, %swap3A_39], %broadcast_in_dim3A_0 {strides = array<i32>} : memref<128x128xf32, #tpu.memory_space<vmem>>, vector<16xf32>,
      %swap3A_41 = arith.index_cast %add3A_32 : i32 to index
      %swap3A_42 = arith.constant 48 : index
      %swap3A_43 = tpu.vector_load %arg6[%swap3A_41, %swap3A_42] {strides = array<i32>} : memref<128x128xf32, #tpu.memory_space<vmem>>, vector<16xf32>,
      tpu.vector_store %arg6[%swap3A_41, %swap3A_42], %broadcast_in_dim3A_0 {strides = array<i32>} : memref<128x128xf32, #tpu.memory_space<vmem>>, vector<16xf32>,
      %swap3A_44 = arith.index_cast %add3A_32 : i32 to index
      %swap3A_45 = arith.constant 64 : index
      %swap3A_46 = tpu.vector_load %arg6[%swap3A_44, %swap3A_45] {strides = array<i32>} : memref<128x128xf32, #tpu.memory_space<vmem>>, vector<16xf32>,
      tpu.vector_store %arg6[%swap3A_44, %swap3A_45], %broadcast_in_dim3A_0 {strides = array<i32>} : memref<128x128xf32, #tpu.memory_space<vmem>>, vector<16xf32>,
      %swap3A_47 = arith.index_cast %add3A_32 : i32 to index
      %swap3A_48 = arith.constant 80 : index
      %swap3A_49 = tpu.vector_load %arg6[%swap3A_47, %swap3A_48] {strides = array<i32>} : memref<128x128xf32, #tpu.memory_space<vmem>>, vector<16xf32>,
      tpu.vector_store %arg6[%swap3A_47, %swap3A_48], %broadcast_in_dim3A_0 {strides = array<i32>} : memref<128x128xf32, #tpu.memory_space<vmem>>, vector<16xf32>,
      %swap3A_50 = arith.index_cast %add3A_32 : i32 to index
      %swap3A_51 = arith.constant 96 : index
      %swap3A_52 = tpu.vector_load %arg6[%swap3A_50, %swap3A_51] {strides = array<i32>} : memref<128x128xf32, #tpu.memory_space<vmem>>, vector<16xf32>,
      tpu.vector_store %arg6[%swap3A_50, %swap3A_51], %broadcast_in_dim3A_0 {strides = array<i32>} : memref<128x128xf32, #tpu.memory_space<vmem>>, vector<16xf32>,
      %swap3A_53 = arith.index_cast %add3A_32 : i32 to index
      %swap3A_54 = arith.constant 112 : index
      %swap3A_55 = tpu.vector_load %arg6[%swap3A_53, %swap3A_54] {strides = array<i32>} : memref<128x128xf32, #tpu.memory_space<vmem>>, vector<16xf32>,
      tpu.vector_store %arg6[%swap3A_53, %swap3A_54], %broadcast_in_dim3A_0 {strides = array<i32>} : memref<128x128xf32, #tpu.memory_space<vmem>>, vector<16xf32>,
    }
    %scan3A_4 = arith.constant 128 : i32
    %mul3A = arith.constant 624 : i32
    %mul3A_5 = arith.muli %arg1, %mul3A : i32
    %add3A = arith.constant 0 : i32
    %add3A_6 = arith.addi %mul3A_5, %add3A : i32
    "tpu.region"() ({
      %run_scoped3A = tpu.sem_alloc : memref<!tpu.dma_semaphore, #tpu.memory_space<semaphore_mem>>
      %dma_start3A = arith.constant 0 : i32
      %dma_start3A_28 = arith.constant 0 : i32
      %dma_start3A_29 = tpu.memref_slice %arg6[%dma_start3A, %dma_start3A_28] : memref<128x128xf32, #tpu.memory_space<vmem>> -> memref<128x128xf32, #tpu.memory_space<vmem>>
      %dma_start3A_30 = arith.constant 0 : i32
      %dma_start3A_31 = tpu.memref_slice %arg7[%add3A_6, %dma_start3A_30] : memref<10000x128xf32, #tpu.memory_space<vmem_shared>> -> memref<128x128xf32, #tpu.memory_space<vmem_shared>>
      %dma_start3A_32 = arith.constant 0 : i32
      %dma_start3A_33 = tpu.memref_slice %arg7[%add3A_6, %dma_start3A_32] : memref<10000x128xf32, #tpu.memory_space<vmem_shared>> -> memref<128x128xf32, #tpu.memory_space<vmem_shared>>
      %dma_start3A_34 = arith.constant 0 : i32
      %dma_start3A_35 = arith.constant 0 : i32
      %dma_start3A_36 = tpu.memref_slice %arg6[%dma_start3A_34, %dma_start3A_35] : memref<128x128xf32, #tpu.memory_space<vmem>> -> memref<128x128xf32, #tpu.memory_space<vmem>>
      tpu.enqueue_dma source(%dma_start3A_36 : memref<128x128xf32, #tpu.memory_space<vmem>>) target(%dma_start3A_33 : memref<128x128xf32, #tpu.memory_space<vmem_shared>>) target_semaphore(%run_scoped3A : memref<!tpu.dma_semaphore, #tpu.memory_space<semaphore_mem>>)
      %dma_wait3A = arith.constant 0 : i32
      %dma_wait3A_37 = arith.constant 0 : i32
      %dma_wait3A_38 = tpu.memref_slice %arg6[%dma_wait3A, %dma_wait3A_37] : memref<128x128xf32, #tpu.memory_space<vmem>> -> memref<128x128xf32, #tpu.memory_space<vmem>>
      %dma_wait3A_39 = arith.constant 0 : i32
      %dma_wait3A_40 = tpu.memref_slice %arg7[%add3A_6, %dma_wait3A_39] : memref<10000x128xf32, #tpu.memory_space<vmem_shared>> -> memref<128x128xf32, #tpu.memory_space<vmem_shared>>
      %dma_wait3A_41 = arith.constant 0 : i32
      %dma_wait3A_42 = tpu.memref_slice %arg7[%add3A_6, %dma_wait3A_41] : memref<10000x128xf32, #tpu.memory_space<vmem_shared>> -> memref<128x128xf32, #tpu.memory_space<vmem_shared>>
      %dma_wait3A_43 = arith.constant 0 : i32
      %dma_wait3A_44 = arith.constant 0 : i32
      %dma_wait3A_45 = tpu.memref_slice %arg6[%dma_wait3A_43, %dma_wait3A_44] : memref<128x128xf32, #tpu.memory_space<vmem>> -> memref<128x128xf32, #tpu.memory_space<vmem>>
      tpu.wait_dma2 semaphore(%run_scoped3A : memref<!tpu.dma_semaphore, #tpu.memory_space<semaphore_mem>>) src(%dma_wait3A_45 : memref<128x128xf32, #tpu.memory_space<vmem>>) dst(%dma_wait3A_42 : memref<128x128xf32, #tpu.memory_space<vmem_shared>>)
      tpu.yield
    }) : () -> ()
    %add3A_7 = arith.constant 128 : i32
    %add3A_8 = arith.addi %mul3A_5, %add3A_7 : i32
    "tpu.region"() ({
      %run_scoped3A = tpu.sem_alloc : memref<!tpu.dma_semaphore, #tpu.memory_space<semaphore_mem>>
      %dma_start3A = arith.constant 0 : i32
      %dma_start3A_28 = arith.constant 0 : i32
      %dma_start3A_29 = tpu.memref_slice %arg6[%dma_start3A, %dma_start3A_28] : memref<128x128xf32, #tpu.memory_space<vmem>> -> memref<128x128xf32, #tpu.memory_space<vmem>>
      %dma_start3A_30 = arith.constant 0 : i32
      %dma_start3A_31 = tpu.memref_slice %arg7[%add3A_8, %dma_start3A_30] : memref<10000x128xf32, #tpu.memory_space<vmem_shared>> -> memref<128x128xf32, #tpu.memory_space<vmem_shared>>
      %dma_start3A_32 = arith.constant 0 : i32
      %dma_start3A_33 = tpu.memref_slice %arg7[%add3A_8, %dma_start3A_32] : memref<10000x128xf32, #tpu.memory_space<vmem_shared>> -> memref<128x128xf32, #tpu.memory_space<vmem_shared>>
      %dma_start3A_34 = arith.constant 0 : i32
      %dma_start3A_35 = arith.constant 0 : i32
      %dma_start3A_36 = tpu.memref_slice %arg6[%dma_start3A_34, %dma_start3A_35] : memref<128x128xf32, #tpu.memory_space<vmem>> -> memref<128x128xf32, #tpu.memory_space<vmem>>
      tpu.enqueue_dma source(%dma_start3A_36 : memref<128x128xf32, #tpu.memory_space<vmem>>) target(%dma_start3A_33 : memref<128x128xf32, #tpu.memory_space<vmem_shared>>) target_semaphore(%run_scoped3A : memref<!tpu.dma_semaphore, #tpu.memory_space<semaphore_mem>>)
      %dma_wait3A = arith.constant 0 : i32
      %dma_wait3A_37 = arith.constant 0 : i32
      %dma_wait3A_38 = tpu.memref_slice %arg6[%dma_wait3A, %dma_wait3A_37] : memref<128x128xf32, #tpu.memory_space<vmem>> -> memref<128x128xf32, #tpu.memory_space<vmem>>
      %dma_wait3A_39 = arith.constant 0 : i32
      %dma_wait3A_40 = tpu.memref_slice %arg7[%add3A_8, %dma_wait3A_39] : memref<10000x128xf32, #tpu.memory_space<vmem_shared>> -> memref<128x128xf32, #tpu.memory_space<vmem_shared>>
      %dma_wait3A_41 = arith.constant 0 : i32
      %dma_wait3A_42 = tpu.memref_slice %arg7[%add3A_8, %dma_wait3A_41] : memref<10000x128xf32, #tpu.memory_space<vmem_shared>> -> memref<128x128xf32, #tpu.memory_space<vmem_shared>>
      %dma_wait3A_43 = arith.constant 0 : i32
      %dma_wait3A_44 = arith.constant 0 : i32
      %dma_wait3A_45 = tpu.memref_slice %arg6[%dma_wait3A_43, %dma_wait3A_44] : memref<128x128xf32, #tpu.memory_space<vmem>> -> memref<128x128xf32, #tpu.memory_space<vmem>>
      tpu.wait_dma2 semaphore(%run_scoped3A : memref<!tpu.dma_semaphore, #tpu.memory_space<semaphore_mem>>) src(%dma_wait3A_45 : memref<128x128xf32, #tpu.memory_space<vmem>>) dst(%dma_wait3A_42 : memref<128x128xf32, #tpu.memory_space<vmem_shared>>)
      tpu.yield
    }) : () -> ()
    %add3A_9 = arith.constant 256 : i32
    %add3A_10 = arith.addi %mul3A_5, %add3A_9 : i32
    "tpu.region"() ({
      %run_scoped3A = tpu.sem_alloc : memref<!tpu.dma_semaphore, #tpu.memory_space<semaphore_mem>>
      %dma_start3A = arith.constant 0 : i32
      %dma_start3A_28 = arith.constant 0 : i32
      %dma_start3A_29 = tpu.memref_slice %arg6[%dma_start3A, %dma_start3A_28] : memref<128x128xf32, #tpu.memory_space<vmem>> -> memref<128x128xf32, #tpu.memory_space<vmem>>
      %dma_start3A_30 = arith.constant 0 : i32
      %dma_start3A_31 = tpu.memref_slice %arg7[%add3A_10, %dma_start3A_30] : memref<10000x128xf32, #tpu.memory_space<vmem_shared>> -> memref<128x128xf32, #tpu.memory_space<vmem_shared>>
      %dma_start3A_32 = arith.constant 0 : i32
      %dma_start3A_33 = tpu.memref_slice %arg7[%add3A_10, %dma_start3A_32] : memref<10000x128xf32, #tpu.memory_space<vmem_shared>> -> memref<128x128xf32, #tpu.memory_space<vmem_shared>>
      %dma_start3A_34 = arith.constant 0 : i32
      %dma_start3A_35 = arith.constant 0 : i32
      %dma_start3A_36 = tpu.memref_slice %arg6[%dma_start3A_34, %dma_start3A_35] : memref<128x128xf32, #tpu.memory_space<vmem>> -> memref<128x128xf32, #tpu.memory_space<vmem>>
      tpu.enqueue_dma source(%dma_start3A_36 : memref<128x128xf32, #tpu.memory_space<vmem>>) target(%dma_start3A_33 : memref<128x128xf32, #tpu.memory_space<vmem_shared>>) target_semaphore(%run_scoped3A : memref<!tpu.dma_semaphore, #tpu.memory_space<semaphore_mem>>)
      %dma_wait3A = arith.constant 0 : i32
      %dma_wait3A_37 = arith.constant 0 : i32
      %dma_wait3A_38 = tpu.memref_slice %arg6[%dma_wait3A, %dma_wait3A_37] : memref<128x128xf32, #tpu.memory_space<vmem>> -> memref<128x128xf32, #tpu.memory_space<vmem>>
      %dma_wait3A_39 = arith.constant 0 : i32
      %dma_wait3A_40 = tpu.memref_slice %arg7[%add3A_10, %dma_wait3A_39] : memref<10000x128xf32, #tpu.memory_space<vmem_shared>> -> memref<128x128xf32, #tpu.memory_space<vmem_shared>>
      %dma_wait3A_41 = arith.constant 0 : i32
      %dma_wait3A_42 = tpu.memref_slice %arg7[%add3A_10, %dma_wait3A_41] : memref<10000x128xf32, #tpu.memory_space<vmem_shared>> -> memref<128x128xf32, #tpu.memory_space<vmem_shared>>
      %dma_wait3A_43 = arith.constant 0 : i32
      %dma_wait3A_44 = arith.constant 0 : i32
      %dma_wait3A_45 = tpu.memref_slice %arg6[%dma_wait3A_43, %dma_wait3A_44] : memref<128x128xf32, #tpu.memory_space<vmem>> -> memref<128x128xf32, #tpu.memory_space<vmem>>
      tpu.wait_dma2 semaphore(%run_scoped3A : memref<!tpu.dma_semaphore, #tpu.memory_space<semaphore_mem>>) src(%dma_wait3A_45 : memref<128x128xf32, #tpu.memory_space<vmem>>) dst(%dma_wait3A_42 : memref<128x128xf32, #tpu.memory_space<vmem_shared>>)
      tpu.yield
    }) : () -> ()
    %add3A_11 = arith.constant 384 : i32
    %add3A_12 = arith.addi %mul3A_5, %add3A_11 : i32
    "tpu.region"() ({
      %run_scoped3A = tpu.sem_alloc : memref<!tpu.dma_semaphore, #tpu.memory_space<semaphore_mem>>
      %dma_start3A = arith.constant 0 : i32
      %dma_start3A_28 = arith.constant 0 : i32
      %dma_start3A_29 = tpu.memref_slice %arg6[%dma_start3A, %dma_start3A_28] : memref<128x128xf32, #tpu.memory_space<vmem>> -> memref<128x128xf32, #tpu.memory_space<vmem>>
      %dma_start3A_30 = arith.constant 0 : i32
      %dma_start3A_31 = tpu.memref_slice %arg7[%add3A_12, %dma_start3A_30] : memref<10000x128xf32, #tpu.memory_space<vmem_shared>> -> memref<128x128xf32, #tpu.memory_space<vmem_shared>>
      %dma_start3A_32 = arith.constant 0 : i32
      %dma_start3A_33 = tpu.memref_slice %arg7[%add3A_12, %dma_start3A_32] : memref<10000x128xf32, #tpu.memory_space<vmem_shared>> -> memref<128x128xf32, #tpu.memory_space<vmem_shared>>
      %dma_start3A_34 = arith.constant 0 : i32
      %dma_start3A_35 = arith.constant 0 : i32
      %dma_start3A_36 = tpu.memref_slice %arg6[%dma_start3A_34, %dma_start3A_35] : memref<128x128xf32, #tpu.memory_space<vmem>> -> memref<128x128xf32, #tpu.memory_space<vmem>>
      tpu.enqueue_dma source(%dma_start3A_36 : memref<128x128xf32, #tpu.memory_space<vmem>>) target(%dma_start3A_33 : memref<128x128xf32, #tpu.memory_space<vmem_shared>>) target_semaphore(%run_scoped3A : memref<!tpu.dma_semaphore, #tpu.memory_space<semaphore_mem>>)
      %dma_wait3A = arith.constant 0 : i32
      %dma_wait3A_37 = arith.constant 0 : i32
      %dma_wait3A_38 = tpu.memref_slice %arg6[%dma_wait3A, %dma_wait3A_37] : memref<128x128xf32, #tpu.memory_space<vmem>> -> memref<128x128xf32, #tpu.memory_space<vmem>>
      %dma_wait3A_39 = arith.constant 0 : i32
      %dma_wait3A_40 = tpu.memref_slice %arg7[%add3A_12, %dma_wait3A_39] : memref<10000x128xf32, #tpu.memory_space<vmem_shared>> -> memref<128x128xf32, #tpu.memory_space<vmem_shared>>
      %dma_wait3A_41 = arith.constant 0 : i32
      %dma_wait3A_42 = tpu.memref_slice %arg7[%add3A_12, %dma_wait3A_41] : memref<10000x128xf32, #tpu.memory_space<vmem_shared>> -> memref<128x128xf32, #tpu.memory_space<vmem_shared>>
      %dma_wait3A_43 = arith.constant 0 : i32
      %dma_wait3A_44 = arith.constant 0 : i32
      %dma_wait3A_45 = tpu.memref_slice %arg6[%dma_wait3A_43, %dma_wait3A_44] : memref<128x128xf32, #tpu.memory_space<vmem>> -> memref<128x128xf32, #tpu.memory_space<vmem>>
      tpu.wait_dma2 semaphore(%run_scoped3A : memref<!tpu.dma_semaphore, #tpu.memory_space<semaphore_mem>>) src(%dma_wait3A_45 : memref<128x128xf32, #tpu.memory_space<vmem>>) dst(%dma_wait3A_42 : memref<128x128xf32, #tpu.memory_space<vmem_shared>>)
      tpu.yield
    }) : () -> ()
    %add3A_13 = arith.constant 512 : i32
    %add3A_14 = arith.addi %mul3A_5, %add3A_13 : i32
    "tpu.region"() ({
      %run_scoped3A = tpu.sem_alloc : memref<!tpu.dma_semaphore, #tpu.memory_space<semaphore_mem>>
      %dma_start3A = arith.constant 0 : i32
      %dma_start3A_28 = arith.constant 0 : i32
      %dma_start3A_29 = tpu.memref_slice %arg6[%dma_start3A, %dma_start3A_28] : memref<128x128xf32, #tpu.memory_space<vmem>> -> memref<112x128xf32, #tpu.memory_space<vmem>>
      %dma_start3A_30 = arith.constant 0 : i32
      %dma_start3A_31 = tpu.memref_slice %arg7[%add3A_14, %dma_start3A_30] : memref<10000x128xf32, #tpu.memory_space<vmem_shared>> -> memref<112x128xf32, #tpu.memory_space<vmem_shared>>
      %dma_start3A_32 = arith.constant 0 : i32
      %dma_start3A_33 = tpu.memref_slice %arg7[%add3A_14, %dma_start3A_32] : memref<10000x128xf32, #tpu.memory_space<vmem_shared>> -> memref<112x128xf32, #tpu.memory_space<vmem_shared>>
      %dma_start3A_34 = arith.constant 0 : i32
      %dma_start3A_35 = arith.constant 0 : i32
      %dma_start3A_36 = tpu.memref_slice %arg6[%dma_start3A_34, %dma_start3A_35] : memref<128x128xf32, #tpu.memory_space<vmem>> -> memref<112x128xf32, #tpu.memory_space<vmem>>
      tpu.enqueue_dma source(%dma_start3A_36 : memref<112x128xf32, #tpu.memory_space<vmem>>) target(%dma_start3A_33 : memref<112x128xf32, #tpu.memory_space<vmem_shared>>) target_semaphore(%run_scoped3A : memref<!tpu.dma_semaphore, #tpu.memory_space<semaphore_mem>>)
      %dma_wait3A = arith.constant 0 : i32
      %dma_wait3A_37 = arith.constant 0 : i32
      %dma_wait3A_38 = tpu.memref_slice %arg6[%dma_wait3A, %dma_wait3A_37] : memref<128x128xf32, #tpu.memory_space<vmem>> -> memref<112x128xf32, #tpu.memory_space<vmem>>
      %dma_wait3A_39 = arith.constant 0 : i32
      %dma_wait3A_40 = tpu.memref_slice %arg7[%add3A_14, %dma_wait3A_39] : memref<10000x128xf32, #tpu.memory_space<vmem_shared>> -> memref<112x128xf32, #tpu.memory_space<vmem_shared>>
      %dma_wait3A_41 = arith.constant 0 : i32
      %dma_wait3A_42 = tpu.memref_slice %arg7[%add3A_14, %dma_wait3A_41] : memref<10000x128xf32, #tpu.memory_space<vmem_shared>> -> memref<112x128xf32, #tpu.memory_space<vmem_shared>>
      %dma_wait3A_43 = arith.constant 0 : i32
      %dma_wait3A_44 = arith.constant 0 : i32
      %dma_wait3A_45 = tpu.memref_slice %arg6[%dma_wait3A_43, %dma_wait3A_44] : memref<128x128xf32, #tpu.memory_space<vmem>> -> memref<112x128xf32, #tpu.memory_space<vmem>>
      tpu.wait_dma2 semaphore(%run_scoped3A : memref<!tpu.dma_semaphore, #tpu.memory_space<semaphore_mem>>) src(%dma_wait3A_45 : memref<112x128xf32, #tpu.memory_space<vmem>>) dst(%dma_wait3A_42 : memref<112x128xf32, #tpu.memory_space<vmem_shared>>)
      tpu.yield
    }) : () -> ()
    %eq3A = arith.constant 0 : i32
    %eq3A_15 = arith.cmpi eq, %arg1, %eq3A : i32
    %convert_element_type3A = arith.extui %eq3A_15 : i1 to i32
    %cond3A = arith.constant 0 : i32
    %cond3A_16 = arith.cmpi ne, %convert_element_type3A, %cond3A : i32
    scf.if %cond3A_16 {
      "tpu.region"() ({
        %run_scoped3A = tpu.sem_alloc : memref<!tpu.dma_semaphore, #tpu.memory_space<semaphore_mem>>
        %dma_start3A = arith.constant 0 : i32
        %dma_start3A_28 = arith.constant 0 : i32
        %dma_start3A_29 = tpu.memref_slice %arg6[%dma_start3A, %dma_start3A_28] : memref<128x128xf32, #tpu.memory_space<vmem>> -> memref<16x128xf32, #tpu.memory_space<vmem>>
        %dma_start3A_30 = arith.constant 9984 : i32
        %dma_start3A_31 = arith.constant 0 : i32
        %dma_start3A_32 = tpu.memref_slice %arg7[%dma_start3A_30, %dma_start3A_31] : memref<10000x128xf32, #tpu.memory_space<vmem_shared>> -> memref<16x128xf32, #tpu.memory_space<vmem_shared>>
        %dma_start3A_33 = arith.constant 9984 : i32
        %dma_start3A_34 = arith.constant 0 : i32
        %dma_start3A_35 = tpu.memref_slice %arg7[%dma_start3A_33, %dma_start3A_34] : memref<10000x128xf32, #tpu.memory_space<vmem_shared>> -> memref<16x128xf32, #tpu.memory_space<vmem_shared>>
        %dma_start3A_36 = arith.constant 0 : i32
        %dma_start3A_37 = arith.constant 0 : i32
        %dma_start3A_38 = tpu.memref_slice %arg6[%dma_start3A_36, %dma_start3A_37] : memref<128x128xf32, #tpu.memory_space<vmem>> -> memref<16x128xf32, #tpu.memory_space<vmem>>
        tpu.enqueue_dma source(%dma_start3A_38 : memref<16x128xf32, #tpu.memory_space<vmem>>) target(%dma_start3A_35 : memref<16x128xf32, #tpu.memory_space<vmem_shared>>) target_semaphore(%run_scoped3A : memref<!tpu.dma_semaphore, #tpu.memory_space<semaphore_mem>>)
        %dma_wait3A = arith.constant 0 : i32
        %dma_wait3A_39 = arith.constant 0 : i32
        %dma_wait3A_40 = tpu.memref_slice %arg6[%dma_wait3A, %dma_wait3A_39] : memref<128x128xf32, #tpu.memory_space<vmem>> -> memref<16x128xf32, #tpu.memory_space<vmem>>
        %dma_wait3A_41 = arith.constant 9984 : i32
        %dma_wait3A_42 = arith.constant 0 : i32
        %dma_wait3A_43 = tpu.memref_slice %arg7[%dma_wait3A_41, %dma_wait3A_42] : memref<10000x128xf32, #tpu.memory_space<vmem_shared>> -> memref<16x128xf32, #tpu.memory_space<vmem_shared>>
        %dma_wait3A_44 = arith.constant 9984 : i32
        %dma_wait3A_45 = arith.constant 0 : i32
        %dma_wait3A_46 = tpu.memref_slice %arg7[%dma_wait3A_44, %dma_wait3A_45] : memref<10000x128xf32, #tpu.memory_space<vmem_shared>> -> memref<16x128xf32, #tpu.memory_space<vmem_shared>>
        %dma_wait3A_47 = arith.constant 0 : i32
        %dma_wait3A_48 = arith.constant 0 : i32
        %dma_wait3A_49 = tpu.memref_slice %arg6[%dma_wait3A_47, %dma_wait3A_48] : memref<128x128xf32, #tpu.memory_space<vmem>> -> memref<16x128xf32, #tpu.memory_space<vmem>>
        tpu.wait_dma2 semaphore(%run_scoped3A : memref<!tpu.dma_semaphore, #tpu.memory_space<semaphore_mem>>) src(%dma_wait3A_49 : memref<16x128xf32, #tpu.memory_space<vmem>>) dst(%dma_wait3A_46 : memref<16x128xf32, #tpu.memory_space<vmem_shared>>)
        tpu.yield
      }) : () -> ()
    } else {
    }
    %barrier3A = arith.constant 0 : index
    tpu.barrier barrier_id(%barrier3A)
    %scan3A_17 = arith.constant 0 : i32
    %scan3A_18 = arith.constant 157 : i32
    %scan3A_19 = arith.addi %scan3A_17, %scan3A_18 : i32
    %scan3A_20 = arith.constant 1 : i32
    scf.for %scan3A_28 = %scan3A_17 to %scan3A_19 step %scan3A_20  : i32 {
      %mul3A_29 = arith.constant 1 : i32
      %mul3A_30 = arith.muli %scan3A_28, %mul3A_29 : i32
      %add3A_31 = arith.constant 0 : i32
      %add3A_32 = arith.addi %add3A_31, %mul3A_30 : i32
      "tpu.region"() ({
        %run_scoped3A_39 = tpu.sem_alloc : memref<!tpu.dma_semaphore, #tpu.memory_space<semaphore_mem>>
        %dma_start3A = arith.constant 0 : i32
        %dma_start3A_40 = arith.constant 0 : i32
        %dma_start3A_41 = tpu.memref_slice %arg3[%arg0, %arg1, %add3A_32, %dma_start3A, %dma_start3A_40] : memref<2x16x157x3x128xi32, #tpu.memory_space<hbm>> -> memref<1x1x1x3x128xi32, #tpu.memory_space<hbm>>
        %dma_start3A_42 = tpu.memref_squeeze %dma_start3A_41 : memref<1x1x1x3x128xi32, #tpu.memory_space<hbm>> -> memref<3x128xi32, #tpu.memory_space<hbm>>
        %dma_start3A_43 = arith.constant 0 : i32
        %dma_start3A_44 = arith.constant 0 : i32
        %dma_start3A_45 = tpu.memref_slice %arg3[%arg0, %arg1, %add3A_32, %dma_start3A_43, %dma_start3A_44] : memref<2x16x157x3x128xi32, #tpu.memory_space<hbm>> -> memref<1x1x1x3x128xi32, #tpu.memory_space<hbm>>
        %dma_start3A_46 = tpu.memref_squeeze %dma_start3A_45 : memref<1x1x1x3x128xi32, #tpu.memory_space<hbm>> -> memref<3x128xi32, #tpu.memory_space<hbm>>
        tpu.enqueue_dma source(%dma_start3A_46 : memref<3x128xi32, #tpu.memory_space<hbm>>) target(%arg5 : memref<3x128xi32, #tpu.memory_space<vmem>>) target_semaphore(%run_scoped3A_39 : memref<!tpu.dma_semaphore, #tpu.memory_space<semaphore_mem>>)
        %dma_wait3A = arith.constant 0 : i32
        %dma_wait3A_47 = arith.constant 0 : i32
        %dma_wait3A_48 = tpu.memref_slice %arg3[%arg0, %arg1, %add3A_32, %dma_wait3A, %dma_wait3A_47] : memref<2x16x157x3x128xi32, #tpu.memory_space<hbm>> -> memref<1x1x1x3x128xi32, #tpu.memory_space<hbm>>
        %dma_wait3A_49 = tpu.memref_squeeze %dma_wait3A_48 : memref<1x1x1x3x128xi32, #tpu.memory_space<hbm>> -> memref<3x128xi32, #tpu.memory_space<hbm>>
        %dma_wait3A_50 = arith.constant 0 : i32
        %dma_wait3A_51 = arith.constant 0 : i32
        %dma_wait3A_52 = tpu.memref_slice %arg3[%arg0, %arg1, %add3A_32, %dma_wait3A_50, %dma_wait3A_51] : memref<2x16x157x3x128xi32, #tpu.memory_space<hbm>> -> memref<1x1x1x3x128xi32, #tpu.memory_space<hbm>>
        %dma_wait3A_53 = tpu.memref_squeeze %dma_wait3A_52 : memref<1x1x1x3x128xi32, #tpu.memory_space<hbm>> -> memref<3x128xi32, #tpu.memory_space<hbm>>
        tpu.wait_dma2 semaphore(%run_scoped3A_39 : memref<!tpu.dma_semaphore, #tpu.memory_space<semaphore_mem>>) src(%dma_wait3A_53 : memref<3x128xi32, #tpu.memory_space<hbm>>) dst(%arg5 : memref<3x128xi32, #tpu.memory_space<vmem>>)
        tpu.yield
      }) : () -> ()
      %run_scoped3A = arith.constant 0 : i32
      "tpu.region"() ({
        %run_scoped3A_39 = tpu.sem_alloc : memref<!tpu.dma_semaphore, #tpu.memory_space<semaphore_mem>>
        %dma_start3A = arith.constant 0 : i32
        %dma_start3A_40 = tpu.memref_slice %arg5[%run_scoped3A, %dma_start3A] : memref<3x128xi32, #tpu.memory_space<vmem>> -> memref<1x128xi32, #tpu.memory_space<vmem>>
        %dma_start3A_41 = tpu.memref_squeeze %dma_start3A_40 : memref<1x128xi32, #tpu.memory_space<vmem>> -> memref<128xi32, #tpu.memory_space<vmem>>
        %dma_start3A_42 = arith.constant 0 : i32
        %dma_start3A_43 = arith.constant 0 : i32
        %dma_start3A_44 = tpu.memref_slice %arg2[%dma_start3A_42, %dma_start3A_43] : memref<20000x128xf32, #tpu.memory_space<hbm>> -> memref<20000x128xf32, #tpu.memory_space<hbm>>
        tpu.enqueue_indirect_dma source(%dma_start3A_44 : memref<20000x128xf32, #tpu.memory_space<hbm>>) target(%arg6 : memref<128x128xf32, #tpu.memory_space<vmem>>) offsets(%dma_start3A_41 : memref<128xi32, #tpu.memory_space<vmem>>) semaphore(%run_scoped3A_39 : memref<!tpu.dma_semaphore, #tpu.memory_space<semaphore_mem>>)
        %dma_wait3A = arith.constant 0 : i32
        %dma_wait3A_45 = tpu.memref_slice %arg5[%run_scoped3A, %dma_wait3A] : memref<3x128xi32, #tpu.memory_space<vmem>> -> memref<1x128xi32, #tpu.memory_space<vmem>>
        %dma_wait3A_46 = tpu.memref_squeeze %dma_wait3A_45 : memref<1x128xi32, #tpu.memory_space<vmem>> -> memref<128xi32, #tpu.memory_space<vmem>>
        %dma_wait3A_47 = arith.constant 0 : i32
        %dma_wait3A_48 = arith.constant 0 : i32
        %dma_wait3A_49 = tpu.memref_slice %arg2[%dma_wait3A_47, %dma_wait3A_48] : memref<20000x128xf32, #tpu.memory_space<hbm>> -> memref<20000x128xf32, #tpu.memory_space<hbm>>
        tpu.wait_indirect_dma semaphore(%run_scoped3A_39 : memref<!tpu.dma_semaphore, #tpu.memory_space<semaphore_mem>>) src(%dma_wait3A_49 : memref<20000x128xf32, #tpu.memory_space<hbm>>) dst(%arg6 : memref<128x128xf32, #tpu.memory_space<vmem>>)
        tpu.yield
      }) : () -> ()
      %scan3A_33 = arith.constant 0 : i32
      %scan3A_34 = arith.constant 8 : i32
      %scan3A_35 = arith.addi %scan3A_33, %scan3A_34 : i32
      %scan3A_36 = arith.constant 1 : i32
      scf.for %scan3A_39 = %scan3A_33 to %scan3A_35 step %scan3A_36  : i32 {
        %mul3A_40 = arith.constant 16 : i32
        %mul3A_41 = arith.muli %scan3A_39, %mul3A_40 : i32
        %add3A_42 = arith.constant 0 : i32
        %add3A_43 = arith.addi %add3A_42, %mul3A_41 : i32
        %get3A = arith.constant 2 : i32
        %get3A_44 = arith.index_cast %get3A : i32 to index
        %get3A_45 = arith.index_cast %add3A_43 : i32 to index
        %get3A_46 = tpu.vector_load %arg5[%get3A_44, %get3A_45] {strides = array<i32>} : memref<3x128xi32, #tpu.memory_space<vmem>>, vector<16xi32>,
        %bitcast3A = vector.bitcast %get3A_46 : vector<16xi32> to vector<16xf32>
        %slice3A = vector.extract_strided_slice %bitcast3A {offsets = [0], sizes = [1], strides = [1]} : vector<16xf32> to vector<1xf32>
        %squeeze3A = vector.extract %slice3A[0] : f32 from vector<1xf32>
        %add3A_47 = arith.constant 0 : i32
        %add3A_48 = arith.addi %add3A_43, %add3A_47 : i32
        %get3A_49 = arith.index_cast %add3A_48 : i32 to index
        %get3A_50 = arith.constant 0 : index
        %get3A_51 = tpu.vector_load %arg6[%get3A_49, %get3A_50] {strides = array<i32>} : memref<128x128xf32, #tpu.memory_space<vmem>>, vector<16xf32>,
        %mul3A_52 = vector.broadcast %squeeze3A : f32 to vector<16xf32>
        %mul3A_53 = arith.mulf %get3A_51, %mul3A_52 : vector<16xf32>
        %add3A_54 = arith.constant 0 : i32
        %add3A_55 = arith.addi %add3A_43, %add3A_54 : i32
        %swap3A = arith.index_cast %add3A_55 : i32 to index
        %swap3A_56 = arith.constant 0 : index
        %swap3A_57 = tpu.vector_load %arg6[%swap3A, %swap3A_56] {strides = array<i32>} : memref<128x128xf32, #tpu.memory_space<vmem>>, vector<16xf32>,
        tpu.vector_store %arg6[%swap3A, %swap3A_56], %mul3A_53 {strides = array<i32>} : memref<128x128xf32, #tpu.memory_space<vmem>>, vector<16xf32>,
        %add3A_58 = arith.constant 0 : i32
        %add3A_59 = arith.addi %add3A_43, %add3A_58 : i32
        %get3A_60 = arith.index_cast %add3A_59 : i32 to index
        %get3A_61 = arith.constant 16 : index
        %get3A_62 = tpu.vector_load %arg6[%get3A_60, %get3A_61] {strides = array<i32>} : memref<128x128xf32, #tpu.memory_space<vmem>>, vector<16xf32>,
        %mul3A_63 = vector.broadcast %squeeze3A : f32 to vector<16xf32>
        %mul3A_64 = arith.mulf %get3A_62, %mul3A_63 : vector<16xf32>
        %add3A_65 = arith.constant 0 : i32
        %add3A_66 = arith.addi %add3A_43, %add3A_65 : i32
        %swap3A_67 = arith.index_cast %add3A_66 : i32 to index
        %swap3A_68 = arith.constant 16 : index
        %swap3A_69 = tpu.vector_load %arg6[%swap3A_67, %swap3A_68] {strides = array<i32>} : memref<128x128xf32, #tpu.memory_space<vmem>>, vector<16xf32>,
        tpu.vector_store %arg6[%swap3A_67, %swap3A_68], %mul3A_64 {strides = array<i32>} : memref<128x128xf32, #tpu.memory_space<vmem>>, vector<16xf32>,
        %add3A_70 = arith.constant 0 : i32
        %add3A_71 = arith.addi %add3A_43, %add3A_70 : i32
        %get3A_72 = arith.index_cast %add3A_71 : i32 to index
        %get3A_73 = arith.constant 32 : index
        %get3A_74 = tpu.vector_load %arg6[%get3A_72, %get3A_73] {strides = array<i32>} : memref<128x128xf32, #tpu.memory_space<vmem>>, vector<16xf32>,
        %mul3A_75 = vector.broadcast %squeeze3A : f32 to vector<16xf32>
        %mul3A_76 = arith.mulf %get3A_74, %mul3A_75 : vector<16xf32>
        %add3A_77 = arith.constant 0 : i32
        %add3A_78 = arith.addi %add3A_43, %add3A_77 : i32
        %swap3A_79 = arith.index_cast %add3A_78 : i32 to index
        %swap3A_80 = arith.constant 32 : index
        %swap3A_81 = tpu.vector_load %arg6[%swap3A_79, %swap3A_80] {strides = array<i32>} : memref<128x128xf32, #tpu.memory_space<vmem>>, vector<16xf32>,
        tpu.vector_store %arg6[%swap3A_79, %swap3A_80], %mul3A_76 {strides = array<i32>} : memref<128x128xf32, #tpu.memory_space<vmem>>, vector<16xf32>,
        %add3A_82 = arith.constant 0 : i32
        %add3A_83 = arith.addi %add3A_43, %add3A_82 : i32
        %get3A_84 = arith.index_cast %add3A_83 : i32 to index
        %get3A_85 = arith.constant 48 : index
        %get3A_86 = tpu.vector_load %arg6[%get3A_84, %get3A_85] {strides = array<i32>} : memref<128x128xf32, #tpu.memory_space<vmem>>, vector<16xf32>,
        %mul3A_87 = vector.broadcast %squeeze3A : f32 to vector<16xf32>
        %mul3A_88 = arith.mulf %get3A_86, %mul3A_87 : vector<16xf32>
        %add3A_89 = arith.constant 0 : i32
        %add3A_90 = arith.addi %add3A_43, %add3A_89 : i32
        %swap3A_91 = arith.index_cast %add3A_90 : i32 to index
        %swap3A_92 = arith.constant 48 : index
        %swap3A_93 = tpu.vector_load %arg6[%swap3A_91, %swap3A_92] {strides = array<i32>} : memref<128x128xf32, #tpu.memory_space<vmem>>, vector<16xf32>,
        tpu.vector_store %arg6[%swap3A_91, %swap3A_92], %mul3A_88 {strides = array<i32>} : memref<128x128xf32, #tpu.memory_space<vmem>>, vector<16xf32>,
        %add3A_94 = arith.constant 0 : i32
        %add3A_95 = arith.addi %add3A_43, %add3A_94 : i32
        %get3A_96 = arith.index_cast %add3A_95 : i32 to index
        %get3A_97 = arith.constant 64 : index
        %get3A_98 = tpu.vector_load %arg6[%get3A_96, %get3A_97] {strides = array<i32>} : memref<128x128xf32, #tpu.memory_space<vmem>>, vector<16xf32>,
        %mul3A_99 = vector.broadcast %squeeze3A : f32 to vector<16xf32>
        %mul3A_100 = arith.mulf %get3A_98, %mul3A_99 : vector<16xf32>
        %add3A_101 = arith.constant 0 : i32
        %add3A_102 = arith.addi %add3A_43, %add3A_101 : i32
        %swap3A_103 = arith.index_cast %add3A_102 : i32 to index
        %swap3A_104 = arith.constant 64 : index
        %swap3A_105 = tpu.vector_load %arg6[%swap3A_103, %swap3A_104] {strides = array<i32>} : memref<128x128xf32, #tpu.memory_space<vmem>>, vector<16xf32>,
        tpu.vector_store %arg6[%swap3A_103, %swap3A_104], %mul3A_100 {strides = array<i32>} : memref<128x128xf32, #tpu.memory_space<vmem>>, vector<16xf32>,
        %add3A_106 = arith.constant 0 : i32
        %add3A_107 = arith.addi %add3A_43, %add3A_106 : i32
        %get3A_108 = arith.index_cast %add3A_107 : i32 to index
        %get3A_109 = arith.constant 80 : index
        %get3A_110 = tpu.vector_load %arg6[%get3A_108, %get3A_109] {strides = array<i32>} : memref<128x128xf32, #tpu.memory_space<vmem>>, vector<16xf32>,
        %mul3A_111 = vector.broadcast %squeeze3A : f32 to vector<16xf32>
        %mul3A_112 = arith.mulf %get3A_110, %mul3A_111 : vector<16xf32>
        %add3A_113 = arith.constant 0 : i32
        %add3A_114 = arith.addi %add3A_43, %add3A_113 : i32
        %swap3A_115 = arith.index_cast %add3A_114 : i32 to index
        %swap3A_116 = arith.constant 80 : index
        %swap3A_117 = tpu.vector_load %arg6[%swap3A_115, %swap3A_116] {strides = array<i32>} : memref<128x128xf32, #tpu.memory_space<vmem>>, vector<16xf32>,
        tpu.vector_store %arg6[%swap3A_115, %swap3A_116], %mul3A_112 {strides = array<i32>} : memref<128x128xf32, #tpu.memory_space<vmem>>, vector<16xf32>,
        %add3A_118 = arith.constant 0 : i32
        %add3A_119 = arith.addi %add3A_43, %add3A_118 : i32
        %get3A_120 = arith.index_cast %add3A_119 : i32 to index
        %get3A_121 = arith.constant 96 : index
        %get3A_122 = tpu.vector_load %arg6[%get3A_120, %get3A_121] {strides = array<i32>} : memref<128x128xf32, #tpu.memory_space<vmem>>, vector<16xf32>,
        %mul3A_123 = vector.broadcast %squeeze3A : f32 to vector<16xf32>
        %mul3A_124 = arith.mulf %get3A_122, %mul3A_123 : vector<16xf32>
        %add3A_125 = arith.constant 0 : i32
        %add3A_126 = arith.addi %add3A_43, %add3A_125 : i32
        %swap3A_127 = arith.index_cast %add3A_126 : i32 to index
        %swap3A_128 = arith.constant 96 : index
        %swap3A_129 = tpu.vector_load %arg6[%swap3A_127, %swap3A_128] {strides = array<i32>} : memref<128x128xf32, #tpu.memory_space<vmem>>, vector<16xf32>,
        tpu.vector_store %arg6[%swap3A_127, %swap3A_128], %mul3A_124 {strides = array<i32>} : memref<128x128xf32, #tpu.memory_space<vmem>>, vector<16xf32>,
        %add3A_130 = arith.constant 0 : i32
        %add3A_131 = arith.addi %add3A_43, %add3A_130 : i32
        %get3A_132 = arith.index_cast %add3A_131 : i32 to index
        %get3A_133 = arith.constant 112 : index
        %get3A_134 = tpu.vector_load %arg6[%get3A_132, %get3A_133] {strides = array<i32>} : memref<128x128xf32, #tpu.memory_space<vmem>>, vector<16xf32>,
        %mul3A_135 = vector.broadcast %squeeze3A : f32 to vector<16xf32>
        %mul3A_136 = arith.mulf %get3A_134, %mul3A_135 : vector<16xf32>
        %add3A_137 = arith.constant 0 : i32
        %add3A_138 = arith.addi %add3A_43, %add3A_137 : i32
        %swap3A_139 = arith.index_cast %add3A_138 : i32 to index
        %swap3A_140 = arith.constant 112 : index
        %swap3A_141 = tpu.vector_load %arg6[%swap3A_139, %swap3A_140] {strides = array<i32>} : memref<128x128xf32, #tpu.memory_space<vmem>>, vector<16xf32>,
        tpu.vector_store %arg6[%swap3A_139, %swap3A_140], %mul3A_136 {strides = array<i32>} : memref<128x128xf32, #tpu.memory_space<vmem>>, vector<16xf32>,
        %slice3A_142 = vector.extract_strided_slice %bitcast3A {offsets = [1], sizes = [1], strides = [1]} : vector<16xf32> to vector<1xf32>
        %squeeze3A_143 = vector.extract %slice3A_142[0] : f32 from vector<1xf32>
        %add3A_144 = arith.constant 1 : i32
        %add3A_145 = arith.addi %add3A_43, %add3A_144 : i32
        %get3A_146 = arith.index_cast %add3A_145 : i32 to index
        %get3A_147 = arith.constant 0 : index
        %get3A_148 = tpu.vector_load %arg6[%get3A_146, %get3A_147] {strides = array<i32>} : memref<128x128xf32, #tpu.memory_space<vmem>>, vector<16xf32>,
        %mul3A_149 = vector.broadcast %squeeze3A_143 : f32 to vector<16xf32>
        %mul3A_150 = arith.mulf %get3A_148, %mul3A_149 : vector<16xf32>
        %add3A_151 = arith.constant 1 : i32
        %add3A_152 = arith.addi %add3A_43, %add3A_151 : i32
        %swap3A_153 = arith.index_cast %add3A_152 : i32 to index
        %swap3A_154 = arith.constant 0 : index
        %swap3A_155 = tpu.vector_load %arg6[%swap3A_153, %swap3A_154] {strides = array<i32>} : memref<128x128xf32, #tpu.memory_space<vmem>>, vector<16xf32>,
        tpu.vector_store %arg6[%swap3A_153, %swap3A_154], %mul3A_150 {strides = array<i32>} : memref<128x128xf32, #tpu.memory_space<vmem>>, vector<16xf32>,
        %add3A_156 = arith.constant 1 : i32
        %add3A_157 = arith.addi %add3A_43, %add3A_156 : i32
        %get3A_158 = arith.index_cast %add3A_157 : i32 to index
        %get3A_159 = arith.constant 16 : index
        %get3A_160 = tpu.vector_load %arg6[%get3A_158, %get3A_159] {strides = array<i32>} : memref<128x128xf32, #tpu.memory_space<vmem>>, vector<16xf32>,
        %mul3A_161 = vector.broadcast %squeeze3A_143 : f32 to vector<16xf32>
        %mul3A_162 = arith.mulf %get3A_160, %mul3A_161 : vector<16xf32>
        %add3A_163 = arith.constant 1 : i32
        %add3A_164 = arith.addi %add3A_43, %add3A_163 : i32
        %swap3A_165 = arith.index_cast %add3A_164 : i32 to index
        %swap3A_166 = arith.constant 16 : index
        %swap3A_167 = tpu.vector_load %arg6[%swap3A_165, %swap3A_166] {strides = array<i32>} : memref<128x128xf32, #tpu.memory_space<vmem>>, vector<16xf32>,
        tpu.vector_store %arg6[%swap3A_165, %swap3A_166], %mul3A_162 {strides = array<i32>} : memref<128x128xf32, #tpu.memory_space<vmem>>, vector<16xf32>,
        %add3A_168 = arith.constant 1 : i32
        %add3A_169 = arith.addi %add3A_43, %add3A_168 : i32
        %get3A_170 = arith.index_cast %add3A_169 : i32 to index
        %get3A_171 = arith.constant 32 : index
        %get3A_172 = tpu.vector_load %arg6[%get3A_170, %get3A_171] {strides = array<i32>} : memref<128x128xf32, #tpu.memory_space<vmem>>, vector<16xf32>,
        %mul3A_173 = vector.broadcast %squeeze3A_143 : f32 to vector<16xf32>
        %mul3A_174 = arith.mulf %get3A_172, %mul3A_173 : vector<16xf32>
        %add3A_175 = arith.constant 1 : i32
        %add3A_176 = arith.addi %add3A_43, %add3A_175 : i32
        %swap3A_177 = arith.index_cast %add3A_176 : i32 to index
        %swap3A_178 = arith.constant 32 : index
        %swap3A_179 = tpu.vector_load %arg6[%swap3A_177, %swap3A_178] {strides = array<i32>} : memref<128x128xf32, #tpu.memory_space<vmem>>, vector<16xf32>,
        tpu.vector_store %arg6[%swap3A_177, %swap3A_178], %mul3A_174 {strides = array<i32>} : memref<128x128xf32, #tpu.memory_space<vmem>>, vector<16xf32>,
        %add3A_180 = arith.constant 1 : i32
        %add3A_181 = arith.addi %add3A_43, %add3A_180 : i32
        %get3A_182 = arith.index_cast %add3A_181 : i32 to index
        %get3A_183 = arith.constant 48 : index
        %get3A_184 = tpu.vector_load %arg6[%get3A_182, %get3A_183] {strides = array<i32>} : memref<128x128xf32, #tpu.memory_space<vmem>>, vector<16xf32>,
        %mul3A_185 = vector.broadcast %squeeze3A_143 : f32 to vector<16xf32>
        %mul3A_186 = arith.mulf %get3A_184, %mul3A_185 : vector<16xf32>
        %add3A_187 = arith.constant 1 : i32
        %add3A_188 = arith.addi %add3A_43, %add3A_187 : i32
        %swap3A_189 = arith.index_cast %add3A_188 : i32 to index
        %swap3A_190 = arith.constant 48 : index
        %swap3A_191 = tpu.vector_load %arg6[%swap3A_189, %swap3A_190] {strides = array<i32>} : memref<128x128xf32, #tpu.memory_space<vmem>>, vector<16xf32>,
        tpu.vector_store %arg6[%swap3A_189, %swap3A_190], %mul3A_186 {strides = array<i32>} : memref<128x128xf32, #tpu.memory_space<vmem>>, vector<16xf32>,
        %add3A_192 = arith.constant 1 : i32
        %add3A_193 = arith.addi %add3A_43, %add3A_192 : i32
        %get3A_194 = arith.index_cast %add3A_193 : i32 to index
        %get3A_195 = arith.constant 64 : index
        %get3A_196 = tpu.vector_load %arg6[%get3A_194, %get3A_195] {strides = array<i32>} : memref<128x128xf32, #tpu.memory_space<vmem>>, vector<16xf32>,
        %mul3A_197 = vector.broadcast %squeeze3A_143 : f32 to vector<16xf32>
        %mul3A_198 = arith.mulf %get3A_196, %mul3A_197 : vector<16xf32>
        %add3A_199 = arith.constant 1 : i32
        %add3A_200 = arith.addi %add3A_43, %add3A_199 : i32
        %swap3A_201 = arith.index_cast %add3A_200 : i32 to index
        %swap3A_202 = arith.constant 64 : index
        %swap3A_203 = tpu.vector_load %arg6[%swap3A_201, %swap3A_202] {strides = array<i32>} : memref<128x128xf32, #tpu.memory_space<vmem>>, vector<16xf32>,
        tpu.vector_store %arg6[%swap3A_201, %swap3A_202], %mul3A_198 {strides = array<i32>} : memref<128x128xf32, #tpu.memory_space<vmem>>, vector<16xf32>,
        %add3A_204 = arith.constant 1 : i32
        %add3A_205 = arith.addi %add3A_43, %add3A_204 : i32
        %get3A_206 = arith.index_cast %add3A_205 : i32 to index
        %get3A_207 = arith.constant 80 : index
        %get3A_208 = tpu.vector_load %arg6[%get3A_206, %get3A_207] {strides = array<i32>} : memref<128x128xf32, #tpu.memory_space<vmem>>, vector<16xf32>,
        %mul3A_209 = vector.broadcast %squeeze3A_143 : f32 to vector<16xf32>
        %mul3A_210 = arith.mulf %get3A_208, %mul3A_209 : vector<16xf32>
        %add3A_211 = arith.constant 1 : i32
        %add3A_212 = arith.addi %add3A_43, %add3A_211 : i32
        %swap3A_213 = arith.index_cast %add3A_212 : i32 to index
        %swap3A_214 = arith.constant 80 : index
        %swap3A_215 = tpu.vector_load %arg6[%swap3A_213, %swap3A_214] {strides = array<i32>} : memref<128x128xf32, #tpu.memory_space<vmem>>, vector<16xf32>,
        tpu.vector_store %arg6[%swap3A_213, %swap3A_214], %mul3A_210 {strides = array<i32>} : memref<128x128xf32, #tpu.memory_space<vmem>>, vector<16xf32>,
        %add3A_216 = arith.constant 1 : i32
        %add3A_217 = arith.addi %add3A_43, %add3A_216 : i32
        %get3A_218 = arith.index_cast %add3A_217 : i32 to index
        %get3A_219 = arith.constant 96 : index
        %get3A_220 = tpu.vector_load %arg6[%get3A_218, %get3A_219] {strides = array<i32>} : memref<128x128xf32, #tpu.memory_space<vmem>>, vector<16xf32>,
        %mul3A_221 = vector.broadcast %squeeze3A_143 : f32 to vector<16xf32>
        %mul3A_222 = arith.mulf %get3A_220, %mul3A_221 : vector<16xf32>
        %add3A_223 = arith.constant 1 : i32
        %add3A_224 = arith.addi %add3A_43, %add3A_223 : i32
        %swap3A_225 = arith.index_cast %add3A_224 : i32 to index
        %swap3A_226 = arith.constant 96 : index
        %swap3A_227 = tpu.vector_load %arg6[%swap3A_225, %swap3A_226] {strides = array<i32>} : memref<128x128xf32, #tpu.memory_space<vmem>>, vector<16xf32>,
        tpu.vector_store %arg6[%swap3A_225, %swap3A_226], %mul3A_222 {strides = array<i32>} : memref<128x128xf32, #tpu.memory_space<vmem>>, vector<16xf32>,
        %add3A_228 = arith.constant 1 : i32
        %add3A_229 = arith.addi %add3A_43, %add3A_228 : i32
        %get3A_230 = arith.index_cast %add3A_229 : i32 to index
        %get3A_231 = arith.constant 112 : index
        %get3A_232 = tpu.vector_load %arg6[%get3A_230, %get3A_231] {strides = array<i32>} : memref<128x128xf32, #tpu.memory_space<vmem>>, vector<16xf32>,
        %mul3A_233 = vector.broadcast %squeeze3A_143 : f32 to vector<16xf32>
        %mul3A_234 = arith.mulf %get3A_232, %mul3A_233 : vector<16xf32>
        %add3A_235 = arith.constant 1 : i32
        %add3A_236 = arith.addi %add3A_43, %add3A_235 : i32
        %swap3A_237 = arith.index_cast %add3A_236 : i32 to index
        %swap3A_238 = arith.constant 112 : index
        %swap3A_239 = tpu.vector_load %arg6[%swap3A_237, %swap3A_238] {strides = array<i32>} : memref<128x128xf32, #tpu.memory_space<vmem>>, vector<16xf32>,
        tpu.vector_store %arg6[%swap3A_237, %swap3A_238], %mul3A_234 {strides = array<i32>} : memref<128x128xf32, #tpu.memory_space<vmem>>, vector<16xf32>,
        %slice3A_240 = vector.extract_strided_slice %bitcast3A {offsets = [2], sizes = [1], strides = [1]} : vector<16xf32> to vector<1xf32>
        %squeeze3A_241 = vector.extract %slice3A_240[0] : f32 from vector<1xf32>
        %add3A_242 = arith.constant 2 : i32
        %add3A_243 = arith.addi %add3A_43, %add3A_242 : i32
        %get3A_244 = arith.index_cast %add3A_243 : i32 to index
        %get3A_245 = arith.constant 0 : index
        %get3A_246 = tpu.vector_load %arg6[%get3A_244, %get3A_245] {strides = array<i32>} : memref<128x128xf32, #tpu.memory_space<vmem>>, vector<16xf32>,
        %mul3A_247 = vector.broadcast %squeeze3A_241 : f32 to vector<16xf32>
        %mul3A_248 = arith.mulf %get3A_246, %mul3A_247 : vector<16xf32>
        %add3A_249 = arith.constant 2 : i32
        %add3A_250 = arith.addi %add3A_43, %add3A_249 : i32
        %swap3A_251 = arith.index_cast %add3A_250 : i32 to index
        %swap3A_252 = arith.constant 0 : index
        %swap3A_253 = tpu.vector_load %arg6[%swap3A_251, %swap3A_252] {strides = array<i32>} : memref<128x128xf32, #tpu.memory_space<vmem>>, vector<16xf32>,
        tpu.vector_store %arg6[%swap3A_251, %swap3A_252], %mul3A_248 {strides = array<i32>} : memref<128x128xf32, #tpu.memory_space<vmem>>, vector<16xf32>,
        %add3A_254 = arith.constant 2 : i32
        %add3A_255 = arith.addi %add3A_43, %add3A_254 : i32
        %get3A_256 = arith.index_cast %add3A_255 : i32 to index
        %get3A_257 = arith.constant 16 : index
        %get3A_258 = tpu.vector_load %arg6[%get3A_256, %get3A_257] {strides = array<i32>} : memref<128x128xf32, #tpu.memory_space<vmem>>, vector<16xf32>,
        %mul3A_259 = vector.broadcast %squeeze3A_241 : f32 to vector<16xf32>
        %mul3A_260 = arith.mulf %get3A_258, %mul3A_259 : vector<16xf32>
        %add3A_261 = arith.constant 2 : i32
        %add3A_262 = arith.addi %add3A_43, %add3A_261 : i32
        %swap3A_263 = arith.index_cast %add3A_262 : i32 to index
        %swap3A_264 = arith.constant 16 : index
        %swap3A_265 = tpu.vector_load %arg6[%swap3A_263, %swap3A_264] {strides = array<i32>} : memref<128x128xf32, #tpu.memory_space<vmem>>, vector<16xf32>,
        tpu.vector_store %arg6[%swap3A_263, %swap3A_264], %mul3A_260 {strides = array<i32>} : memref<128x128xf32, #tpu.memory_space<vmem>>, vector<16xf32>,
        %add3A_266 = arith.constant 2 : i32
        %add3A_267 = arith.addi %add3A_43, %add3A_266 : i32
        %get3A_268 = arith.index_cast %add3A_267 : i32 to index
        %get3A_269 = arith.constant 32 : index
        %get3A_270 = tpu.vector_load %arg6[%get3A_268, %get3A_269] {strides = array<i32>} : memref<128x128xf32, #tpu.memory_space<vmem>>, vector<16xf32>,
        %mul3A_271 = vector.broadcast %squeeze3A_241 : f32 to vector<16xf32>
        %mul3A_272 = arith.mulf %get3A_270, %mul3A_271 : vector<16xf32>
        %add3A_273 = arith.constant 2 : i32
        %add3A_274 = arith.addi %add3A_43, %add3A_273 : i32
        %swap3A_275 = arith.index_cast %add3A_274 : i32 to index
        %swap3A_276 = arith.constant 32 : index
        %swap3A_277 = tpu.vector_load %arg6[%swap3A_275, %swap3A_276] {strides = array<i32>} : memref<128x128xf32, #tpu.memory_space<vmem>>, vector<16xf32>,
        tpu.vector_store %arg6[%swap3A_275, %swap3A_276], %mul3A_272 {strides = array<i32>} : memref<128x128xf32, #tpu.memory_space<vmem>>, vector<16xf32>,
        %add3A_278 = arith.constant 2 : i32
        %add3A_279 = arith.addi %add3A_43, %add3A_278 : i32
        %get3A_280 = arith.index_cast %add3A_279 : i32 to index
        %get3A_281 = arith.constant 48 : index
        %get3A_282 = tpu.vector_load %arg6[%get3A_280, %get3A_281] {strides = array<i32>} : memref<128x128xf32, #tpu.memory_space<vmem>>, vector<16xf32>,
        %mul3A_283 = vector.broadcast %squeeze3A_241 : f32 to vector<16xf32>
        %mul3A_284 = arith.mulf %get3A_282, %mul3A_283 : vector<16xf32>
        %add3A_285 = arith.constant 2 : i32
        %add3A_286 = arith.addi %add3A_43, %add3A_285 : i32
        %swap3A_287 = arith.index_cast %add3A_286 : i32 to index
        %swap3A_288 = arith.constant 48 : index
        %swap3A_289 = tpu.vector_load %arg6[%swap3A_287, %swap3A_288] {strides = array<i32>} : memref<128x128xf32, #tpu.memory_space<vmem>>, vector<16xf32>,
        tpu.vector_store %arg6[%swap3A_287, %swap3A_288], %mul3A_284 {strides = array<i32>} : memref<128x128xf32, #tpu.memory_space<vmem>>, vector<16xf32>,
        %add3A_290 = arith.constant 2 : i32
        %add3A_291 = arith.addi %add3A_43, %add3A_290 : i32
        %get3A_292 = arith.index_cast %add3A_291 : i32 to index
        %get3A_293 = arith.constant 64 : index
        %get3A_294 = tpu.vector_load %arg6[%get3A_292, %get3A_293] {strides = array<i32>} : memref<128x128xf32, #tpu.memory_space<vmem>>, vector<16xf32>,
        %mul3A_295 = vector.broadcast %squeeze3A_241 : f32 to vector<16xf32>
        %mul3A_296 = arith.mulf %get3A_294, %mul3A_295 : vector<16xf32>
        %add3A_297 = arith.constant 2 : i32
        %add3A_298 = arith.addi %add3A_43, %add3A_297 : i32
        %swap3A_299 = arith.index_cast %add3A_298 : i32 to index
        %swap3A_300 = arith.constant 64 : index
        %swap3A_301 = tpu.vector_load %arg6[%swap3A_299, %swap3A_300] {strides = array<i32>} : memref<128x128xf32, #tpu.memory_space<vmem>>, vector<16xf32>,
        tpu.vector_store %arg6[%swap3A_299, %swap3A_300], %mul3A_296 {strides = array<i32>} : memref<128x128xf32, #tpu.memory_space<vmem>>, vector<16xf32>,
        %add3A_302 = arith.constant 2 : i32
        %add3A_303 = arith.addi %add3A_43, %add3A_302 : i32
        %get3A_304 = arith.index_cast %add3A_303 : i32 to index
        %get3A_305 = arith.constant 80 : index
        %get3A_306 = tpu.vector_load %arg6[%get3A_304, %get3A_305] {strides = array<i32>} : memref<128x128xf32, #tpu.memory_space<vmem>>, vector<16xf32>,
        %mul3A_307 = vector.broadcast %squeeze3A_241 : f32 to vector<16xf32>
        %mul3A_308 = arith.mulf %get3A_306, %mul3A_307 : vector<16xf32>
        %add3A_309 = arith.constant 2 : i32
        %add3A_310 = arith.addi %add3A_43, %add3A_309 : i32
        %swap3A_311 = arith.index_cast %add3A_310 : i32 to index
        %swap3A_312 = arith.constant 80 : index
        %swap3A_313 = tpu.vector_load %arg6[%swap3A_311, %swap3A_312] {strides = array<i32>} : memref<128x128xf32, #tpu.memory_space<vmem>>, vector<16xf32>,
        tpu.vector_store %arg6[%swap3A_311, %swap3A_312], %mul3A_308 {strides = array<i32>} : memref<128x128xf32, #tpu.memory_space<vmem>>, vector<16xf32>,
        %add3A_314 = arith.constant 2 : i32
        %add3A_315 = arith.addi %add3A_43, %add3A_314 : i32
        %get3A_316 = arith.index_cast %add3A_315 : i32 to index
        %get3A_317 = arith.constant 96 : index
        %get3A_318 = tpu.vector_load %arg6[%get3A_316, %get3A_317] {strides = array<i32>} : memref<128x128xf32, #tpu.memory_space<vmem>>, vector<16xf32>,
        %mul3A_319 = vector.broadcast %squeeze3A_241 : f32 to vector<16xf32>
        %mul3A_320 = arith.mulf %get3A_318, %mul3A_319 : vector<16xf32>
        %add3A_321 = arith.constant 2 : i32
        %add3A_322 = arith.addi %add3A_43, %add3A_321 : i32
        %swap3A_323 = arith.index_cast %add3A_322 : i32 to index
        %swap3A_324 = arith.constant 96 : index
        %swap3A_325 = tpu.vector_load %arg6[%swap3A_323, %swap3A_324] {strides = array<i32>} : memref<128x128xf32, #tpu.memory_space<vmem>>, vector<16xf32>,
        tpu.vector_store %arg6[%swap3A_323, %swap3A_324], %mul3A_320 {strides = array<i32>} : memref<128x128xf32, #tpu.memory_space<vmem>>, vector<16xf32>,
        %add3A_326 = arith.constant 2 : i32
        %add3A_327 = arith.addi %add3A_43, %add3A_326 : i32
        %get3A_328 = arith.index_cast %add3A_327 : i32 to index
        %get3A_329 = arith.constant 112 : index
        %get3A_330 = tpu.vector_load %arg6[%get3A_328, %get3A_329] {strides = array<i32>} : memref<128x128xf32, #tpu.memory_space<vmem>>, vector<16xf32>,
        %mul3A_331 = vector.broadcast %squeeze3A_241 : f32 to vector<16xf32>
        %mul3A_332 = arith.mulf %get3A_330, %mul3A_331 : vector<16xf32>
        %add3A_333 = arith.constant 2 : i32
        %add3A_334 = arith.addi %add3A_43, %add3A_333 : i32
        %swap3A_335 = arith.index_cast %add3A_334 : i32 to index
        %swap3A_336 = arith.constant 112 : index
        %swap3A_337 = tpu.vector_load %arg6[%swap3A_335, %swap3A_336] {strides = array<i32>} : memref<128x128xf32, #tpu.memory_space<vmem>>, vector<16xf32>,
        tpu.vector_store %arg6[%swap3A_335, %swap3A_336], %mul3A_332 {strides = array<i32>} : memref<128x128xf32, #tpu.memory_space<vmem>>, vector<16xf32>,
        %slice3A_338 = vector.extract_strided_slice %bitcast3A {offsets = [3], sizes = [1], strides = [1]} : vector<16xf32> to vector<1xf32>
        %squeeze3A_339 = vector.extract %slice3A_338[0] : f32 from vector<1xf32>
        %add3A_340 = arith.constant 3 : i32
        %add3A_341 = arith.addi %add3A_43, %add3A_340 : i32
        %get3A_342 = arith.index_cast %add3A_341 : i32 to index
        %get3A_343 = arith.constant 0 : index
        %get3A_344 = tpu.vector_load %arg6[%get3A_342, %get3A_343] {strides = array<i32>} : memref<128x128xf32, #tpu.memory_space<vmem>>, vector<16xf32>,
        %mul3A_345 = vector.broadcast %squeeze3A_339 : f32 to vector<16xf32>
        %mul3A_346 = arith.mulf %get3A_344, %mul3A_345 : vector<16xf32>
        %add3A_347 = arith.constant 3 : i32
        %add3A_348 = arith.addi %add3A_43, %add3A_347 : i32
        %swap3A_349 = arith.index_cast %add3A_348 : i32 to index
        %swap3A_350 = arith.constant 0 : index
        %swap3A_351 = tpu.vector_load %arg6[%swap3A_349, %swap3A_350] {strides = array<i32>} : memref<128x128xf32, #tpu.memory_space<vmem>>, vector<16xf32>,
        tpu.vector_store %arg6[%swap3A_349, %swap3A_350], %mul3A_346 {strides = array<i32>} : memref<128x128xf32, #tpu.memory_space<vmem>>, vector<16xf32>,
        %add3A_352 = arith.constant 3 : i32
        %add3A_353 = arith.addi %add3A_43, %add3A_352 : i32
        %get3A_354 = arith.index_cast %add3A_353 : i32 to index
        %get3A_355 = arith.constant 16 : index
        %get3A_356 = tpu.vector_load %arg6[%get3A_354, %get3A_355] {strides = array<i32>} : memref<128x128xf32, #tpu.memory_space<vmem>>, vector<16xf32>,
        %mul3A_357 = vector.broadcast %squeeze3A_339 : f32 to vector<16xf32>
        %mul3A_358 = arith.mulf %get3A_356, %mul3A_357 : vector<16xf32>
        %add3A_359 = arith.constant 3 : i32
        %add3A_360 = arith.addi %add3A_43, %add3A_359 : i32
        %swap3A_361 = arith.index_cast %add3A_360 : i32 to index
        %swap3A_362 = arith.constant 16 : index
        %swap3A_363 = tpu.vector_load %arg6[%swap3A_361, %swap3A_362] {strides = array<i32>} : memref<128x128xf32, #tpu.memory_space<vmem>>, vector<16xf32>,
        tpu.vector_store %arg6[%swap3A_361, %swap3A_362], %mul3A_358 {strides = array<i32>} : memref<128x128xf32, #tpu.memory_space<vmem>>, vector<16xf32>,
        %add3A_364 = arith.constant 3 : i32
        %add3A_365 = arith.addi %add3A_43, %add3A_364 : i32
        %get3A_366 = arith.index_cast %add3A_365 : i32 to index
        %get3A_367 = arith.constant 32 : index
        %get3A_368 = tpu.vector_load %arg6[%get3A_366, %get3A_367] {strides = array<i32>} : memref<128x128xf32, #tpu.memory_space<vmem>>, vector<16xf32>,
        %mul3A_369 = vector.broadcast %squeeze3A_339 : f32 to vector<16xf32>
        %mul3A_370 = arith.mulf %get3A_368, %mul3A_369 : vector<16xf32>
        %add3A_371 = arith.constant 3 : i32
        %add3A_372 = arith.addi %add3A_43, %add3A_371 : i32
        %swap3A_373 = arith.index_cast %add3A_372 : i32 to index
        %swap3A_374 = arith.constant 32 : index
        %swap3A_375 = tpu.vector_load %arg6[%swap3A_373, %swap3A_374] {strides = array<i32>} : memref<128x128xf32, #tpu.memory_space<vmem>>, vector<16xf32>,
        tpu.vector_store %arg6[%swap3A_373, %swap3A_374], %mul3A_370 {strides = array<i32>} : memref<128x128xf32, #tpu.memory_space<vmem>>, vector<16xf32>,
        %add3A_376 = arith.constant 3 : i32
        %add3A_377 = arith.addi %add3A_43, %add3A_376 : i32
        %get3A_378 = arith.index_cast %add3A_377 : i32 to index
        %get3A_379 = arith.constant 48 : index
        %get3A_380 = tpu.vector_load %arg6[%get3A_378, %get3A_379] {strides = array<i32>} : memref<128x128xf32, #tpu.memory_space<vmem>>, vector<16xf32>,
        %mul3A_381 = vector.broadcast %squeeze3A_339 : f32 to vector<16xf32>
        %mul3A_382 = arith.mulf %get3A_380, %mul3A_381 : vector<16xf32>
        %add3A_383 = arith.constant 3 : i32
        %add3A_384 = arith.addi %add3A_43, %add3A_383 : i32
        %swap3A_385 = arith.index_cast %add3A_384 : i32 to index
        %swap3A_386 = arith.constant 48 : index
        %swap3A_387 = tpu.vector_load %arg6[%swap3A_385, %swap3A_386] {strides = array<i32>} : memref<128x128xf32, #tpu.memory_space<vmem>>, vector<16xf32>,
        tpu.vector_store %arg6[%swap3A_385, %swap3A_386], %mul3A_382 {strides = array<i32>} : memref<128x128xf32, #tpu.memory_space<vmem>>, vector<16xf32>,
        %add3A_388 = arith.constant 3 : i32
        %add3A_389 = arith.addi %add3A_43, %add3A_388 : i32
        %get3A_390 = arith.index_cast %add3A_389 : i32 to index
        %get3A_391 = arith.constant 64 : index
        %get3A_392 = tpu.vector_load %arg6[%get3A_390, %get3A_391] {strides = array<i32>} : memref<128x128xf32, #tpu.memory_space<vmem>>, vector<16xf32>,
        %mul3A_393 = vector.broadcast %squeeze3A_339 : f32 to vector<16xf32>
        %mul3A_394 = arith.mulf %get3A_392, %mul3A_393 : vector<16xf32>
        %add3A_395 = arith.constant 3 : i32
        %add3A_396 = arith.addi %add3A_43, %add3A_395 : i32
        %swap3A_397 = arith.index_cast %add3A_396 : i32 to index
        %swap3A_398 = arith.constant 64 : index
        %swap3A_399 = tpu.vector_load %arg6[%swap3A_397, %swap3A_398] {strides = array<i32>} : memref<128x128xf32, #tpu.memory_space<vmem>>, vector<16xf32>,
        tpu.vector_store %arg6[%swap3A_397, %swap3A_398], %mul3A_394 {strides = array<i32>} : memref<128x128xf32, #tpu.memory_space<vmem>>, vector<16xf32>,
        %add3A_400 = arith.constant 3 : i32
        %add3A_401 = arith.addi %add3A_43, %add3A_400 : i32
        %get3A_402 = arith.index_cast %add3A_401 : i32 to index
        %get3A_403 = arith.constant 80 : index
        %get3A_404 = tpu.vector_load %arg6[%get3A_402, %get3A_403] {strides = array<i32>} : memref<128x128xf32, #tpu.memory_space<vmem>>, vector<16xf32>,
        %mul3A_405 = vector.broadcast %squeeze3A_339 : f32 to vector<16xf32>
        %mul3A_406 = arith.mulf %get3A_404, %mul3A_405 : vector<16xf32>
        %add3A_407 = arith.constant 3 : i32
        %add3A_408 = arith.addi %add3A_43, %add3A_407 : i32
        %swap3A_409 = arith.index_cast %add3A_408 : i32 to index
        %swap3A_410 = arith.constant 80 : index
        %swap3A_411 = tpu.vector_load %arg6[%swap3A_409, %swap3A_410] {strides = array<i32>} : memref<128x128xf32, #tpu.memory_space<vmem>>, vector<16xf32>,
        tpu.vector_store %arg6[%swap3A_409, %swap3A_410], %mul3A_406 {strides = array<i32>} : memref<128x128xf32, #tpu.memory_space<vmem>>, vector<16xf32>,
        %add3A_412 = arith.constant 3 : i32
        %add3A_413 = arith.addi %add3A_43, %add3A_412 : i32
        %get3A_414 = arith.index_cast %add3A_413 : i32 to index
        %get3A_415 = arith.constant 96 : index
        %get3A_416 = tpu.vector_load %arg6[%get3A_414, %get3A_415] {strides = array<i32>} : memref<128x128xf32, #tpu.memory_space<vmem>>, vector<16xf32>,
        %mul3A_417 = vector.broadcast %squeeze3A_339 : f32 to vector<16xf32>
        %mul3A_418 = arith.mulf %get3A_416, %mul3A_417 : vector<16xf32>
        %add3A_419 = arith.constant 3 : i32
        %add3A_420 = arith.addi %add3A_43, %add3A_419 : i32
        %swap3A_421 = arith.index_cast %add3A_420 : i32 to index
        %swap3A_422 = arith.constant 96 : index
        %swap3A_423 = tpu.vector_load %arg6[%swap3A_421, %swap3A_422] {strides = array<i32>} : memref<128x128xf32, #tpu.memory_space<vmem>>, vector<16xf32>,
        tpu.vector_store %arg6[%swap3A_421, %swap3A_422], %mul3A_418 {strides = array<i32>} : memref<128x128xf32, #tpu.memory_space<vmem>>, vector<16xf32>,
        %add3A_424 = arith.constant 3 : i32
        %add3A_425 = arith.addi %add3A_43, %add3A_424 : i32
        %get3A_426 = arith.index_cast %add3A_425 : i32 to index
        %get3A_427 = arith.constant 112 : index
        %get3A_428 = tpu.vector_load %arg6[%get3A_426, %get3A_427] {strides = array<i32>} : memref<128x128xf32, #tpu.memory_space<vmem>>, vector<16xf32>,
        %mul3A_429 = vector.broadcast %squeeze3A_339 : f32 to vector<16xf32>
        %mul3A_430 = arith.mulf %get3A_428, %mul3A_429 : vector<16xf32>
        %add3A_431 = arith.constant 3 : i32
        %add3A_432 = arith.addi %add3A_43, %add3A_431 : i32
        %swap3A_433 = arith.index_cast %add3A_432 : i32 to index
        %swap3A_434 = arith.constant 112 : index
        %swap3A_435 = tpu.vector_load %arg6[%swap3A_433, %swap3A_434] {strides = array<i32>} : memref<128x128xf32, #tpu.memory_space<vmem>>, vector<16xf32>,
        tpu.vector_store %arg6[%swap3A_433, %swap3A_434], %mul3A_430 {strides = array<i32>} : memref<128x128xf32, #tpu.memory_space<vmem>>, vector<16xf32>,
        %slice3A_436 = vector.extract_strided_slice %bitcast3A {offsets = [4], sizes = [1], strides = [1]} : vector<16xf32> to vector<1xf32>
        %squeeze3A_437 = vector.extract %slice3A_436[0] : f32 from vector<1xf32>
        %add3A_438 = arith.constant 4 : i32
        %add3A_439 = arith.addi %add3A_43, %add3A_438 : i32
        %get3A_440 = arith.index_cast %add3A_439 : i32 to index
        %get3A_441 = arith.constant 0 : index
        %get3A_442 = tpu.vector_load %arg6[%get3A_440, %get3A_441] {strides = array<i32>} : memref<128x128xf32, #tpu.memory_space<vmem>>, vector<16xf32>,
        %mul3A_443 = vector.broadcast %squeeze3A_437 : f32 to vector<16xf32>
        %mul3A_444 = arith.mulf %get3A_442, %mul3A_443 : vector<16xf32>
        %add3A_445 = arith.constant 4 : i32
        %add3A_446 = arith.addi %add3A_43, %add3A_445 : i32
        %swap3A_447 = arith.index_cast %add3A_446 : i32 to index
        %swap3A_448 = arith.constant 0 : index
        %swap3A_449 = tpu.vector_load %arg6[%swap3A_447, %swap3A_448] {strides = array<i32>} : memref<128x128xf32, #tpu.memory_space<vmem>>, vector<16xf32>,
        tpu.vector_store %arg6[%swap3A_447, %swap3A_448], %mul3A_444 {strides = array<i32>} : memref<128x128xf32, #tpu.memory_space<vmem>>, vector<16xf32>,
        %add3A_450 = arith.constant 4 : i32
        %add3A_451 = arith.addi %add3A_43, %add3A_450 : i32
        %get3A_452 = arith.index_cast %add3A_451 : i32 to index
        %get3A_453 = arith.constant 16 : index
        %get3A_454 = tpu.vector_load %arg6[%get3A_452, %get3A_453] {strides = array<i32>} : memref<128x128xf32, #tpu.memory_space<vmem>>, vector<16xf32>,
        %mul3A_455 = vector.broadcast %squeeze3A_437 : f32 to vector<16xf32>
        %mul3A_456 = arith.mulf %get3A_454, %mul3A_455 : vector<16xf32>
        %add3A_457 = arith.constant 4 : i32
        %add3A_458 = arith.addi %add3A_43, %add3A_457 : i32
        %swap3A_459 = arith.index_cast %add3A_458 : i32 to index
        %swap3A_460 = arith.constant 16 : index
        %swap3A_461 = tpu.vector_load %arg6[%swap3A_459, %swap3A_460] {strides = array<i32>} : memref<128x128xf32, #tpu.memory_space<vmem>>, vector<16xf32>,
        tpu.vector_store %arg6[%swap3A_459, %swap3A_460], %mul3A_456 {strides = array<i32>} : memref<128x128xf32, #tpu.memory_space<vmem>>, vector<16xf32>,
        %add3A_462 = arith.constant 4 : i32
        %add3A_463 = arith.addi %add3A_43, %add3A_462 : i32
        %get3A_464 = arith.index_cast %add3A_463 : i32 to index
        %get3A_465 = arith.constant 32 : index
        %get3A_466 = tpu.vector_load %arg6[%get3A_464, %get3A_465] {strides = array<i32>} : memref<128x128xf32, #tpu.memory_space<vmem>>, vector<16xf32>,
        %mul3A_467 = vector.broadcast %squeeze3A_437 : f32 to vector<16xf32>
        %mul3A_468 = arith.mulf %get3A_466, %mul3A_467 : vector<16xf32>
        %add3A_469 = arith.constant 4 : i32
        %add3A_470 = arith.addi %add3A_43, %add3A_469 : i32
        %swap3A_471 = arith.index_cast %add3A_470 : i32 to index
        %swap3A_472 = arith.constant 32 : index
        %swap3A_473 = tpu.vector_load %arg6[%swap3A_471, %swap3A_472] {strides = array<i32>} : memref<128x128xf32, #tpu.memory_space<vmem>>, vector<16xf32>,
        tpu.vector_store %arg6[%swap3A_471, %swap3A_472], %mul3A_468 {strides = array<i32>} : memref<128x128xf32, #tpu.memory_space<vmem>>, vector<16xf32>,
        %add3A_474 = arith.constant 4 : i32
        %add3A_475 = arith.addi %add3A_43, %add3A_474 : i32
        %get3A_476 = arith.index_cast %add3A_475 : i32 to index
        %get3A_477 = arith.constant 48 : index
        %get3A_478 = tpu.vector_load %arg6[%get3A_476, %get3A_477] {strides = array<i32>} : memref<128x128xf32, #tpu.memory_space<vmem>>, vector<16xf32>,
        %mul3A_479 = vector.broadcast %squeeze3A_437 : f32 to vector<16xf32>
        %mul3A_480 = arith.mulf %get3A_478, %mul3A_479 : vector<16xf32>
        %add3A_481 = arith.constant 4 : i32
        %add3A_482 = arith.addi %add3A_43, %add3A_481 : i32
        %swap3A_483 = arith.index_cast %add3A_482 : i32 to index
        %swap3A_484 = arith.constant 48 : index
        %swap3A_485 = tpu.vector_load %arg6[%swap3A_483, %swap3A_484] {strides = array<i32>} : memref<128x128xf32, #tpu.memory_space<vmem>>, vector<16xf32>,
        tpu.vector_store %arg6[%swap3A_483, %swap3A_484], %mul3A_480 {strides = array<i32>} : memref<128x128xf32, #tpu.memory_space<vmem>>, vector<16xf32>,
        %add3A_486 = arith.constant 4 : i32
        %add3A_487 = arith.addi %add3A_43, %add3A_486 : i32
        %get3A_488 = arith.index_cast %add3A_487 : i32 to index
        %get3A_489 = arith.constant 64 : index
        %get3A_490 = tpu.vector_load %arg6[%get3A_488, %get3A_489] {strides = array<i32>} : memref<128x128xf32, #tpu.memory_space<vmem>>, vector<16xf32>,
        %mul3A_491 = vector.broadcast %squeeze3A_437 : f32 to vector<16xf32>
        %mul3A_492 = arith.mulf %get3A_490, %mul3A_491 : vector<16xf32>
        %add3A_493 = arith.constant 4 : i32
        %add3A_494 = arith.addi %add3A_43, %add3A_493 : i32
        %swap3A_495 = arith.index_cast %add3A_494 : i32 to index
        %swap3A_496 = arith.constant 64 : index
        %swap3A_497 = tpu.vector_load %arg6[%swap3A_495, %swap3A_496] {strides = array<i32>} : memref<128x128xf32, #tpu.memory_space<vmem>>, vector<16xf32>,
        tpu.vector_store %arg6[%swap3A_495, %swap3A_496], %mul3A_492 {strides = array<i32>} : memref<128x128xf32, #tpu.memory_space<vmem>>, vector<16xf32>,
        %add3A_498 = arith.constant 4 : i32
        %add3A_499 = arith.addi %add3A_43, %add3A_498 : i32
        %get3A_500 = arith.index_cast %add3A_499 : i32 to index
        %get3A_501 = arith.constant 80 : index
        %get3A_502 = tpu.vector_load %arg6[%get3A_500, %get3A_501] {strides = array<i32>} : memref<128x128xf32, #tpu.memory_space<vmem>>, vector<16xf32>,
        %mul3A_503 = vector.broadcast %squeeze3A_437 : f32 to vector<16xf32>
        %mul3A_504 = arith.mulf %get3A_502, %mul3A_503 : vector<16xf32>
        %add3A_505 = arith.constant 4 : i32
        %add3A_506 = arith.addi %add3A_43, %add3A_505 : i32
        %swap3A_507 = arith.index_cast %add3A_506 : i32 to index
        %swap3A_508 = arith.constant 80 : index
        %swap3A_509 = tpu.vector_load %arg6[%swap3A_507, %swap3A_508] {strides = array<i32>} : memref<128x128xf32, #tpu.memory_space<vmem>>, vector<16xf32>,
        tpu.vector_store %arg6[%swap3A_507, %swap3A_508], %mul3A_504 {strides = array<i32>} : memref<128x128xf32, #tpu.memory_space<vmem>>, vector<16xf32>,
        %add3A_510 = arith.constant 4 : i32
        %add3A_511 = arith.addi %add3A_43, %add3A_510 : i32
        %get3A_512 = arith.index_cast %add3A_511 : i32 to index
        %get3A_513 = arith.constant 96 : index
        %get3A_514 = tpu.vector_load %arg6[%get3A_512, %get3A_513] {strides = array<i32>} : memref<128x128xf32, #tpu.memory_space<vmem>>, vector<16xf32>,
        %mul3A_515 = vector.broadcast %squeeze3A_437 : f32 to vector<16xf32>
        %mul3A_516 = arith.mulf %get3A_514, %mul3A_515 : vector<16xf32>
        %add3A_517 = arith.constant 4 : i32
        %add3A_518 = arith.addi %add3A_43, %add3A_517 : i32
        %swap3A_519 = arith.index_cast %add3A_518 : i32 to index
        %swap3A_520 = arith.constant 96 : index
        %swap3A_521 = tpu.vector_load %arg6[%swap3A_519, %swap3A_520] {strides = array<i32>} : memref<128x128xf32, #tpu.memory_space<vmem>>, vector<16xf32>,
        tpu.vector_store %arg6[%swap3A_519, %swap3A_520], %mul3A_516 {strides = array<i32>} : memref<128x128xf32, #tpu.memory_space<vmem>>, vector<16xf32>,
        %add3A_522 = arith.constant 4 : i32
        %add3A_523 = arith.addi %add3A_43, %add3A_522 : i32
        %get3A_524 = arith.index_cast %add3A_523 : i32 to index
        %get3A_525 = arith.constant 112 : index
        %get3A_526 = tpu.vector_load %arg6[%get3A_524, %get3A_525] {strides = array<i32>} : memref<128x128xf32, #tpu.memory_space<vmem>>, vector<16xf32>,
        %mul3A_527 = vector.broadcast %squeeze3A_437 : f32 to vector<16xf32>
        %mul3A_528 = arith.mulf %get3A_526, %mul3A_527 : vector<16xf32>
        %add3A_529 = arith.constant 4 : i32
        %add3A_530 = arith.addi %add3A_43, %add3A_529 : i32
        %swap3A_531 = arith.index_cast %add3A_530 : i32 to index
        %swap3A_532 = arith.constant 112 : index
        %swap3A_533 = tpu.vector_load %arg6[%swap3A_531, %swap3A_532] {strides = array<i32>} : memref<128x128xf32, #tpu.memory_space<vmem>>, vector<16xf32>,
        tpu.vector_store %arg6[%swap3A_531, %swap3A_532], %mul3A_528 {strides = array<i32>} : memref<128x128xf32, #tpu.memory_space<vmem>>, vector<16xf32>,
        %slice3A_534 = vector.extract_strided_slice %bitcast3A {offsets = [5], sizes = [1], strides = [1]} : vector<16xf32> to vector<1xf32>
        %squeeze3A_535 = vector.extract %slice3A_534[0] : f32 from vector<1xf32>
        %add3A_536 = arith.constant 5 : i32
        %add3A_537 = arith.addi %add3A_43, %add3A_536 : i32
        %get3A_538 = arith.index_cast %add3A_537 : i32 to index
        %get3A_539 = arith.constant 0 : index
        %get3A_540 = tpu.vector_load %arg6[%get3A_538, %get3A_539] {strides = array<i32>} : memref<128x128xf32, #tpu.memory_space<vmem>>, vector<16xf32>,
        %mul3A_541 = vector.broadcast %squeeze3A_535 : f32 to vector<16xf32>
        %mul3A_542 = arith.mulf %get3A_540, %mul3A_541 : vector<16xf32>
        %add3A_543 = arith.constant 5 : i32
        %add3A_544 = arith.addi %add3A_43, %add3A_543 : i32
        %swap3A_545 = arith.index_cast %add3A_544 : i32 to index
        %swap3A_546 = arith.constant 0 : index
        %swap3A_547 = tpu.vector_load %arg6[%swap3A_545, %swap3A_546] {strides = array<i32>} : memref<128x128xf32, #tpu.memory_space<vmem>>, vector<16xf32>,
        tpu.vector_store %arg6[%swap3A_545, %swap3A_546], %mul3A_542 {strides = array<i32>} : memref<128x128xf32, #tpu.memory_space<vmem>>, vector<16xf32>,
        %add3A_548 = arith.constant 5 : i32
        %add3A_549 = arith.addi %add3A_43, %add3A_548 : i32
        %get3A_550 = arith.index_cast %add3A_549 : i32 to index
        %get3A_551 = arith.constant 16 : index
        %get3A_552 = tpu.vector_load %arg6[%get3A_550, %get3A_551] {strides = array<i32>} : memref<128x128xf32, #tpu.memory_space<vmem>>, vector<16xf32>,
        %mul3A_553 = vector.broadcast %squeeze3A_535 : f32 to vector<16xf32>
        %mul3A_554 = arith.mulf %get3A_552, %mul3A_553 : vector<16xf32>
        %add3A_555 = arith.constant 5 : i32
        %add3A_556 = arith.addi %add3A_43, %add3A_555 : i32
        %swap3A_557 = arith.index_cast %add3A_556 : i32 to index
        %swap3A_558 = arith.constant 16 : index
        %swap3A_559 = tpu.vector_load %arg6[%swap3A_557, %swap3A_558] {strides = array<i32>} : memref<128x128xf32, #tpu.memory_space<vmem>>, vector<16xf32>,
        tpu.vector_store %arg6[%swap3A_557, %swap3A_558], %mul3A_554 {strides = array<i32>} : memref<128x128xf32, #tpu.memory_space<vmem>>, vector<16xf32>,
        %add3A_560 = arith.constant 5 : i32
        %add3A_561 = arith.addi %add3A_43, %add3A_560 : i32
        %get3A_562 = arith.index_cast %add3A_561 : i32 to index
        %get3A_563 = arith.constant 32 : index
        %get3A_564 = tpu.vector_load %arg6[%get3A_562, %get3A_563] {strides = array<i32>} : memref<128x128xf32, #tpu.memory_space<vmem>>, vector<16xf32>,
        %mul3A_565 = vector.broadcast %squeeze3A_535 : f32 to vector<16xf32>
        %mul3A_566 = arith.mulf %get3A_564, %mul3A_565 : vector<16xf32>
        %add3A_567 = arith.constant 5 : i32
        %add3A_568 = arith.addi %add3A_43, %add3A_567 : i32
        %swap3A_569 = arith.index_cast %add3A_568 : i32 to index
        %swap3A_570 = arith.constant 32 : index
        %swap3A_571 = tpu.vector_load %arg6[%swap3A_569, %swap3A_570] {strides = array<i32>} : memref<128x128xf32, #tpu.memory_space<vmem>>, vector<16xf32>,
        tpu.vector_store %arg6[%swap3A_569, %swap3A_570], %mul3A_566 {strides = array<i32>} : memref<128x128xf32, #tpu.memory_space<vmem>>, vector<16xf32>,
        %add3A_572 = arith.constant 5 : i32
        %add3A_573 = arith.addi %add3A_43, %add3A_572 : i32
        %get3A_574 = arith.index_cast %add3A_573 : i32 to index
        %get3A_575 = arith.constant 48 : index
        %get3A_576 = tpu.vector_load %arg6[%get3A_574, %get3A_575] {strides = array<i32>} : memref<128x128xf32, #tpu.memory_space<vmem>>, vector<16xf32>,
        %mul3A_577 = vector.broadcast %squeeze3A_535 : f32 to vector<16xf32>
        %mul3A_578 = arith.mulf %get3A_576, %mul3A_577 : vector<16xf32>
        %add3A_579 = arith.constant 5 : i32
        %add3A_580 = arith.addi %add3A_43, %add3A_579 : i32
        %swap3A_581 = arith.index_cast %add3A_580 : i32 to index
        %swap3A_582 = arith.constant 48 : index
        %swap3A_583 = tpu.vector_load %arg6[%swap3A_581, %swap3A_582] {strides = array<i32>} : memref<128x128xf32, #tpu.memory_space<vmem>>, vector<16xf32>,
        tpu.vector_store %arg6[%swap3A_581, %swap3A_582], %mul3A_578 {strides = array<i32>} : memref<128x128xf32, #tpu.memory_space<vmem>>, vector<16xf32>,
        %add3A_584 = arith.constant 5 : i32
        %add3A_585 = arith.addi %add3A_43, %add3A_584 : i32
        %get3A_586 = arith.index_cast %add3A_585 : i32 to index
        %get3A_587 = arith.constant 64 : index
        %get3A_588 = tpu.vector_load %arg6[%get3A_586, %get3A_587] {strides = array<i32>} : memref<128x128xf32, #tpu.memory_space<vmem>>, vector<16xf32>,
        %mul3A_589 = vector.broadcast %squeeze3A_535 : f32 to vector<16xf32>
        %mul3A_590 = arith.mulf %get3A_588, %mul3A_589 : vector<16xf32>
        %add3A_591 = arith.constant 5 : i32
        %add3A_592 = arith.addi %add3A_43, %add3A_591 : i32
        %swap3A_593 = arith.index_cast %add3A_592 : i32 to index
        %swap3A_594 = arith.constant 64 : index
        %swap3A_595 = tpu.vector_load %arg6[%swap3A_593, %swap3A_594] {strides = array<i32>} : memref<128x128xf32, #tpu.memory_space<vmem>>, vector<16xf32>,
        tpu.vector_store %arg6[%swap3A_593, %swap3A_594], %mul3A_590 {strides = array<i32>} : memref<128x128xf32, #tpu.memory_space<vmem>>, vector<16xf32>,
        %add3A_596 = arith.constant 5 : i32
        %add3A_597 = arith.addi %add3A_43, %add3A_596 : i32
        %get3A_598 = arith.index_cast %add3A_597 : i32 to index
        %get3A_599 = arith.constant 80 : index
        %get3A_600 = tpu.vector_load %arg6[%get3A_598, %get3A_599] {strides = array<i32>} : memref<128x128xf32, #tpu.memory_space<vmem>>, vector<16xf32>,
        %mul3A_601 = vector.broadcast %squeeze3A_535 : f32 to vector<16xf32>
        %mul3A_602 = arith.mulf %get3A_600, %mul3A_601 : vector<16xf32>
        %add3A_603 = arith.constant 5 : i32
        %add3A_604 = arith.addi %add3A_43, %add3A_603 : i32
        %swap3A_605 = arith.index_cast %add3A_604 : i32 to index
        %swap3A_606 = arith.constant 80 : index
        %swap3A_607 = tpu.vector_load %arg6[%swap3A_605, %swap3A_606] {strides = array<i32>} : memref<128x128xf32, #tpu.memory_space<vmem>>, vector<16xf32>,
        tpu.vector_store %arg6[%swap3A_605, %swap3A_606], %mul3A_602 {strides = array<i32>} : memref<128x128xf32, #tpu.memory_space<vmem>>, vector<16xf32>,
        %add3A_608 = arith.constant 5 : i32
        %add3A_609 = arith.addi %add3A_43, %add3A_608 : i32
        %get3A_610 = arith.index_cast %add3A_609 : i32 to index
        %get3A_611 = arith.constant 96 : index
        %get3A_612 = tpu.vector_load %arg6[%get3A_610, %get3A_611] {strides = array<i32>} : memref<128x128xf32, #tpu.memory_space<vmem>>, vector<16xf32>,
        %mul3A_613 = vector.broadcast %squeeze3A_535 : f32 to vector<16xf32>
        %mul3A_614 = arith.mulf %get3A_612, %mul3A_613 : vector<16xf32>
        %add3A_615 = arith.constant 5 : i32
        %add3A_616 = arith.addi %add3A_43, %add3A_615 : i32
        %swap3A_617 = arith.index_cast %add3A_616 : i32 to index
        %swap3A_618 = arith.constant 96 : index
        %swap3A_619 = tpu.vector_load %arg6[%swap3A_617, %swap3A_618] {strides = array<i32>} : memref<128x128xf32, #tpu.memory_space<vmem>>, vector<16xf32>,
        tpu.vector_store %arg6[%swap3A_617, %swap3A_618], %mul3A_614 {strides = array<i32>} : memref<128x128xf32, #tpu.memory_space<vmem>>, vector<16xf32>,
        %add3A_620 = arith.constant 5 : i32
        %add3A_621 = arith.addi %add3A_43, %add3A_620 : i32
        %get3A_622 = arith.index_cast %add3A_621 : i32 to index
        %get3A_623 = arith.constant 112 : index
        %get3A_624 = tpu.vector_load %arg6[%get3A_622, %get3A_623] {strides = array<i32>} : memref<128x128xf32, #tpu.memory_space<vmem>>, vector<16xf32>,
        %mul3A_625 = vector.broadcast %squeeze3A_535 : f32 to vector<16xf32>
        %mul3A_626 = arith.mulf %get3A_624, %mul3A_625 : vector<16xf32>
        %add3A_627 = arith.constant 5 : i32
        %add3A_628 = arith.addi %add3A_43, %add3A_627 : i32
        %swap3A_629 = arith.index_cast %add3A_628 : i32 to index
        %swap3A_630 = arith.constant 112 : index
        %swap3A_631 = tpu.vector_load %arg6[%swap3A_629, %swap3A_630] {strides = array<i32>} : memref<128x128xf32, #tpu.memory_space<vmem>>, vector<16xf32>,
        tpu.vector_store %arg6[%swap3A_629, %swap3A_630], %mul3A_626 {strides = array<i32>} : memref<128x128xf32, #tpu.memory_space<vmem>>, vector<16xf32>,
        %slice3A_632 = vector.extract_strided_slice %bitcast3A {offsets = [6], sizes = [1], strides = [1]} : vector<16xf32> to vector<1xf32>
        %squeeze3A_633 = vector.extract %slice3A_632[0] : f32 from vector<1xf32>
        %add3A_634 = arith.constant 6 : i32
        %add3A_635 = arith.addi %add3A_43, %add3A_634 : i32
        %get3A_636 = arith.index_cast %add3A_635 : i32 to index
        %get3A_637 = arith.constant 0 : index
        %get3A_638 = tpu.vector_load %arg6[%get3A_636, %get3A_637] {strides = array<i32>} : memref<128x128xf32, #tpu.memory_space<vmem>>, vector<16xf32>,
        %mul3A_639 = vector.broadcast %squeeze3A_633 : f32 to vector<16xf32>
        %mul3A_640 = arith.mulf %get3A_638, %mul3A_639 : vector<16xf32>
        %add3A_641 = arith.constant 6 : i32
        %add3A_642 = arith.addi %add3A_43, %add3A_641 : i32
        %swap3A_643 = arith.index_cast %add3A_642 : i32 to index
        %swap3A_644 = arith.constant 0 : index
        %swap3A_645 = tpu.vector_load %arg6[%swap3A_643, %swap3A_644] {strides = array<i32>} : memref<128x128xf32, #tpu.memory_space<vmem>>, vector<16xf32>,
        tpu.vector_store %arg6[%swap3A_643, %swap3A_644], %mul3A_640 {strides = array<i32>} : memref<128x128xf32, #tpu.memory_space<vmem>>, vector<16xf32>,
        %add3A_646 = arith.constant 6 : i32
        %add3A_647 = arith.addi %add3A_43, %add3A_646 : i32
        %get3A_648 = arith.index_cast %add3A_647 : i32 to index
        %get3A_649 = arith.constant 16 : index
        %get3A_650 = tpu.vector_load %arg6[%get3A_648, %get3A_649] {strides = array<i32>} : memref<128x128xf32, #tpu.memory_space<vmem>>, vector<16xf32>,
        %mul3A_651 = vector.broadcast %squeeze3A_633 : f32 to vector<16xf32>
        %mul3A_652 = arith.mulf %get3A_650, %mul3A_651 : vector<16xf32>
        %add3A_653 = arith.constant 6 : i32
        %add3A_654 = arith.addi %add3A_43, %add3A_653 : i32
        %swap3A_655 = arith.index_cast %add3A_654 : i32 to index
        %swap3A_656 = arith.constant 16 : index
        %swap3A_657 = tpu.vector_load %arg6[%swap3A_655, %swap3A_656] {strides = array<i32>} : memref<128x128xf32, #tpu.memory_space<vmem>>, vector<16xf32>,
        tpu.vector_store %arg6[%swap3A_655, %swap3A_656], %mul3A_652 {strides = array<i32>} : memref<128x128xf32, #tpu.memory_space<vmem>>, vector<16xf32>,
        %add3A_658 = arith.constant 6 : i32
        %add3A_659 = arith.addi %add3A_43, %add3A_658 : i32
        %get3A_660 = arith.index_cast %add3A_659 : i32 to index
        %get3A_661 = arith.constant 32 : index
        %get3A_662 = tpu.vector_load %arg6[%get3A_660, %get3A_661] {strides = array<i32>} : memref<128x128xf32, #tpu.memory_space<vmem>>, vector<16xf32>,
        %mul3A_663 = vector.broadcast %squeeze3A_633 : f32 to vector<16xf32>
        %mul3A_664 = arith.mulf %get3A_662, %mul3A_663 : vector<16xf32>
        %add3A_665 = arith.constant 6 : i32
        %add3A_666 = arith.addi %add3A_43, %add3A_665 : i32
        %swap3A_667 = arith.index_cast %add3A_666 : i32 to index
        %swap3A_668 = arith.constant 32 : index
        %swap3A_669 = tpu.vector_load %arg6[%swap3A_667, %swap3A_668] {strides = array<i32>} : memref<128x128xf32, #tpu.memory_space<vmem>>, vector<16xf32>,
        tpu.vector_store %arg6[%swap3A_667, %swap3A_668], %mul3A_664 {strides = array<i32>} : memref<128x128xf32, #tpu.memory_space<vmem>>, vector<16xf32>,
        %add3A_670 = arith.constant 6 : i32
        %add3A_671 = arith.addi %add3A_43, %add3A_670 : i32
        %get3A_672 = arith.index_cast %add3A_671 : i32 to index
        %get3A_673 = arith.constant 48 : index
        %get3A_674 = tpu.vector_load %arg6[%get3A_672, %get3A_673] {strides = array<i32>} : memref<128x128xf32, #tpu.memory_space<vmem>>, vector<16xf32>,
        %mul3A_675 = vector.broadcast %squeeze3A_633 : f32 to vector<16xf32>
        %mul3A_676 = arith.mulf %get3A_674, %mul3A_675 : vector<16xf32>
        %add3A_677 = arith.constant 6 : i32
        %add3A_678 = arith.addi %add3A_43, %add3A_677 : i32
        %swap3A_679 = arith.index_cast %add3A_678 : i32 to index
        %swap3A_680 = arith.constant 48 : index
        %swap3A_681 = tpu.vector_load %arg6[%swap3A_679, %swap3A_680] {strides = array<i32>} : memref<128x128xf32, #tpu.memory_space<vmem>>, vector<16xf32>,
        tpu.vector_store %arg6[%swap3A_679, %swap3A_680], %mul3A_676 {strides = array<i32>} : memref<128x128xf32, #tpu.memory_space<vmem>>, vector<16xf32>,
        %add3A_682 = arith.constant 6 : i32
        %add3A_683 = arith.addi %add3A_43, %add3A_682 : i32
        %get3A_684 = arith.index_cast %add3A_683 : i32 to index
        %get3A_685 = arith.constant 64 : index
        %get3A_686 = tpu.vector_load %arg6[%get3A_684, %get3A_685] {strides = array<i32>} : memref<128x128xf32, #tpu.memory_space<vmem>>, vector<16xf32>,
        %mul3A_687 = vector.broadcast %squeeze3A_633 : f32 to vector<16xf32>
        %mul3A_688 = arith.mulf %get3A_686, %mul3A_687 : vector<16xf32>
        %add3A_689 = arith.constant 6 : i32
        %add3A_690 = arith.addi %add3A_43, %add3A_689 : i32
        %swap3A_691 = arith.index_cast %add3A_690 : i32 to index
        %swap3A_692 = arith.constant 64 : index
        %swap3A_693 = tpu.vector_load %arg6[%swap3A_691, %swap3A_692] {strides = array<i32>} : memref<128x128xf32, #tpu.memory_space<vmem>>, vector<16xf32>,
        tpu.vector_store %arg6[%swap3A_691, %swap3A_692], %mul3A_688 {strides = array<i32>} : memref<128x128xf32, #tpu.memory_space<vmem>>, vector<16xf32>,
        %add3A_694 = arith.constant 6 : i32
        %add3A_695 = arith.addi %add3A_43, %add3A_694 : i32
        %get3A_696 = arith.index_cast %add3A_695 : i32 to index
        %get3A_697 = arith.constant 80 : index
        %get3A_698 = tpu.vector_load %arg6[%get3A_696, %get3A_697] {strides = array<i32>} : memref<128x128xf32, #tpu.memory_space<vmem>>, vector<16xf32>,
        %mul3A_699 = vector.broadcast %squeeze3A_633 : f32 to vector<16xf32>
        %mul3A_700 = arith.mulf %get3A_698, %mul3A_699 : vector<16xf32>
        %add3A_701 = arith.constant 6 : i32
        %add3A_702 = arith.addi %add3A_43, %add3A_701 : i32
        %swap3A_703 = arith.index_cast %add3A_702 : i32 to index
        %swap3A_704 = arith.constant 80 : index
        %swap3A_705 = tpu.vector_load %arg6[%swap3A_703, %swap3A_704] {strides = array<i32>} : memref<128x128xf32, #tpu.memory_space<vmem>>, vector<16xf32>,
        tpu.vector_store %arg6[%swap3A_703, %swap3A_704], %mul3A_700 {strides = array<i32>} : memref<128x128xf32, #tpu.memory_space<vmem>>, vector<16xf32>,
        %add3A_706 = arith.constant 6 : i32
        %add3A_707 = arith.addi %add3A_43, %add3A_706 : i32
        %get3A_708 = arith.index_cast %add3A_707 : i32 to index
        %get3A_709 = arith.constant 96 : index
        %get3A_710 = tpu.vector_load %arg6[%get3A_708, %get3A_709] {strides = array<i32>} : memref<128x128xf32, #tpu.memory_space<vmem>>, vector<16xf32>,
        %mul3A_711 = vector.broadcast %squeeze3A_633 : f32 to vector<16xf32>
        %mul3A_712 = arith.mulf %get3A_710, %mul3A_711 : vector<16xf32>
        %add3A_713 = arith.constant 6 : i32
        %add3A_714 = arith.addi %add3A_43, %add3A_713 : i32
        %swap3A_715 = arith.index_cast %add3A_714 : i32 to index
        %swap3A_716 = arith.constant 96 : index
        %swap3A_717 = tpu.vector_load %arg6[%swap3A_715, %swap3A_716] {strides = array<i32>} : memref<128x128xf32, #tpu.memory_space<vmem>>, vector<16xf32>,
        tpu.vector_store %arg6[%swap3A_715, %swap3A_716], %mul3A_712 {strides = array<i32>} : memref<128x128xf32, #tpu.memory_space<vmem>>, vector<16xf32>,
        %add3A_718 = arith.constant 6 : i32
        %add3A_719 = arith.addi %add3A_43, %add3A_718 : i32
        %get3A_720 = arith.index_cast %add3A_719 : i32 to index
        %get3A_721 = arith.constant 112 : index
        %get3A_722 = tpu.vector_load %arg6[%get3A_720, %get3A_721] {strides = array<i32>} : memref<128x128xf32, #tpu.memory_space<vmem>>, vector<16xf32>,
        %mul3A_723 = vector.broadcast %squeeze3A_633 : f32 to vector<16xf32>
        %mul3A_724 = arith.mulf %get3A_722, %mul3A_723 : vector<16xf32>
        %add3A_725 = arith.constant 6 : i32
        %add3A_726 = arith.addi %add3A_43, %add3A_725 : i32
        %swap3A_727 = arith.index_cast %add3A_726 : i32 to index
        %swap3A_728 = arith.constant 112 : index
        %swap3A_729 = tpu.vector_load %arg6[%swap3A_727, %swap3A_728] {strides = array<i32>} : memref<128x128xf32, #tpu.memory_space<vmem>>, vector<16xf32>,
        tpu.vector_store %arg6[%swap3A_727, %swap3A_728], %mul3A_724 {strides = array<i32>} : memref<128x128xf32, #tpu.memory_space<vmem>>, vector<16xf32>,
        %slice3A_730 = vector.extract_strided_slice %bitcast3A {offsets = [7], sizes = [1], strides = [1]} : vector<16xf32> to vector<1xf32>
        %squeeze3A_731 = vector.extract %slice3A_730[0] : f32 from vector<1xf32>
        %add3A_732 = arith.constant 7 : i32
        %add3A_733 = arith.addi %add3A_43, %add3A_732 : i32
        %get3A_734 = arith.index_cast %add3A_733 : i32 to index
        %get3A_735 = arith.constant 0 : index
        %get3A_736 = tpu.vector_load %arg6[%get3A_734, %get3A_735] {strides = array<i32>} : memref<128x128xf32, #tpu.memory_space<vmem>>, vector<16xf32>,
        %mul3A_737 = vector.broadcast %squeeze3A_731 : f32 to vector<16xf32>
        %mul3A_738 = arith.mulf %get3A_736, %mul3A_737 : vector<16xf32>
        %add3A_739 = arith.constant 7 : i32
        %add3A_740 = arith.addi %add3A_43, %add3A_739 : i32
        %swap3A_741 = arith.index_cast %add3A_740 : i32 to index
        %swap3A_742 = arith.constant 0 : index
        %swap3A_743 = tpu.vector_load %arg6[%swap3A_741, %swap3A_742] {strides = array<i32>} : memref<128x128xf32, #tpu.memory_space<vmem>>, vector<16xf32>,
        tpu.vector_store %arg6[%swap3A_741, %swap3A_742], %mul3A_738 {strides = array<i32>} : memref<128x128xf32, #tpu.memory_space<vmem>>, vector<16xf32>,
        %add3A_744 = arith.constant 7 : i32
        %add3A_745 = arith.addi %add3A_43, %add3A_744 : i32
        %get3A_746 = arith.index_cast %add3A_745 : i32 to index
        %get3A_747 = arith.constant 16 : index
        %get3A_748 = tpu.vector_load %arg6[%get3A_746, %get3A_747] {strides = array<i32>} : memref<128x128xf32, #tpu.memory_space<vmem>>, vector<16xf32>,
        %mul3A_749 = vector.broadcast %squeeze3A_731 : f32 to vector<16xf32>
        %mul3A_750 = arith.mulf %get3A_748, %mul3A_749 : vector<16xf32>
        %add3A_751 = arith.constant 7 : i32
        %add3A_752 = arith.addi %add3A_43, %add3A_751 : i32
        %swap3A_753 = arith.index_cast %add3A_752 : i32 to index
        %swap3A_754 = arith.constant 16 : index
        %swap3A_755 = tpu.vector_load %arg6[%swap3A_753, %swap3A_754] {strides = array<i32>} : memref<128x128xf32, #tpu.memory_space<vmem>>, vector<16xf32>,
        tpu.vector_store %arg6[%swap3A_753, %swap3A_754], %mul3A_750 {strides = array<i32>} : memref<128x128xf32, #tpu.memory_space<vmem>>, vector<16xf32>,
        %add3A_756 = arith.constant 7 : i32
        %add3A_757 = arith.addi %add3A_43, %add3A_756 : i32
        %get3A_758 = arith.index_cast %add3A_757 : i32 to index
        %get3A_759 = arith.constant 32 : index
        %get3A_760 = tpu.vector_load %arg6[%get3A_758, %get3A_759] {strides = array<i32>} : memref<128x128xf32, #tpu.memory_space<vmem>>, vector<16xf32>,
        %mul3A_761 = vector.broadcast %squeeze3A_731 : f32 to vector<16xf32>
        %mul3A_762 = arith.mulf %get3A_760, %mul3A_761 : vector<16xf32>
        %add3A_763 = arith.constant 7 : i32
        %add3A_764 = arith.addi %add3A_43, %add3A_763 : i32
        %swap3A_765 = arith.index_cast %add3A_764 : i32 to index
        %swap3A_766 = arith.constant 32 : index
        %swap3A_767 = tpu.vector_load %arg6[%swap3A_765, %swap3A_766] {strides = array<i32>} : memref<128x128xf32, #tpu.memory_space<vmem>>, vector<16xf32>,
        tpu.vector_store %arg6[%swap3A_765, %swap3A_766], %mul3A_762 {strides = array<i32>} : memref<128x128xf32, #tpu.memory_space<vmem>>, vector<16xf32>,
        %add3A_768 = arith.constant 7 : i32
        %add3A_769 = arith.addi %add3A_43, %add3A_768 : i32
        %get3A_770 = arith.index_cast %add3A_769 : i32 to index
        %get3A_771 = arith.constant 48 : index
        %get3A_772 = tpu.vector_load %arg6[%get3A_770, %get3A_771] {strides = array<i32>} : memref<128x128xf32, #tpu.memory_space<vmem>>, vector<16xf32>,
        %mul3A_773 = vector.broadcast %squeeze3A_731 : f32 to vector<16xf32>
        %mul3A_774 = arith.mulf %get3A_772, %mul3A_773 : vector<16xf32>
        %add3A_775 = arith.constant 7 : i32
        %add3A_776 = arith.addi %add3A_43, %add3A_775 : i32
        %swap3A_777 = arith.index_cast %add3A_776 : i32 to index
        %swap3A_778 = arith.constant 48 : index
        %swap3A_779 = tpu.vector_load %arg6[%swap3A_777, %swap3A_778] {strides = array<i32>} : memref<128x128xf32, #tpu.memory_space<vmem>>, vector<16xf32>,
        tpu.vector_store %arg6[%swap3A_777, %swap3A_778], %mul3A_774 {strides = array<i32>} : memref<128x128xf32, #tpu.memory_space<vmem>>, vector<16xf32>,
        %add3A_780 = arith.constant 7 : i32
        %add3A_781 = arith.addi %add3A_43, %add3A_780 : i32
        %get3A_782 = arith.index_cast %add3A_781 : i32 to index
        %get3A_783 = arith.constant 64 : index
        %get3A_784 = tpu.vector_load %arg6[%get3A_782, %get3A_783] {strides = array<i32>} : memref<128x128xf32, #tpu.memory_space<vmem>>, vector<16xf32>,
        %mul3A_785 = vector.broadcast %squeeze3A_731 : f32 to vector<16xf32>
        %mul3A_786 = arith.mulf %get3A_784, %mul3A_785 : vector<16xf32>
        %add3A_787 = arith.constant 7 : i32
        %add3A_788 = arith.addi %add3A_43, %add3A_787 : i32
        %swap3A_789 = arith.index_cast %add3A_788 : i32 to index
        %swap3A_790 = arith.constant 64 : index
        %swap3A_791 = tpu.vector_load %arg6[%swap3A_789, %swap3A_790] {strides = array<i32>} : memref<128x128xf32, #tpu.memory_space<vmem>>, vector<16xf32>,
        tpu.vector_store %arg6[%swap3A_789, %swap3A_790], %mul3A_786 {strides = array<i32>} : memref<128x128xf32, #tpu.memory_space<vmem>>, vector<16xf32>,
        %add3A_792 = arith.constant 7 : i32
        %add3A_793 = arith.addi %add3A_43, %add3A_792 : i32
        %get3A_794 = arith.index_cast %add3A_793 : i32 to index
        %get3A_795 = arith.constant 80 : index
        %get3A_796 = tpu.vector_load %arg6[%get3A_794, %get3A_795] {strides = array<i32>} : memref<128x128xf32, #tpu.memory_space<vmem>>, vector<16xf32>,
        %mul3A_797 = vector.broadcast %squeeze3A_731 : f32 to vector<16xf32>
        %mul3A_798 = arith.mulf %get3A_796, %mul3A_797 : vector<16xf32>
        %add3A_799 = arith.constant 7 : i32
        %add3A_800 = arith.addi %add3A_43, %add3A_799 : i32
        %swap3A_801 = arith.index_cast %add3A_800 : i32 to index
        %swap3A_802 = arith.constant 80 : index
        %swap3A_803 = tpu.vector_load %arg6[%swap3A_801, %swap3A_802] {strides = array<i32>} : memref<128x128xf32, #tpu.memory_space<vmem>>, vector<16xf32>,
        tpu.vector_store %arg6[%swap3A_801, %swap3A_802], %mul3A_798 {strides = array<i32>} : memref<128x128xf32, #tpu.memory_space<vmem>>, vector<16xf32>,
        %add3A_804 = arith.constant 7 : i32
        %add3A_805 = arith.addi %add3A_43, %add3A_804 : i32
        %get3A_806 = arith.index_cast %add3A_805 : i32 to index
        %get3A_807 = arith.constant 96 : index
        %get3A_808 = tpu.vector_load %arg6[%get3A_806, %get3A_807] {strides = array<i32>} : memref<128x128xf32, #tpu.memory_space<vmem>>, vector<16xf32>,
        %mul3A_809 = vector.broadcast %squeeze3A_731 : f32 to vector<16xf32>
        %mul3A_810 = arith.mulf %get3A_808, %mul3A_809 : vector<16xf32>
        %add3A_811 = arith.constant 7 : i32
        %add3A_812 = arith.addi %add3A_43, %add3A_811 : i32
        %swap3A_813 = arith.index_cast %add3A_812 : i32 to index
        %swap3A_814 = arith.constant 96 : index
        %swap3A_815 = tpu.vector_load %arg6[%swap3A_813, %swap3A_814] {strides = array<i32>} : memref<128x128xf32, #tpu.memory_space<vmem>>, vector<16xf32>,
        tpu.vector_store %arg6[%swap3A_813, %swap3A_814], %mul3A_810 {strides = array<i32>} : memref<128x128xf32, #tpu.memory_space<vmem>>, vector<16xf32>,
        %add3A_816 = arith.constant 7 : i32
        %add3A_817 = arith.addi %add3A_43, %add3A_816 : i32
        %get3A_818 = arith.index_cast %add3A_817 : i32 to index
        %get3A_819 = arith.constant 112 : index
        %get3A_820 = tpu.vector_load %arg6[%get3A_818, %get3A_819] {strides = array<i32>} : memref<128x128xf32, #tpu.memory_space<vmem>>, vector<16xf32>,
        %mul3A_821 = vector.broadcast %squeeze3A_731 : f32 to vector<16xf32>
        %mul3A_822 = arith.mulf %get3A_820, %mul3A_821 : vector<16xf32>
        %add3A_823 = arith.constant 7 : i32
        %add3A_824 = arith.addi %add3A_43, %add3A_823 : i32
        %swap3A_825 = arith.index_cast %add3A_824 : i32 to index
        %swap3A_826 = arith.constant 112 : index
        %swap3A_827 = tpu.vector_load %arg6[%swap3A_825, %swap3A_826] {strides = array<i32>} : memref<128x128xf32, #tpu.memory_space<vmem>>, vector<16xf32>,
        tpu.vector_store %arg6[%swap3A_825, %swap3A_826], %mul3A_822 {strides = array<i32>} : memref<128x128xf32, #tpu.memory_space<vmem>>, vector<16xf32>,
        %slice3A_828 = vector.extract_strided_slice %bitcast3A {offsets = [8], sizes = [1], strides = [1]} : vector<16xf32> to vector<1xf32>
        %squeeze3A_829 = vector.extract %slice3A_828[0] : f32 from vector<1xf32>
        %add3A_830 = arith.constant 8 : i32
        %add3A_831 = arith.addi %add3A_43, %add3A_830 : i32
        %get3A_832 = arith.index_cast %add3A_831 : i32 to index
        %get3A_833 = arith.constant 0 : index
        %get3A_834 = tpu.vector_load %arg6[%get3A_832, %get3A_833] {strides = array<i32>} : memref<128x128xf32, #tpu.memory_space<vmem>>, vector<16xf32>,
        %mul3A_835 = vector.broadcast %squeeze3A_829 : f32 to vector<16xf32>
        %mul3A_836 = arith.mulf %get3A_834, %mul3A_835 : vector<16xf32>
        %add3A_837 = arith.constant 8 : i32
        %add3A_838 = arith.addi %add3A_43, %add3A_837 : i32
        %swap3A_839 = arith.index_cast %add3A_838 : i32 to index
        %swap3A_840 = arith.constant 0 : index
        %swap3A_841 = tpu.vector_load %arg6[%swap3A_839, %swap3A_840] {strides = array<i32>} : memref<128x128xf32, #tpu.memory_space<vmem>>, vector<16xf32>,
        tpu.vector_store %arg6[%swap3A_839, %swap3A_840], %mul3A_836 {strides = array<i32>} : memref<128x128xf32, #tpu.memory_space<vmem>>, vector<16xf32>,
        %add3A_842 = arith.constant 8 : i32
        %add3A_843 = arith.addi %add3A_43, %add3A_842 : i32
        %get3A_844 = arith.index_cast %add3A_843 : i32 to index
        %get3A_845 = arith.constant 16 : index
        %get3A_846 = tpu.vector_load %arg6[%get3A_844, %get3A_845] {strides = array<i32>} : memref<128x128xf32, #tpu.memory_space<vmem>>, vector<16xf32>,
        %mul3A_847 = vector.broadcast %squeeze3A_829 : f32 to vector<16xf32>
        %mul3A_848 = arith.mulf %get3A_846, %mul3A_847 : vector<16xf32>
        %add3A_849 = arith.constant 8 : i32
        %add3A_850 = arith.addi %add3A_43, %add3A_849 : i32
        %swap3A_851 = arith.index_cast %add3A_850 : i32 to index
        %swap3A_852 = arith.constant 16 : index
        %swap3A_853 = tpu.vector_load %arg6[%swap3A_851, %swap3A_852] {strides = array<i32>} : memref<128x128xf32, #tpu.memory_space<vmem>>, vector<16xf32>,
        tpu.vector_store %arg6[%swap3A_851, %swap3A_852], %mul3A_848 {strides = array<i32>} : memref<128x128xf32, #tpu.memory_space<vmem>>, vector<16xf32>,
        %add3A_854 = arith.constant 8 : i32
        %add3A_855 = arith.addi %add3A_43, %add3A_854 : i32
        %get3A_856 = arith.index_cast %add3A_855 : i32 to index
        %get3A_857 = arith.constant 32 : index
        %get3A_858 = tpu.vector_load %arg6[%get3A_856, %get3A_857] {strides = array<i32>} : memref<128x128xf32, #tpu.memory_space<vmem>>, vector<16xf32>,
        %mul3A_859 = vector.broadcast %squeeze3A_829 : f32 to vector<16xf32>
        %mul3A_860 = arith.mulf %get3A_858, %mul3A_859 : vector<16xf32>
        %add3A_861 = arith.constant 8 : i32
        %add3A_862 = arith.addi %add3A_43, %add3A_861 : i32
        %swap3A_863 = arith.index_cast %add3A_862 : i32 to index
        %swap3A_864 = arith.constant 32 : index
        %swap3A_865 = tpu.vector_load %arg6[%swap3A_863, %swap3A_864] {strides = array<i32>} : memref<128x128xf32, #tpu.memory_space<vmem>>, vector<16xf32>,
        tpu.vector_store %arg6[%swap3A_863, %swap3A_864], %mul3A_860 {strides = array<i32>} : memref<128x128xf32, #tpu.memory_space<vmem>>, vector<16xf32>,
        %add3A_866 = arith.constant 8 : i32
        %add3A_867 = arith.addi %add3A_43, %add3A_866 : i32
        %get3A_868 = arith.index_cast %add3A_867 : i32 to index
        %get3A_869 = arith.constant 48 : index
        %get3A_870 = tpu.vector_load %arg6[%get3A_868, %get3A_869] {strides = array<i32>} : memref<128x128xf32, #tpu.memory_space<vmem>>, vector<16xf32>,
        %mul3A_871 = vector.broadcast %squeeze3A_829 : f32 to vector<16xf32>
        %mul3A_872 = arith.mulf %get3A_870, %mul3A_871 : vector<16xf32>
        %add3A_873 = arith.constant 8 : i32
        %add3A_874 = arith.addi %add3A_43, %add3A_873 : i32
        %swap3A_875 = arith.index_cast %add3A_874 : i32 to index
        %swap3A_876 = arith.constant 48 : index
        %swap3A_877 = tpu.vector_load %arg6[%swap3A_875, %swap3A_876] {strides = array<i32>} : memref<128x128xf32, #tpu.memory_space<vmem>>, vector<16xf32>,
        tpu.vector_store %arg6[%swap3A_875, %swap3A_876], %mul3A_872 {strides = array<i32>} : memref<128x128xf32, #tpu.memory_space<vmem>>, vector<16xf32>,
        %add3A_878 = arith.constant 8 : i32
        %add3A_879 = arith.addi %add3A_43, %add3A_878 : i32
        %get3A_880 = arith.index_cast %add3A_879 : i32 to index
        %get3A_881 = arith.constant 64 : index
        %get3A_882 = tpu.vector_load %arg6[%get3A_880, %get3A_881] {strides = array<i32>} : memref<128x128xf32, #tpu.memory_space<vmem>>, vector<16xf32>,
        %mul3A_883 = vector.broadcast %squeeze3A_829 : f32 to vector<16xf32>
        %mul3A_884 = arith.mulf %get3A_882, %mul3A_883 : vector<16xf32>
        %add3A_885 = arith.constant 8 : i32
        %add3A_886 = arith.addi %add3A_43, %add3A_885 : i32
        %swap3A_887 = arith.index_cast %add3A_886 : i32 to index
        %swap3A_888 = arith.constant 64 : index
        %swap3A_889 = tpu.vector_load %arg6[%swap3A_887, %swap3A_888] {strides = array<i32>} : memref<128x128xf32, #tpu.memory_space<vmem>>, vector<16xf32>,
        tpu.vector_store %arg6[%swap3A_887, %swap3A_888], %mul3A_884 {strides = array<i32>} : memref<128x128xf32, #tpu.memory_space<vmem>>, vector<16xf32>,
        %add3A_890 = arith.constant 8 : i32
        %add3A_891 = arith.addi %add3A_43, %add3A_890 : i32
        %get3A_892 = arith.index_cast %add3A_891 : i32 to index
        %get3A_893 = arith.constant 80 : index
        %get3A_894 = tpu.vector_load %arg6[%get3A_892, %get3A_893] {strides = array<i32>} : memref<128x128xf32, #tpu.memory_space<vmem>>, vector<16xf32>,
        %mul3A_895 = vector.broadcast %squeeze3A_829 : f32 to vector<16xf32>
        %mul3A_896 = arith.mulf %get3A_894, %mul3A_895 : vector<16xf32>
        %add3A_897 = arith.constant 8 : i32
        %add3A_898 = arith.addi %add3A_43, %add3A_897 : i32
        %swap3A_899 = arith.index_cast %add3A_898 : i32 to index
        %swap3A_900 = arith.constant 80 : index
        %swap3A_901 = tpu.vector_load %arg6[%swap3A_899, %swap3A_900] {strides = array<i32>} : memref<128x128xf32, #tpu.memory_space<vmem>>, vector<16xf32>,
        tpu.vector_store %arg6[%swap3A_899, %swap3A_900], %mul3A_896 {strides = array<i32>} : memref<128x128xf32, #tpu.memory_space<vmem>>, vector<16xf32>,
        %add3A_902 = arith.constant 8 : i32
        %add3A_903 = arith.addi %add3A_43, %add3A_902 : i32
        %get3A_904 = arith.index_cast %add3A_903 : i32 to index
        %get3A_905 = arith.constant 96 : index
        %get3A_906 = tpu.vector_load %arg6[%get3A_904, %get3A_905] {strides = array<i32>} : memref<128x128xf32, #tpu.memory_space<vmem>>, vector<16xf32>,
        %mul3A_907 = vector.broadcast %squeeze3A_829 : f32 to vector<16xf32>
        %mul3A_908 = arith.mulf %get3A_906, %mul3A_907 : vector<16xf32>
        %add3A_909 = arith.constant 8 : i32
        %add3A_910 = arith.addi %add3A_43, %add3A_909 : i32
        %swap3A_911 = arith.index_cast %add3A_910 : i32 to index
        %swap3A_912 = arith.constant 96 : index
        %swap3A_913 = tpu.vector_load %arg6[%swap3A_911, %swap3A_912] {strides = array<i32>} : memref<128x128xf32, #tpu.memory_space<vmem>>, vector<16xf32>,
        tpu.vector_store %arg6[%swap3A_911, %swap3A_912], %mul3A_908 {strides = array<i32>} : memref<128x128xf32, #tpu.memory_space<vmem>>, vector<16xf32>,
        %add3A_914 = arith.constant 8 : i32
        %add3A_915 = arith.addi %add3A_43, %add3A_914 : i32
        %get3A_916 = arith.index_cast %add3A_915 : i32 to index
        %get3A_917 = arith.constant 112 : index
        %get3A_918 = tpu.vector_load %arg6[%get3A_916, %get3A_917] {strides = array<i32>} : memref<128x128xf32, #tpu.memory_space<vmem>>, vector<16xf32>,
        %mul3A_919 = vector.broadcast %squeeze3A_829 : f32 to vector<16xf32>
        %mul3A_920 = arith.mulf %get3A_918, %mul3A_919 : vector<16xf32>
        %add3A_921 = arith.constant 8 : i32
        %add3A_922 = arith.addi %add3A_43, %add3A_921 : i32
        %swap3A_923 = arith.index_cast %add3A_922 : i32 to index
        %swap3A_924 = arith.constant 112 : index
        %swap3A_925 = tpu.vector_load %arg6[%swap3A_923, %swap3A_924] {strides = array<i32>} : memref<128x128xf32, #tpu.memory_space<vmem>>, vector<16xf32>,
        tpu.vector_store %arg6[%swap3A_923, %swap3A_924], %mul3A_920 {strides = array<i32>} : memref<128x128xf32, #tpu.memory_space<vmem>>, vector<16xf32>,
        %slice3A_926 = vector.extract_strided_slice %bitcast3A {offsets = [9], sizes = [1], strides = [1]} : vector<16xf32> to vector<1xf32>
        %squeeze3A_927 = vector.extract %slice3A_926[0] : f32 from vector<1xf32>
        %add3A_928 = arith.constant 9 : i32
        %add3A_929 = arith.addi %add3A_43, %add3A_928 : i32
        %get3A_930 = arith.index_cast %add3A_929 : i32 to index
        %get3A_931 = arith.constant 0 : index
        %get3A_932 = tpu.vector_load %arg6[%get3A_930, %get3A_931] {strides = array<i32>} : memref<128x128xf32, #tpu.memory_space<vmem>>, vector<16xf32>,
        %mul3A_933 = vector.broadcast %squeeze3A_927 : f32 to vector<16xf32>
        %mul3A_934 = arith.mulf %get3A_932, %mul3A_933 : vector<16xf32>
        %add3A_935 = arith.constant 9 : i32
        %add3A_936 = arith.addi %add3A_43, %add3A_935 : i32
        %swap3A_937 = arith.index_cast %add3A_936 : i32 to index
        %swap3A_938 = arith.constant 0 : index
        %swap3A_939 = tpu.vector_load %arg6[%swap3A_937, %swap3A_938] {strides = array<i32>} : memref<128x128xf32, #tpu.memory_space<vmem>>, vector<16xf32>,
        tpu.vector_store %arg6[%swap3A_937, %swap3A_938], %mul3A_934 {strides = array<i32>} : memref<128x128xf32, #tpu.memory_space<vmem>>, vector<16xf32>,
        %add3A_940 = arith.constant 9 : i32
        %add3A_941 = arith.addi %add3A_43, %add3A_940 : i32
        %get3A_942 = arith.index_cast %add3A_941 : i32 to index
        %get3A_943 = arith.constant 16 : index
        %get3A_944 = tpu.vector_load %arg6[%get3A_942, %get3A_943] {strides = array<i32>} : memref<128x128xf32, #tpu.memory_space<vmem>>, vector<16xf32>,
        %mul3A_945 = vector.broadcast %squeeze3A_927 : f32 to vector<16xf32>
        %mul3A_946 = arith.mulf %get3A_944, %mul3A_945 : vector<16xf32>
        %add3A_947 = arith.constant 9 : i32
        %add3A_948 = arith.addi %add3A_43, %add3A_947 : i32
        %swap3A_949 = arith.index_cast %add3A_948 : i32 to index
        %swap3A_950 = arith.constant 16 : index
        %swap3A_951 = tpu.vector_load %arg6[%swap3A_949, %swap3A_950] {strides = array<i32>} : memref<128x128xf32, #tpu.memory_space<vmem>>, vector<16xf32>,
        tpu.vector_store %arg6[%swap3A_949, %swap3A_950], %mul3A_946 {strides = array<i32>} : memref<128x128xf32, #tpu.memory_space<vmem>>, vector<16xf32>,
        %add3A_952 = arith.constant 9 : i32
        %add3A_953 = arith.addi %add3A_43, %add3A_952 : i32
        %get3A_954 = arith.index_cast %add3A_953 : i32 to index
        %get3A_955 = arith.constant 32 : index
        %get3A_956 = tpu.vector_load %arg6[%get3A_954, %get3A_955] {strides = array<i32>} : memref<128x128xf32, #tpu.memory_space<vmem>>, vector<16xf32>,
        %mul3A_957 = vector.broadcast %squeeze3A_927 : f32 to vector<16xf32>
        %mul3A_958 = arith.mulf %get3A_956, %mul3A_957 : vector<16xf32>
        %add3A_959 = arith.constant 9 : i32
        %add3A_960 = arith.addi %add3A_43, %add3A_959 : i32
        %swap3A_961 = arith.index_cast %add3A_960 : i32 to index
        %swap3A_962 = arith.constant 32 : index
        %swap3A_963 = tpu.vector_load %arg6[%swap3A_961, %swap3A_962] {strides = array<i32>} : memref<128x128xf32, #tpu.memory_space<vmem>>, vector<16xf32>,
        tpu.vector_store %arg6[%swap3A_961, %swap3A_962], %mul3A_958 {strides = array<i32>} : memref<128x128xf32, #tpu.memory_space<vmem>>, vector<16xf32>,
        %add3A_964 = arith.constant 9 : i32
        %add3A_965 = arith.addi %add3A_43, %add3A_964 : i32
        %get3A_966 = arith.index_cast %add3A_965 : i32 to index
        %get3A_967 = arith.constant 48 : index
        %get3A_968 = tpu.vector_load %arg6[%get3A_966, %get3A_967] {strides = array<i32>} : memref<128x128xf32, #tpu.memory_space<vmem>>, vector<16xf32>,
        %mul3A_969 = vector.broadcast %squeeze3A_927 : f32 to vector<16xf32>
        %mul3A_970 = arith.mulf %get3A_968, %mul3A_969 : vector<16xf32>
        %add3A_971 = arith.constant 9 : i32
        %add3A_972 = arith.addi %add3A_43, %add3A_971 : i32
        %swap3A_973 = arith.index_cast %add3A_972 : i32 to index
        %swap3A_974 = arith.constant 48 : index
        %swap3A_975 = tpu.vector_load %arg6[%swap3A_973, %swap3A_974] {strides = array<i32>} : memref<128x128xf32, #tpu.memory_space<vmem>>, vector<16xf32>,
        tpu.vector_store %arg6[%swap3A_973, %swap3A_974], %mul3A_970 {strides = array<i32>} : memref<128x128xf32, #tpu.memory_space<vmem>>, vector<16xf32>,
        %add3A_976 = arith.constant 9 : i32
        %add3A_977 = arith.addi %add3A_43, %add3A_976 : i32
        %get3A_978 = arith.index_cast %add3A_977 : i32 to index
        %get3A_979 = arith.constant 64 : index
        %get3A_980 = tpu.vector_load %arg6[%get3A_978, %get3A_979] {strides = array<i32>} : memref<128x128xf32, #tpu.memory_space<vmem>>, vector<16xf32>,
        %mul3A_981 = vector.broadcast %squeeze3A_927 : f32 to vector<16xf32>
        %mul3A_982 = arith.mulf %get3A_980, %mul3A_981 : vector<16xf32>
        %add3A_983 = arith.constant 9 : i32
        %add3A_984 = arith.addi %add3A_43, %add3A_983 : i32
        %swap3A_985 = arith.index_cast %add3A_984 : i32 to index
        %swap3A_986 = arith.constant 64 : index
        %swap3A_987 = tpu.vector_load %arg6[%swap3A_985, %swap3A_986] {strides = array<i32>} : memref<128x128xf32, #tpu.memory_space<vmem>>, vector<16xf32>,
        tpu.vector_store %arg6[%swap3A_985, %swap3A_986], %mul3A_982 {strides = array<i32>} : memref<128x128xf32, #tpu.memory_space<vmem>>, vector<16xf32>,
        %add3A_988 = arith.constant 9 : i32
        %add3A_989 = arith.addi %add3A_43, %add3A_988 : i32
        %get3A_990 = arith.index_cast %add3A_989 : i32 to index
        %get3A_991 = arith.constant 80 : index
        %get3A_992 = tpu.vector_load %arg6[%get3A_990, %get3A_991] {strides = array<i32>} : memref<128x128xf32, #tpu.memory_space<vmem>>, vector<16xf32>,
        %mul3A_993 = vector.broadcast %squeeze3A_927 : f32 to vector<16xf32>
        %mul3A_994 = arith.mulf %get3A_992, %mul3A_993 : vector<16xf32>
        %add3A_995 = arith.constant 9 : i32
        %add3A_996 = arith.addi %add3A_43, %add3A_995 : i32
        %swap3A_997 = arith.index_cast %add3A_996 : i32 to index
        %swap3A_998 = arith.constant 80 : index
        %swap3A_999 = tpu.vector_load %arg6[%swap3A_997, %swap3A_998] {strides = array<i32>} : memref<128x128xf32, #tpu.memory_space<vmem>>, vector<16xf32>,
        tpu.vector_store %arg6[%swap3A_997, %swap3A_998], %mul3A_994 {strides = array<i32>} : memref<128x128xf32, #tpu.memory_space<vmem>>, vector<16xf32>,
        %add3A_1000 = arith.constant 9 : i32
        %add3A_1001 = arith.addi %add3A_43, %add3A_1000 : i32
        %get3A_1002 = arith.index_cast %add3A_1001 : i32 to index
        %get3A_1003 = arith.constant 96 : index
        %get3A_1004 = tpu.vector_load %arg6[%get3A_1002, %get3A_1003] {strides = array<i32>} : memref<128x128xf32, #tpu.memory_space<vmem>>, vector<16xf32>,
        %mul3A_1005 = vector.broadcast %squeeze3A_927 : f32 to vector<16xf32>
        %mul3A_1006 = arith.mulf %get3A_1004, %mul3A_1005 : vector<16xf32>
        %add3A_1007 = arith.constant 9 : i32
        %add3A_1008 = arith.addi %add3A_43, %add3A_1007 : i32
        %swap3A_1009 = arith.index_cast %add3A_1008 : i32 to index
        %swap3A_1010 = arith.constant 96 : index
        %swap3A_1011 = tpu.vector_load %arg6[%swap3A_1009, %swap3A_1010] {strides = array<i32>} : memref<128x128xf32, #tpu.memory_space<vmem>>, vector<16xf32>,
        tpu.vector_store %arg6[%swap3A_1009, %swap3A_1010], %mul3A_1006 {strides = array<i32>} : memref<128x128xf32, #tpu.memory_space<vmem>>, vector<16xf32>,
        %add3A_1012 = arith.constant 9 : i32
        %add3A_1013 = arith.addi %add3A_43, %add3A_1012 : i32
        %get3A_1014 = arith.index_cast %add3A_1013 : i32 to index
        %get3A_1015 = arith.constant 112 : index
        %get3A_1016 = tpu.vector_load %arg6[%get3A_1014, %get3A_1015] {strides = array<i32>} : memref<128x128xf32, #tpu.memory_space<vmem>>, vector<16xf32>,
        %mul3A_1017 = vector.broadcast %squeeze3A_927 : f32 to vector<16xf32>
        %mul3A_1018 = arith.mulf %get3A_1016, %mul3A_1017 : vector<16xf32>
        %add3A_1019 = arith.constant 9 : i32
        %add3A_1020 = arith.addi %add3A_43, %add3A_1019 : i32
        %swap3A_1021 = arith.index_cast %add3A_1020 : i32 to index
        %swap3A_1022 = arith.constant 112 : index
        %swap3A_1023 = tpu.vector_load %arg6[%swap3A_1021, %swap3A_1022] {strides = array<i32>} : memref<128x128xf32, #tpu.memory_space<vmem>>, vector<16xf32>,
        tpu.vector_store %arg6[%swap3A_1021, %swap3A_1022], %mul3A_1018 {strides = array<i32>} : memref<128x128xf32, #tpu.memory_space<vmem>>, vector<16xf32>,
        %slice3A_1024 = vector.extract_strided_slice %bitcast3A {offsets = [10], sizes = [1], strides = [1]} : vector<16xf32> to vector<1xf32>
        %squeeze3A_1025 = vector.extract %slice3A_1024[0] : f32 from vector<1xf32>
        %add3A_1026 = arith.constant 10 : i32
        %add3A_1027 = arith.addi %add3A_43, %add3A_1026 : i32
        %get3A_1028 = arith.index_cast %add3A_1027 : i32 to index
        %get3A_1029 = arith.constant 0 : index
        %get3A_1030 = tpu.vector_load %arg6[%get3A_1028, %get3A_1029] {strides = array<i32>} : memref<128x128xf32, #tpu.memory_space<vmem>>, vector<16xf32>,
        %mul3A_1031 = vector.broadcast %squeeze3A_1025 : f32 to vector<16xf32>
        %mul3A_1032 = arith.mulf %get3A_1030, %mul3A_1031 : vector<16xf32>
        %add3A_1033 = arith.constant 10 : i32
        %add3A_1034 = arith.addi %add3A_43, %add3A_1033 : i32
        %swap3A_1035 = arith.index_cast %add3A_1034 : i32 to index
        %swap3A_1036 = arith.constant 0 : index
        %swap3A_1037 = tpu.vector_load %arg6[%swap3A_1035, %swap3A_1036] {strides = array<i32>} : memref<128x128xf32, #tpu.memory_space<vmem>>, vector<16xf32>,
        tpu.vector_store %arg6[%swap3A_1035, %swap3A_1036], %mul3A_1032 {strides = array<i32>} : memref<128x128xf32, #tpu.memory_space<vmem>>, vector<16xf32>,
        %add3A_1038 = arith.constant 10 : i32
        %add3A_1039 = arith.addi %add3A_43, %add3A_1038 : i32
        %get3A_1040 = arith.index_cast %add3A_1039 : i32 to index
        %get3A_1041 = arith.constant 16 : index
        %get3A_1042 = tpu.vector_load %arg6[%get3A_1040, %get3A_1041] {strides = array<i32>} : memref<128x128xf32, #tpu.memory_space<vmem>>, vector<16xf32>,
        %mul3A_1043 = vector.broadcast %squeeze3A_1025 : f32 to vector<16xf32>
        %mul3A_1044 = arith.mulf %get3A_1042, %mul3A_1043 : vector<16xf32>
        %add3A_1045 = arith.constant 10 : i32
        %add3A_1046 = arith.addi %add3A_43, %add3A_1045 : i32
        %swap3A_1047 = arith.index_cast %add3A_1046 : i32 to index
        %swap3A_1048 = arith.constant 16 : index
        %swap3A_1049 = tpu.vector_load %arg6[%swap3A_1047, %swap3A_1048] {strides = array<i32>} : memref<128x128xf32, #tpu.memory_space<vmem>>, vector<16xf32>,
        tpu.vector_store %arg6[%swap3A_1047, %swap3A_1048], %mul3A_1044 {strides = array<i32>} : memref<128x128xf32, #tpu.memory_space<vmem>>, vector<16xf32>,
        %add3A_1050 = arith.constant 10 : i32
        %add3A_1051 = arith.addi %add3A_43, %add3A_1050 : i32
        %get3A_1052 = arith.index_cast %add3A_1051 : i32 to index
        %get3A_1053 = arith.constant 32 : index
        %get3A_1054 = tpu.vector_load %arg6[%get3A_1052, %get3A_1053] {strides = array<i32>} : memref<128x128xf32, #tpu.memory_space<vmem>>, vector<16xf32>,
        %mul3A_1055 = vector.broadcast %squeeze3A_1025 : f32 to vector<16xf32>
        %mul3A_1056 = arith.mulf %get3A_1054, %mul3A_1055 : vector<16xf32>
        %add3A_1057 = arith.constant 10 : i32
        %add3A_1058 = arith.addi %add3A_43, %add3A_1057 : i32
        %swap3A_1059 = arith.index_cast %add3A_1058 : i32 to index
        %swap3A_1060 = arith.constant 32 : index
        %swap3A_1061 = tpu.vector_load %arg6[%swap3A_1059, %swap3A_1060] {strides = array<i32>} : memref<128x128xf32, #tpu.memory_space<vmem>>, vector<16xf32>,
        tpu.vector_store %arg6[%swap3A_1059, %swap3A_1060], %mul3A_1056 {strides = array<i32>} : memref<128x128xf32, #tpu.memory_space<vmem>>, vector<16xf32>,
        %add3A_1062 = arith.constant 10 : i32
        %add3A_1063 = arith.addi %add3A_43, %add3A_1062 : i32
        %get3A_1064 = arith.index_cast %add3A_1063 : i32 to index
        %get3A_1065 = arith.constant 48 : index
        %get3A_1066 = tpu.vector_load %arg6[%get3A_1064, %get3A_1065] {strides = array<i32>} : memref<128x128xf32, #tpu.memory_space<vmem>>, vector<16xf32>,
        %mul3A_1067 = vector.broadcast %squeeze3A_1025 : f32 to vector<16xf32>
        %mul3A_1068 = arith.mulf %get3A_1066, %mul3A_1067 : vector<16xf32>
        %add3A_1069 = arith.constant 10 : i32
        %add3A_1070 = arith.addi %add3A_43, %add3A_1069 : i32
        %swap3A_1071 = arith.index_cast %add3A_1070 : i32 to index
        %swap3A_1072 = arith.constant 48 : index
        %swap3A_1073 = tpu.vector_load %arg6[%swap3A_1071, %swap3A_1072] {strides = array<i32>} : memref<128x128xf32, #tpu.memory_space<vmem>>, vector<16xf32>,
        tpu.vector_store %arg6[%swap3A_1071, %swap3A_1072], %mul3A_1068 {strides = array<i32>} : memref<128x128xf32, #tpu.memory_space<vmem>>, vector<16xf32>,
        %add3A_1074 = arith.constant 10 : i32
        %add3A_1075 = arith.addi %add3A_43, %add3A_1074 : i32
        %get3A_1076 = arith.index_cast %add3A_1075 : i32 to index
        %get3A_1077 = arith.constant 64 : index
        %get3A_1078 = tpu.vector_load %arg6[%get3A_1076, %get3A_1077] {strides = array<i32>} : memref<128x128xf32, #tpu.memory_space<vmem>>, vector<16xf32>,
        %mul3A_1079 = vector.broadcast %squeeze3A_1025 : f32 to vector<16xf32>
        %mul3A_1080 = arith.mulf %get3A_1078, %mul3A_1079 : vector<16xf32>
        %add3A_1081 = arith.constant 10 : i32
        %add3A_1082 = arith.addi %add3A_43, %add3A_1081 : i32
        %swap3A_1083 = arith.index_cast %add3A_1082 : i32 to index
        %swap3A_1084 = arith.constant 64 : index
        %swap3A_1085 = tpu.vector_load %arg6[%swap3A_1083, %swap3A_1084] {strides = array<i32>} : memref<128x128xf32, #tpu.memory_space<vmem>>, vector<16xf32>,
        tpu.vector_store %arg6[%swap3A_1083, %swap3A_1084], %mul3A_1080 {strides = array<i32>} : memref<128x128xf32, #tpu.memory_space<vmem>>, vector<16xf32>,
        %add3A_1086 = arith.constant 10 : i32
        %add3A_1087 = arith.addi %add3A_43, %add3A_1086 : i32
        %get3A_1088 = arith.index_cast %add3A_1087 : i32 to index
        %get3A_1089 = arith.constant 80 : index
        %get3A_1090 = tpu.vector_load %arg6[%get3A_1088, %get3A_1089] {strides = array<i32>} : memref<128x128xf32, #tpu.memory_space<vmem>>, vector<16xf32>,
        %mul3A_1091 = vector.broadcast %squeeze3A_1025 : f32 to vector<16xf32>
        %mul3A_1092 = arith.mulf %get3A_1090, %mul3A_1091 : vector<16xf32>
        %add3A_1093 = arith.constant 10 : i32
        %add3A_1094 = arith.addi %add3A_43, %add3A_1093 : i32
        %swap3A_1095 = arith.index_cast %add3A_1094 : i32 to index
        %swap3A_1096 = arith.constant 80 : index
        %swap3A_1097 = tpu.vector_load %arg6[%swap3A_1095, %swap3A_1096] {strides = array<i32>} : memref<128x128xf32, #tpu.memory_space<vmem>>, vector<16xf32>,
        tpu.vector_store %arg6[%swap3A_1095, %swap3A_1096], %mul3A_1092 {strides = array<i32>} : memref<128x128xf32, #tpu.memory_space<vmem>>, vector<16xf32>,
        %add3A_1098 = arith.constant 10 : i32
        %add3A_1099 = arith.addi %add3A_43, %add3A_1098 : i32
        %get3A_1100 = arith.index_cast %add3A_1099 : i32 to index
        %get3A_1101 = arith.constant 96 : index
        %get3A_1102 = tpu.vector_load %arg6[%get3A_1100, %get3A_1101] {strides = array<i32>} : memref<128x128xf32, #tpu.memory_space<vmem>>, vector<16xf32>,
        %mul3A_1103 = vector.broadcast %squeeze3A_1025 : f32 to vector<16xf32>
        %mul3A_1104 = arith.mulf %get3A_1102, %mul3A_1103 : vector<16xf32>
        %add3A_1105 = arith.constant 10 : i32
        %add3A_1106 = arith.addi %add3A_43, %add3A_1105 : i32
        %swap3A_1107 = arith.index_cast %add3A_1106 : i32 to index
        %swap3A_1108 = arith.constant 96 : index
        %swap3A_1109 = tpu.vector_load %arg6[%swap3A_1107, %swap3A_1108] {strides = array<i32>} : memref<128x128xf32, #tpu.memory_space<vmem>>, vector<16xf32>,
        tpu.vector_store %arg6[%swap3A_1107, %swap3A_1108], %mul3A_1104 {strides = array<i32>} : memref<128x128xf32, #tpu.memory_space<vmem>>, vector<16xf32>,
        %add3A_1110 = arith.constant 10 : i32
        %add3A_1111 = arith.addi %add3A_43, %add3A_1110 : i32
        %get3A_1112 = arith.index_cast %add3A_1111 : i32 to index
        %get3A_1113 = arith.constant 112 : index
        %get3A_1114 = tpu.vector_load %arg6[%get3A_1112, %get3A_1113] {strides = array<i32>} : memref<128x128xf32, #tpu.memory_space<vmem>>, vector<16xf32>,
        %mul3A_1115 = vector.broadcast %squeeze3A_1025 : f32 to vector<16xf32>
        %mul3A_1116 = arith.mulf %get3A_1114, %mul3A_1115 : vector<16xf32>
        %add3A_1117 = arith.constant 10 : i32
        %add3A_1118 = arith.addi %add3A_43, %add3A_1117 : i32
        %swap3A_1119 = arith.index_cast %add3A_1118 : i32 to index
        %swap3A_1120 = arith.constant 112 : index
        %swap3A_1121 = tpu.vector_load %arg6[%swap3A_1119, %swap3A_1120] {strides = array<i32>} : memref<128x128xf32, #tpu.memory_space<vmem>>, vector<16xf32>,
        tpu.vector_store %arg6[%swap3A_1119, %swap3A_1120], %mul3A_1116 {strides = array<i32>} : memref<128x128xf32, #tpu.memory_space<vmem>>, vector<16xf32>,
        %slice3A_1122 = vector.extract_strided_slice %bitcast3A {offsets = [11], sizes = [1], strides = [1]} : vector<16xf32> to vector<1xf32>
        %squeeze3A_1123 = vector.extract %slice3A_1122[0] : f32 from vector<1xf32>
        %add3A_1124 = arith.constant 11 : i32
        %add3A_1125 = arith.addi %add3A_43, %add3A_1124 : i32
        %get3A_1126 = arith.index_cast %add3A_1125 : i32 to index
        %get3A_1127 = arith.constant 0 : index
        %get3A_1128 = tpu.vector_load %arg6[%get3A_1126, %get3A_1127] {strides = array<i32>} : memref<128x128xf32, #tpu.memory_space<vmem>>, vector<16xf32>,
        %mul3A_1129 = vector.broadcast %squeeze3A_1123 : f32 to vector<16xf32>
        %mul3A_1130 = arith.mulf %get3A_1128, %mul3A_1129 : vector<16xf32>
        %add3A_1131 = arith.constant 11 : i32
        %add3A_1132 = arith.addi %add3A_43, %add3A_1131 : i32
        %swap3A_1133 = arith.index_cast %add3A_1132 : i32 to index
        %swap3A_1134 = arith.constant 0 : index
        %swap3A_1135 = tpu.vector_load %arg6[%swap3A_1133, %swap3A_1134] {strides = array<i32>} : memref<128x128xf32, #tpu.memory_space<vmem>>, vector<16xf32>,
        tpu.vector_store %arg6[%swap3A_1133, %swap3A_1134], %mul3A_1130 {strides = array<i32>} : memref<128x128xf32, #tpu.memory_space<vmem>>, vector<16xf32>,
        %add3A_1136 = arith.constant 11 : i32
        %add3A_1137 = arith.addi %add3A_43, %add3A_1136 : i32
        %get3A_1138 = arith.index_cast %add3A_1137 : i32 to index
        %get3A_1139 = arith.constant 16 : index
        %get3A_1140 = tpu.vector_load %arg6[%get3A_1138, %get3A_1139] {strides = array<i32>} : memref<128x128xf32, #tpu.memory_space<vmem>>, vector<16xf32>,
        %mul3A_1141 = vector.broadcast %squeeze3A_1123 : f32 to vector<16xf32>
        %mul3A_1142 = arith.mulf %get3A_1140, %mul3A_1141 : vector<16xf32>
        %add3A_1143 = arith.constant 11 : i32
        %add3A_1144 = arith.addi %add3A_43, %add3A_1143 : i32
        %swap3A_1145 = arith.index_cast %add3A_1144 : i32 to index
        %swap3A_1146 = arith.constant 16 : index
        %swap3A_1147 = tpu.vector_load %arg6[%swap3A_1145, %swap3A_1146] {strides = array<i32>} : memref<128x128xf32, #tpu.memory_space<vmem>>, vector<16xf32>,
        tpu.vector_store %arg6[%swap3A_1145, %swap3A_1146], %mul3A_1142 {strides = array<i32>} : memref<128x128xf32, #tpu.memory_space<vmem>>, vector<16xf32>,
        %add3A_1148 = arith.constant 11 : i32
        %add3A_1149 = arith.addi %add3A_43, %add3A_1148 : i32
        %get3A_1150 = arith.index_cast %add3A_1149 : i32 to index
        %get3A_1151 = arith.constant 32 : index
        %get3A_1152 = tpu.vector_load %arg6[%get3A_1150, %get3A_1151] {strides = array<i32>} : memref<128x128xf32, #tpu.memory_space<vmem>>, vector<16xf32>,
        %mul3A_1153 = vector.broadcast %squeeze3A_1123 : f32 to vector<16xf32>
        %mul3A_1154 = arith.mulf %get3A_1152, %mul3A_1153 : vector<16xf32>
        %add3A_1155 = arith.constant 11 : i32
        %add3A_1156 = arith.addi %add3A_43, %add3A_1155 : i32
        %swap3A_1157 = arith.index_cast %add3A_1156 : i32 to index
        %swap3A_1158 = arith.constant 32 : index
        %swap3A_1159 = tpu.vector_load %arg6[%swap3A_1157, %swap3A_1158] {strides = array<i32>} : memref<128x128xf32, #tpu.memory_space<vmem>>, vector<16xf32>,
        tpu.vector_store %arg6[%swap3A_1157, %swap3A_1158], %mul3A_1154 {strides = array<i32>} : memref<128x128xf32, #tpu.memory_space<vmem>>, vector<16xf32>,
        %add3A_1160 = arith.constant 11 : i32
        %add3A_1161 = arith.addi %add3A_43, %add3A_1160 : i32
        %get3A_1162 = arith.index_cast %add3A_1161 : i32 to index
        %get3A_1163 = arith.constant 48 : index
        %get3A_1164 = tpu.vector_load %arg6[%get3A_1162, %get3A_1163] {strides = array<i32>} : memref<128x128xf32, #tpu.memory_space<vmem>>, vector<16xf32>,
        %mul3A_1165 = vector.broadcast %squeeze3A_1123 : f32 to vector<16xf32>
        %mul3A_1166 = arith.mulf %get3A_1164, %mul3A_1165 : vector<16xf32>
        %add3A_1167 = arith.constant 11 : i32
        %add3A_1168 = arith.addi %add3A_43, %add3A_1167 : i32
        %swap3A_1169 = arith.index_cast %add3A_1168 : i32 to index
        %swap3A_1170 = arith.constant 48 : index
        %swap3A_1171 = tpu.vector_load %arg6[%swap3A_1169, %swap3A_1170] {strides = array<i32>} : memref<128x128xf32, #tpu.memory_space<vmem>>, vector<16xf32>,
        tpu.vector_store %arg6[%swap3A_1169, %swap3A_1170], %mul3A_1166 {strides = array<i32>} : memref<128x128xf32, #tpu.memory_space<vmem>>, vector<16xf32>,
        %add3A_1172 = arith.constant 11 : i32
        %add3A_1173 = arith.addi %add3A_43, %add3A_1172 : i32
        %get3A_1174 = arith.index_cast %add3A_1173 : i32 to index
        %get3A_1175 = arith.constant 64 : index
        %get3A_1176 = tpu.vector_load %arg6[%get3A_1174, %get3A_1175] {strides = array<i32>} : memref<128x128xf32, #tpu.memory_space<vmem>>, vector<16xf32>,
        %mul3A_1177 = vector.broadcast %squeeze3A_1123 : f32 to vector<16xf32>
        %mul3A_1178 = arith.mulf %get3A_1176, %mul3A_1177 : vector<16xf32>
        %add3A_1179 = arith.constant 11 : i32
        %add3A_1180 = arith.addi %add3A_43, %add3A_1179 : i32
        %swap3A_1181 = arith.index_cast %add3A_1180 : i32 to index
        %swap3A_1182 = arith.constant 64 : index
        %swap3A_1183 = tpu.vector_load %arg6[%swap3A_1181, %swap3A_1182] {strides = array<i32>} : memref<128x128xf32, #tpu.memory_space<vmem>>, vector<16xf32>,
        tpu.vector_store %arg6[%swap3A_1181, %swap3A_1182], %mul3A_1178 {strides = array<i32>} : memref<128x128xf32, #tpu.memory_space<vmem>>, vector<16xf32>,
        %add3A_1184 = arith.constant 11 : i32
        %add3A_1185 = arith.addi %add3A_43, %add3A_1184 : i32
        %get3A_1186 = arith.index_cast %add3A_1185 : i32 to index
        %get3A_1187 = arith.constant 80 : index
        %get3A_1188 = tpu.vector_load %arg6[%get3A_1186, %get3A_1187] {strides = array<i32>} : memref<128x128xf32, #tpu.memory_space<vmem>>, vector<16xf32>,
        %mul3A_1189 = vector.broadcast %squeeze3A_1123 : f32 to vector<16xf32>
        %mul3A_1190 = arith.mulf %get3A_1188, %mul3A_1189 : vector<16xf32>
        %add3A_1191 = arith.constant 11 : i32
        %add3A_1192 = arith.addi %add3A_43, %add3A_1191 : i32
        %swap3A_1193 = arith.index_cast %add3A_1192 : i32 to index
        %swap3A_1194 = arith.constant 80 : index
        %swap3A_1195 = tpu.vector_load %arg6[%swap3A_1193, %swap3A_1194] {strides = array<i32>} : memref<128x128xf32, #tpu.memory_space<vmem>>, vector<16xf32>,
        tpu.vector_store %arg6[%swap3A_1193, %swap3A_1194], %mul3A_1190 {strides = array<i32>} : memref<128x128xf32, #tpu.memory_space<vmem>>, vector<16xf32>,
        %add3A_1196 = arith.constant 11 : i32
        %add3A_1197 = arith.addi %add3A_43, %add3A_1196 : i32
        %get3A_1198 = arith.index_cast %add3A_1197 : i32 to index
        %get3A_1199 = arith.constant 96 : index
        %get3A_1200 = tpu.vector_load %arg6[%get3A_1198, %get3A_1199] {strides = array<i32>} : memref<128x128xf32, #tpu.memory_space<vmem>>, vector<16xf32>,
        %mul3A_1201 = vector.broadcast %squeeze3A_1123 : f32 to vector<16xf32>
        %mul3A_1202 = arith.mulf %get3A_1200, %mul3A_1201 : vector<16xf32>
        %add3A_1203 = arith.constant 11 : i32
        %add3A_1204 = arith.addi %add3A_43, %add3A_1203 : i32
        %swap3A_1205 = arith.index_cast %add3A_1204 : i32 to index
        %swap3A_1206 = arith.constant 96 : index
        %swap3A_1207 = tpu.vector_load %arg6[%swap3A_1205, %swap3A_1206] {strides = array<i32>} : memref<128x128xf32, #tpu.memory_space<vmem>>, vector<16xf32>,
        tpu.vector_store %arg6[%swap3A_1205, %swap3A_1206], %mul3A_1202 {strides = array<i32>} : memref<128x128xf32, #tpu.memory_space<vmem>>, vector<16xf32>,
        %add3A_1208 = arith.constant 11 : i32
        %add3A_1209 = arith.addi %add3A_43, %add3A_1208 : i32
        %get3A_1210 = arith.index_cast %add3A_1209 : i32 to index
        %get3A_1211 = arith.constant 112 : index
        %get3A_1212 = tpu.vector_load %arg6[%get3A_1210, %get3A_1211] {strides = array<i32>} : memref<128x128xf32, #tpu.memory_space<vmem>>, vector<16xf32>,
        %mul3A_1213 = vector.broadcast %squeeze3A_1123 : f32 to vector<16xf32>
        %mul3A_1214 = arith.mulf %get3A_1212, %mul3A_1213 : vector<16xf32>
        %add3A_1215 = arith.constant 11 : i32
        %add3A_1216 = arith.addi %add3A_43, %add3A_1215 : i32
        %swap3A_1217 = arith.index_cast %add3A_1216 : i32 to index
        %swap3A_1218 = arith.constant 112 : index
        %swap3A_1219 = tpu.vector_load %arg6[%swap3A_1217, %swap3A_1218] {strides = array<i32>} : memref<128x128xf32, #tpu.memory_space<vmem>>, vector<16xf32>,
        tpu.vector_store %arg6[%swap3A_1217, %swap3A_1218], %mul3A_1214 {strides = array<i32>} : memref<128x128xf32, #tpu.memory_space<vmem>>, vector<16xf32>,
        %slice3A_1220 = vector.extract_strided_slice %bitcast3A {offsets = [12], sizes = [1], strides = [1]} : vector<16xf32> to vector<1xf32>
        %squeeze3A_1221 = vector.extract %slice3A_1220[0] : f32 from vector<1xf32>
        %add3A_1222 = arith.constant 12 : i32
        %add3A_1223 = arith.addi %add3A_43, %add3A_1222 : i32
        %get3A_1224 = arith.index_cast %add3A_1223 : i32 to index
        %get3A_1225 = arith.constant 0 : index
        %get3A_1226 = tpu.vector_load %arg6[%get3A_1224, %get3A_1225] {strides = array<i32>} : memref<128x128xf32, #tpu.memory_space<vmem>>, vector<16xf32>,
        %mul3A_1227 = vector.broadcast %squeeze3A_1221 : f32 to vector<16xf32>
        %mul3A_1228 = arith.mulf %get3A_1226, %mul3A_1227 : vector<16xf32>
        %add3A_1229 = arith.constant 12 : i32
        %add3A_1230 = arith.addi %add3A_43, %add3A_1229 : i32
        %swap3A_1231 = arith.index_cast %add3A_1230 : i32 to index
        %swap3A_1232 = arith.constant 0 : index
        %swap3A_1233 = tpu.vector_load %arg6[%swap3A_1231, %swap3A_1232] {strides = array<i32>} : memref<128x128xf32, #tpu.memory_space<vmem>>, vector<16xf32>,
        tpu.vector_store %arg6[%swap3A_1231, %swap3A_1232], %mul3A_1228 {strides = array<i32>} : memref<128x128xf32, #tpu.memory_space<vmem>>, vector<16xf32>,
        %add3A_1234 = arith.constant 12 : i32
        %add3A_1235 = arith.addi %add3A_43, %add3A_1234 : i32
        %get3A_1236 = arith.index_cast %add3A_1235 : i32 to index
        %get3A_1237 = arith.constant 16 : index
        %get3A_1238 = tpu.vector_load %arg6[%get3A_1236, %get3A_1237] {strides = array<i32>} : memref<128x128xf32, #tpu.memory_space<vmem>>, vector<16xf32>,
        %mul3A_1239 = vector.broadcast %squeeze3A_1221 : f32 to vector<16xf32>
        %mul3A_1240 = arith.mulf %get3A_1238, %mul3A_1239 : vector<16xf32>
        %add3A_1241 = arith.constant 12 : i32
        %add3A_1242 = arith.addi %add3A_43, %add3A_1241 : i32
        %swap3A_1243 = arith.index_cast %add3A_1242 : i32 to index
        %swap3A_1244 = arith.constant 16 : index
        %swap3A_1245 = tpu.vector_load %arg6[%swap3A_1243, %swap3A_1244] {strides = array<i32>} : memref<128x128xf32, #tpu.memory_space<vmem>>, vector<16xf32>,
        tpu.vector_store %arg6[%swap3A_1243, %swap3A_1244], %mul3A_1240 {strides = array<i32>} : memref<128x128xf32, #tpu.memory_space<vmem>>, vector<16xf32>,
        %add3A_1246 = arith.constant 12 : i32
        %add3A_1247 = arith.addi %add3A_43, %add3A_1246 : i32
        %get3A_1248 = arith.index_cast %add3A_1247 : i32 to index
        %get3A_1249 = arith.constant 32 : index
        %get3A_1250 = tpu.vector_load %arg6[%get3A_1248, %get3A_1249] {strides = array<i32>} : memref<128x128xf32, #tpu.memory_space<vmem>>, vector<16xf32>,
        %mul3A_1251 = vector.broadcast %squeeze3A_1221 : f32 to vector<16xf32>
        %mul3A_1252 = arith.mulf %get3A_1250, %mul3A_1251 : vector<16xf32>
        %add3A_1253 = arith.constant 12 : i32
        %add3A_1254 = arith.addi %add3A_43, %add3A_1253 : i32
        %swap3A_1255 = arith.index_cast %add3A_1254 : i32 to index
        %swap3A_1256 = arith.constant 32 : index
        %swap3A_1257 = tpu.vector_load %arg6[%swap3A_1255, %swap3A_1256] {strides = array<i32>} : memref<128x128xf32, #tpu.memory_space<vmem>>, vector<16xf32>,
        tpu.vector_store %arg6[%swap3A_1255, %swap3A_1256], %mul3A_1252 {strides = array<i32>} : memref<128x128xf32, #tpu.memory_space<vmem>>, vector<16xf32>,
        %add3A_1258 = arith.constant 12 : i32
        %add3A_1259 = arith.addi %add3A_43, %add3A_1258 : i32
        %get3A_1260 = arith.index_cast %add3A_1259 : i32 to index
        %get3A_1261 = arith.constant 48 : index
        %get3A_1262 = tpu.vector_load %arg6[%get3A_1260, %get3A_1261] {strides = array<i32>} : memref<128x128xf32, #tpu.memory_space<vmem>>, vector<16xf32>,
        %mul3A_1263 = vector.broadcast %squeeze3A_1221 : f32 to vector<16xf32>
        %mul3A_1264 = arith.mulf %get3A_1262, %mul3A_1263 : vector<16xf32>
        %add3A_1265 = arith.constant 12 : i32
        %add3A_1266 = arith.addi %add3A_43, %add3A_1265 : i32
        %swap3A_1267 = arith.index_cast %add3A_1266 : i32 to index
        %swap3A_1268 = arith.constant 48 : index
        %swap3A_1269 = tpu.vector_load %arg6[%swap3A_1267, %swap3A_1268] {strides = array<i32>} : memref<128x128xf32, #tpu.memory_space<vmem>>, vector<16xf32>,
        tpu.vector_store %arg6[%swap3A_1267, %swap3A_1268], %mul3A_1264 {strides = array<i32>} : memref<128x128xf32, #tpu.memory_space<vmem>>, vector<16xf32>,
        %add3A_1270 = arith.constant 12 : i32
        %add3A_1271 = arith.addi %add3A_43, %add3A_1270 : i32
        %get3A_1272 = arith.index_cast %add3A_1271 : i32 to index
        %get3A_1273 = arith.constant 64 : index
        %get3A_1274 = tpu.vector_load %arg6[%get3A_1272, %get3A_1273] {strides = array<i32>} : memref<128x128xf32, #tpu.memory_space<vmem>>, vector<16xf32>,
        %mul3A_1275 = vector.broadcast %squeeze3A_1221 : f32 to vector<16xf32>
        %mul3A_1276 = arith.mulf %get3A_1274, %mul3A_1275 : vector<16xf32>
        %add3A_1277 = arith.constant 12 : i32
        %add3A_1278 = arith.addi %add3A_43, %add3A_1277 : i32
        %swap3A_1279 = arith.index_cast %add3A_1278 : i32 to index
        %swap3A_1280 = arith.constant 64 : index
        %swap3A_1281 = tpu.vector_load %arg6[%swap3A_1279, %swap3A_1280] {strides = array<i32>} : memref<128x128xf32, #tpu.memory_space<vmem>>, vector<16xf32>,
        tpu.vector_store %arg6[%swap3A_1279, %swap3A_1280], %mul3A_1276 {strides = array<i32>} : memref<128x128xf32, #tpu.memory_space<vmem>>, vector<16xf32>,
        %add3A_1282 = arith.constant 12 : i32
        %add3A_1283 = arith.addi %add3A_43, %add3A_1282 : i32
        %get3A_1284 = arith.index_cast %add3A_1283 : i32 to index
        %get3A_1285 = arith.constant 80 : index
        %get3A_1286 = tpu.vector_load %arg6[%get3A_1284, %get3A_1285] {strides = array<i32>} : memref<128x128xf32, #tpu.memory_space<vmem>>, vector<16xf32>,
        %mul3A_1287 = vector.broadcast %squeeze3A_1221 : f32 to vector<16xf32>
        %mul3A_1288 = arith.mulf %get3A_1286, %mul3A_1287 : vector<16xf32>
        %add3A_1289 = arith.constant 12 : i32
        %add3A_1290 = arith.addi %add3A_43, %add3A_1289 : i32
        %swap3A_1291 = arith.index_cast %add3A_1290 : i32 to index
        %swap3A_1292 = arith.constant 80 : index
        %swap3A_1293 = tpu.vector_load %arg6[%swap3A_1291, %swap3A_1292] {strides = array<i32>} : memref<128x128xf32, #tpu.memory_space<vmem>>, vector<16xf32>,
        tpu.vector_store %arg6[%swap3A_1291, %swap3A_1292], %mul3A_1288 {strides = array<i32>} : memref<128x128xf32, #tpu.memory_space<vmem>>, vector<16xf32>,
        %add3A_1294 = arith.constant 12 : i32
        %add3A_1295 = arith.addi %add3A_43, %add3A_1294 : i32
        %get3A_1296 = arith.index_cast %add3A_1295 : i32 to index
        %get3A_1297 = arith.constant 96 : index
        %get3A_1298 = tpu.vector_load %arg6[%get3A_1296, %get3A_1297] {strides = array<i32>} : memref<128x128xf32, #tpu.memory_space<vmem>>, vector<16xf32>,
        %mul3A_1299 = vector.broadcast %squeeze3A_1221 : f32 to vector<16xf32>
        %mul3A_1300 = arith.mulf %get3A_1298, %mul3A_1299 : vector<16xf32>
        %add3A_1301 = arith.constant 12 : i32
        %add3A_1302 = arith.addi %add3A_43, %add3A_1301 : i32
        %swap3A_1303 = arith.index_cast %add3A_1302 : i32 to index
        %swap3A_1304 = arith.constant 96 : index
        %swap3A_1305 = tpu.vector_load %arg6[%swap3A_1303, %swap3A_1304] {strides = array<i32>} : memref<128x128xf32, #tpu.memory_space<vmem>>, vector<16xf32>,
        tpu.vector_store %arg6[%swap3A_1303, %swap3A_1304], %mul3A_1300 {strides = array<i32>} : memref<128x128xf32, #tpu.memory_space<vmem>>, vector<16xf32>,
        %add3A_1306 = arith.constant 12 : i32
        %add3A_1307 = arith.addi %add3A_43, %add3A_1306 : i32
        %get3A_1308 = arith.index_cast %add3A_1307 : i32 to index
        %get3A_1309 = arith.constant 112 : index
        %get3A_1310 = tpu.vector_load %arg6[%get3A_1308, %get3A_1309] {strides = array<i32>} : memref<128x128xf32, #tpu.memory_space<vmem>>, vector<16xf32>,
        %mul3A_1311 = vector.broadcast %squeeze3A_1221 : f32 to vector<16xf32>
        %mul3A_1312 = arith.mulf %get3A_1310, %mul3A_1311 : vector<16xf32>
        %add3A_1313 = arith.constant 12 : i32
        %add3A_1314 = arith.addi %add3A_43, %add3A_1313 : i32
        %swap3A_1315 = arith.index_cast %add3A_1314 : i32 to index
        %swap3A_1316 = arith.constant 112 : index
        %swap3A_1317 = tpu.vector_load %arg6[%swap3A_1315, %swap3A_1316] {strides = array<i32>} : memref<128x128xf32, #tpu.memory_space<vmem>>, vector<16xf32>,
        tpu.vector_store %arg6[%swap3A_1315, %swap3A_1316], %mul3A_1312 {strides = array<i32>} : memref<128x128xf32, #tpu.memory_space<vmem>>, vector<16xf32>,
        %slice3A_1318 = vector.extract_strided_slice %bitcast3A {offsets = [13], sizes = [1], strides = [1]} : vector<16xf32> to vector<1xf32>
        %squeeze3A_1319 = vector.extract %slice3A_1318[0] : f32 from vector<1xf32>
        %add3A_1320 = arith.constant 13 : i32
        %add3A_1321 = arith.addi %add3A_43, %add3A_1320 : i32
        %get3A_1322 = arith.index_cast %add3A_1321 : i32 to index
        %get3A_1323 = arith.constant 0 : index
        %get3A_1324 = tpu.vector_load %arg6[%get3A_1322, %get3A_1323] {strides = array<i32>} : memref<128x128xf32, #tpu.memory_space<vmem>>, vector<16xf32>,
        %mul3A_1325 = vector.broadcast %squeeze3A_1319 : f32 to vector<16xf32>
        %mul3A_1326 = arith.mulf %get3A_1324, %mul3A_1325 : vector<16xf32>
        %add3A_1327 = arith.constant 13 : i32
        %add3A_1328 = arith.addi %add3A_43, %add3A_1327 : i32
        %swap3A_1329 = arith.index_cast %add3A_1328 : i32 to index
        %swap3A_1330 = arith.constant 0 : index
        %swap3A_1331 = tpu.vector_load %arg6[%swap3A_1329, %swap3A_1330] {strides = array<i32>} : memref<128x128xf32, #tpu.memory_space<vmem>>, vector<16xf32>,
        tpu.vector_store %arg6[%swap3A_1329, %swap3A_1330], %mul3A_1326 {strides = array<i32>} : memref<128x128xf32, #tpu.memory_space<vmem>>, vector<16xf32>,
        %add3A_1332 = arith.constant 13 : i32
        %add3A_1333 = arith.addi %add3A_43, %add3A_1332 : i32
        %get3A_1334 = arith.index_cast %add3A_1333 : i32 to index
        %get3A_1335 = arith.constant 16 : index
        %get3A_1336 = tpu.vector_load %arg6[%get3A_1334, %get3A_1335] {strides = array<i32>} : memref<128x128xf32, #tpu.memory_space<vmem>>, vector<16xf32>,
        %mul3A_1337 = vector.broadcast %squeeze3A_1319 : f32 to vector<16xf32>
        %mul3A_1338 = arith.mulf %get3A_1336, %mul3A_1337 : vector<16xf32>
        %add3A_1339 = arith.constant 13 : i32
        %add3A_1340 = arith.addi %add3A_43, %add3A_1339 : i32
        %swap3A_1341 = arith.index_cast %add3A_1340 : i32 to index
        %swap3A_1342 = arith.constant 16 : index
        %swap3A_1343 = tpu.vector_load %arg6[%swap3A_1341, %swap3A_1342] {strides = array<i32>} : memref<128x128xf32, #tpu.memory_space<vmem>>, vector<16xf32>,
        tpu.vector_store %arg6[%swap3A_1341, %swap3A_1342], %mul3A_1338 {strides = array<i32>} : memref<128x128xf32, #tpu.memory_space<vmem>>, vector<16xf32>,
        %add3A_1344 = arith.constant 13 : i32
        %add3A_1345 = arith.addi %add3A_43, %add3A_1344 : i32
        %get3A_1346 = arith.index_cast %add3A_1345 : i32 to index
        %get3A_1347 = arith.constant 32 : index
        %get3A_1348 = tpu.vector_load %arg6[%get3A_1346, %get3A_1347] {strides = array<i32>} : memref<128x128xf32, #tpu.memory_space<vmem>>, vector<16xf32>,
        %mul3A_1349 = vector.broadcast %squeeze3A_1319 : f32 to vector<16xf32>
        %mul3A_1350 = arith.mulf %get3A_1348, %mul3A_1349 : vector<16xf32>
        %add3A_1351 = arith.constant 13 : i32
        %add3A_1352 = arith.addi %add3A_43, %add3A_1351 : i32
        %swap3A_1353 = arith.index_cast %add3A_1352 : i32 to index
        %swap3A_1354 = arith.constant 32 : index
        %swap3A_1355 = tpu.vector_load %arg6[%swap3A_1353, %swap3A_1354] {strides = array<i32>} : memref<128x128xf32, #tpu.memory_space<vmem>>, vector<16xf32>,
        tpu.vector_store %arg6[%swap3A_1353, %swap3A_1354], %mul3A_1350 {strides = array<i32>} : memref<128x128xf32, #tpu.memory_space<vmem>>, vector<16xf32>,
        %add3A_1356 = arith.constant 13 : i32
        %add3A_1357 = arith.addi %add3A_43, %add3A_1356 : i32
        %get3A_1358 = arith.index_cast %add3A_1357 : i32 to index
        %get3A_1359 = arith.constant 48 : index
        %get3A_1360 = tpu.vector_load %arg6[%get3A_1358, %get3A_1359] {strides = array<i32>} : memref<128x128xf32, #tpu.memory_space<vmem>>, vector<16xf32>,
        %mul3A_1361 = vector.broadcast %squeeze3A_1319 : f32 to vector<16xf32>
        %mul3A_1362 = arith.mulf %get3A_1360, %mul3A_1361 : vector<16xf32>
        %add3A_1363 = arith.constant 13 : i32
        %add3A_1364 = arith.addi %add3A_43, %add3A_1363 : i32
        %swap3A_1365 = arith.index_cast %add3A_1364 : i32 to index
        %swap3A_1366 = arith.constant 48 : index
        %swap3A_1367 = tpu.vector_load %arg6[%swap3A_1365, %swap3A_1366] {strides = array<i32>} : memref<128x128xf32, #tpu.memory_space<vmem>>, vector<16xf32>,
        tpu.vector_store %arg6[%swap3A_1365, %swap3A_1366], %mul3A_1362 {strides = array<i32>} : memref<128x128xf32, #tpu.memory_space<vmem>>, vector<16xf32>,
        %add3A_1368 = arith.constant 13 : i32
        %add3A_1369 = arith.addi %add3A_43, %add3A_1368 : i32
        %get3A_1370 = arith.index_cast %add3A_1369 : i32 to index
        %get3A_1371 = arith.constant 64 : index
        %get3A_1372 = tpu.vector_load %arg6[%get3A_1370, %get3A_1371] {strides = array<i32>} : memref<128x128xf32, #tpu.memory_space<vmem>>, vector<16xf32>,
        %mul3A_1373 = vector.broadcast %squeeze3A_1319 : f32 to vector<16xf32>
        %mul3A_1374 = arith.mulf %get3A_1372, %mul3A_1373 : vector<16xf32>
        %add3A_1375 = arith.constant 13 : i32
        %add3A_1376 = arith.addi %add3A_43, %add3A_1375 : i32
        %swap3A_1377 = arith.index_cast %add3A_1376 : i32 to index
        %swap3A_1378 = arith.constant 64 : index
        %swap3A_1379 = tpu.vector_load %arg6[%swap3A_1377, %swap3A_1378] {strides = array<i32>} : memref<128x128xf32, #tpu.memory_space<vmem>>, vector<16xf32>,
        tpu.vector_store %arg6[%swap3A_1377, %swap3A_1378], %mul3A_1374 {strides = array<i32>} : memref<128x128xf32, #tpu.memory_space<vmem>>, vector<16xf32>,
        %add3A_1380 = arith.constant 13 : i32
        %add3A_1381 = arith.addi %add3A_43, %add3A_1380 : i32
        %get3A_1382 = arith.index_cast %add3A_1381 : i32 to index
        %get3A_1383 = arith.constant 80 : index
        %get3A_1384 = tpu.vector_load %arg6[%get3A_1382, %get3A_1383] {strides = array<i32>} : memref<128x128xf32, #tpu.memory_space<vmem>>, vector<16xf32>,
        %mul3A_1385 = vector.broadcast %squeeze3A_1319 : f32 to vector<16xf32>
        %mul3A_1386 = arith.mulf %get3A_1384, %mul3A_1385 : vector<16xf32>
        %add3A_1387 = arith.constant 13 : i32
        %add3A_1388 = arith.addi %add3A_43, %add3A_1387 : i32
        %swap3A_1389 = arith.index_cast %add3A_1388 : i32 to index
        %swap3A_1390 = arith.constant 80 : index
        %swap3A_1391 = tpu.vector_load %arg6[%swap3A_1389, %swap3A_1390] {strides = array<i32>} : memref<128x128xf32, #tpu.memory_space<vmem>>, vector<16xf32>,
        tpu.vector_store %arg6[%swap3A_1389, %swap3A_1390], %mul3A_1386 {strides = array<i32>} : memref<128x128xf32, #tpu.memory_space<vmem>>, vector<16xf32>,
        %add3A_1392 = arith.constant 13 : i32
        %add3A_1393 = arith.addi %add3A_43, %add3A_1392 : i32
        %get3A_1394 = arith.index_cast %add3A_1393 : i32 to index
        %get3A_1395 = arith.constant 96 : index
        %get3A_1396 = tpu.vector_load %arg6[%get3A_1394, %get3A_1395] {strides = array<i32>} : memref<128x128xf32, #tpu.memory_space<vmem>>, vector<16xf32>,
        %mul3A_1397 = vector.broadcast %squeeze3A_1319 : f32 to vector<16xf32>
        %mul3A_1398 = arith.mulf %get3A_1396, %mul3A_1397 : vector<16xf32>
        %add3A_1399 = arith.constant 13 : i32
        %add3A_1400 = arith.addi %add3A_43, %add3A_1399 : i32
        %swap3A_1401 = arith.index_cast %add3A_1400 : i32 to index
        %swap3A_1402 = arith.constant 96 : index
        %swap3A_1403 = tpu.vector_load %arg6[%swap3A_1401, %swap3A_1402] {strides = array<i32>} : memref<128x128xf32, #tpu.memory_space<vmem>>, vector<16xf32>,
        tpu.vector_store %arg6[%swap3A_1401, %swap3A_1402], %mul3A_1398 {strides = array<i32>} : memref<128x128xf32, #tpu.memory_space<vmem>>, vector<16xf32>,
        %add3A_1404 = arith.constant 13 : i32
        %add3A_1405 = arith.addi %add3A_43, %add3A_1404 : i32
        %get3A_1406 = arith.index_cast %add3A_1405 : i32 to index
        %get3A_1407 = arith.constant 112 : index
        %get3A_1408 = tpu.vector_load %arg6[%get3A_1406, %get3A_1407] {strides = array<i32>} : memref<128x128xf32, #tpu.memory_space<vmem>>, vector<16xf32>,
        %mul3A_1409 = vector.broadcast %squeeze3A_1319 : f32 to vector<16xf32>
        %mul3A_1410 = arith.mulf %get3A_1408, %mul3A_1409 : vector<16xf32>
        %add3A_1411 = arith.constant 13 : i32
        %add3A_1412 = arith.addi %add3A_43, %add3A_1411 : i32
        %swap3A_1413 = arith.index_cast %add3A_1412 : i32 to index
        %swap3A_1414 = arith.constant 112 : index
        %swap3A_1415 = tpu.vector_load %arg6[%swap3A_1413, %swap3A_1414] {strides = array<i32>} : memref<128x128xf32, #tpu.memory_space<vmem>>, vector<16xf32>,
        tpu.vector_store %arg6[%swap3A_1413, %swap3A_1414], %mul3A_1410 {strides = array<i32>} : memref<128x128xf32, #tpu.memory_space<vmem>>, vector<16xf32>,
        %slice3A_1416 = vector.extract_strided_slice %bitcast3A {offsets = [14], sizes = [1], strides = [1]} : vector<16xf32> to vector<1xf32>
        %squeeze3A_1417 = vector.extract %slice3A_1416[0] : f32 from vector<1xf32>
        %add3A_1418 = arith.constant 14 : i32
        %add3A_1419 = arith.addi %add3A_43, %add3A_1418 : i32
        %get3A_1420 = arith.index_cast %add3A_1419 : i32 to index
        %get3A_1421 = arith.constant 0 : index
        %get3A_1422 = tpu.vector_load %arg6[%get3A_1420, %get3A_1421] {strides = array<i32>} : memref<128x128xf32, #tpu.memory_space<vmem>>, vector<16xf32>,
        %mul3A_1423 = vector.broadcast %squeeze3A_1417 : f32 to vector<16xf32>
        %mul3A_1424 = arith.mulf %get3A_1422, %mul3A_1423 : vector<16xf32>
        %add3A_1425 = arith.constant 14 : i32
        %add3A_1426 = arith.addi %add3A_43, %add3A_1425 : i32
        %swap3A_1427 = arith.index_cast %add3A_1426 : i32 to index
        %swap3A_1428 = arith.constant 0 : index
        %swap3A_1429 = tpu.vector_load %arg6[%swap3A_1427, %swap3A_1428] {strides = array<i32>} : memref<128x128xf32, #tpu.memory_space<vmem>>, vector<16xf32>,
        tpu.vector_store %arg6[%swap3A_1427, %swap3A_1428], %mul3A_1424 {strides = array<i32>} : memref<128x128xf32, #tpu.memory_space<vmem>>, vector<16xf32>,
        %add3A_1430 = arith.constant 14 : i32
        %add3A_1431 = arith.addi %add3A_43, %add3A_1430 : i32
        %get3A_1432 = arith.index_cast %add3A_1431 : i32 to index
        %get3A_1433 = arith.constant 16 : index
        %get3A_1434 = tpu.vector_load %arg6[%get3A_1432, %get3A_1433] {strides = array<i32>} : memref<128x128xf32, #tpu.memory_space<vmem>>, vector<16xf32>,
        %mul3A_1435 = vector.broadcast %squeeze3A_1417 : f32 to vector<16xf32>
        %mul3A_1436 = arith.mulf %get3A_1434, %mul3A_1435 : vector<16xf32>
        %add3A_1437 = arith.constant 14 : i32
        %add3A_1438 = arith.addi %add3A_43, %add3A_1437 : i32
        %swap3A_1439 = arith.index_cast %add3A_1438 : i32 to index
        %swap3A_1440 = arith.constant 16 : index
        %swap3A_1441 = tpu.vector_load %arg6[%swap3A_1439, %swap3A_1440] {strides = array<i32>} : memref<128x128xf32, #tpu.memory_space<vmem>>, vector<16xf32>,
        tpu.vector_store %arg6[%swap3A_1439, %swap3A_1440], %mul3A_1436 {strides = array<i32>} : memref<128x128xf32, #tpu.memory_space<vmem>>, vector<16xf32>,
        %add3A_1442 = arith.constant 14 : i32
        %add3A_1443 = arith.addi %add3A_43, %add3A_1442 : i32
        %get3A_1444 = arith.index_cast %add3A_1443 : i32 to index
        %get3A_1445 = arith.constant 32 : index
        %get3A_1446 = tpu.vector_load %arg6[%get3A_1444, %get3A_1445] {strides = array<i32>} : memref<128x128xf32, #tpu.memory_space<vmem>>, vector<16xf32>,
        %mul3A_1447 = vector.broadcast %squeeze3A_1417 : f32 to vector<16xf32>
        %mul3A_1448 = arith.mulf %get3A_1446, %mul3A_1447 : vector<16xf32>
        %add3A_1449 = arith.constant 14 : i32
        %add3A_1450 = arith.addi %add3A_43, %add3A_1449 : i32
        %swap3A_1451 = arith.index_cast %add3A_1450 : i32 to index
        %swap3A_1452 = arith.constant 32 : index
        %swap3A_1453 = tpu.vector_load %arg6[%swap3A_1451, %swap3A_1452] {strides = array<i32>} : memref<128x128xf32, #tpu.memory_space<vmem>>, vector<16xf32>,
        tpu.vector_store %arg6[%swap3A_1451, %swap3A_1452], %mul3A_1448 {strides = array<i32>} : memref<128x128xf32, #tpu.memory_space<vmem>>, vector<16xf32>,
        %add3A_1454 = arith.constant 14 : i32
        %add3A_1455 = arith.addi %add3A_43, %add3A_1454 : i32
        %get3A_1456 = arith.index_cast %add3A_1455 : i32 to index
        %get3A_1457 = arith.constant 48 : index
        %get3A_1458 = tpu.vector_load %arg6[%get3A_1456, %get3A_1457] {strides = array<i32>} : memref<128x128xf32, #tpu.memory_space<vmem>>, vector<16xf32>,
        %mul3A_1459 = vector.broadcast %squeeze3A_1417 : f32 to vector<16xf32>
        %mul3A_1460 = arith.mulf %get3A_1458, %mul3A_1459 : vector<16xf32>
        %add3A_1461 = arith.constant 14 : i32
        %add3A_1462 = arith.addi %add3A_43, %add3A_1461 : i32
        %swap3A_1463 = arith.index_cast %add3A_1462 : i32 to index
        %swap3A_1464 = arith.constant 48 : index
        %swap3A_1465 = tpu.vector_load %arg6[%swap3A_1463, %swap3A_1464] {strides = array<i32>} : memref<128x128xf32, #tpu.memory_space<vmem>>, vector<16xf32>,
        tpu.vector_store %arg6[%swap3A_1463, %swap3A_1464], %mul3A_1460 {strides = array<i32>} : memref<128x128xf32, #tpu.memory_space<vmem>>, vector<16xf32>,
        %add3A_1466 = arith.constant 14 : i32
        %add3A_1467 = arith.addi %add3A_43, %add3A_1466 : i32
        %get3A_1468 = arith.index_cast %add3A_1467 : i32 to index
        %get3A_1469 = arith.constant 64 : index
        %get3A_1470 = tpu.vector_load %arg6[%get3A_1468, %get3A_1469] {strides = array<i32>} : memref<128x128xf32, #tpu.memory_space<vmem>>, vector<16xf32>,
        %mul3A_1471 = vector.broadcast %squeeze3A_1417 : f32 to vector<16xf32>
        %mul3A_1472 = arith.mulf %get3A_1470, %mul3A_1471 : vector<16xf32>
        %add3A_1473 = arith.constant 14 : i32
        %add3A_1474 = arith.addi %add3A_43, %add3A_1473 : i32
        %swap3A_1475 = arith.index_cast %add3A_1474 : i32 to index
        %swap3A_1476 = arith.constant 64 : index
        %swap3A_1477 = tpu.vector_load %arg6[%swap3A_1475, %swap3A_1476] {strides = array<i32>} : memref<128x128xf32, #tpu.memory_space<vmem>>, vector<16xf32>,
        tpu.vector_store %arg6[%swap3A_1475, %swap3A_1476], %mul3A_1472 {strides = array<i32>} : memref<128x128xf32, #tpu.memory_space<vmem>>, vector<16xf32>,
        %add3A_1478 = arith.constant 14 : i32
        %add3A_1479 = arith.addi %add3A_43, %add3A_1478 : i32
        %get3A_1480 = arith.index_cast %add3A_1479 : i32 to index
        %get3A_1481 = arith.constant 80 : index
        %get3A_1482 = tpu.vector_load %arg6[%get3A_1480, %get3A_1481] {strides = array<i32>} : memref<128x128xf32, #tpu.memory_space<vmem>>, vector<16xf32>,
        %mul3A_1483 = vector.broadcast %squeeze3A_1417 : f32 to vector<16xf32>
        %mul3A_1484 = arith.mulf %get3A_1482, %mul3A_1483 : vector<16xf32>
        %add3A_1485 = arith.constant 14 : i32
        %add3A_1486 = arith.addi %add3A_43, %add3A_1485 : i32
        %swap3A_1487 = arith.index_cast %add3A_1486 : i32 to index
        %swap3A_1488 = arith.constant 80 : index
        %swap3A_1489 = tpu.vector_load %arg6[%swap3A_1487, %swap3A_1488] {strides = array<i32>} : memref<128x128xf32, #tpu.memory_space<vmem>>, vector<16xf32>,
        tpu.vector_store %arg6[%swap3A_1487, %swap3A_1488], %mul3A_1484 {strides = array<i32>} : memref<128x128xf32, #tpu.memory_space<vmem>>, vector<16xf32>,
        %add3A_1490 = arith.constant 14 : i32
        %add3A_1491 = arith.addi %add3A_43, %add3A_1490 : i32
        %get3A_1492 = arith.index_cast %add3A_1491 : i32 to index
        %get3A_1493 = arith.constant 96 : index
        %get3A_1494 = tpu.vector_load %arg6[%get3A_1492, %get3A_1493] {strides = array<i32>} : memref<128x128xf32, #tpu.memory_space<vmem>>, vector<16xf32>,
        %mul3A_1495 = vector.broadcast %squeeze3A_1417 : f32 to vector<16xf32>
        %mul3A_1496 = arith.mulf %get3A_1494, %mul3A_1495 : vector<16xf32>
        %add3A_1497 = arith.constant 14 : i32
        %add3A_1498 = arith.addi %add3A_43, %add3A_1497 : i32
        %swap3A_1499 = arith.index_cast %add3A_1498 : i32 to index
        %swap3A_1500 = arith.constant 96 : index
        %swap3A_1501 = tpu.vector_load %arg6[%swap3A_1499, %swap3A_1500] {strides = array<i32>} : memref<128x128xf32, #tpu.memory_space<vmem>>, vector<16xf32>,
        tpu.vector_store %arg6[%swap3A_1499, %swap3A_1500], %mul3A_1496 {strides = array<i32>} : memref<128x128xf32, #tpu.memory_space<vmem>>, vector<16xf32>,
        %add3A_1502 = arith.constant 14 : i32
        %add3A_1503 = arith.addi %add3A_43, %add3A_1502 : i32
        %get3A_1504 = arith.index_cast %add3A_1503 : i32 to index
        %get3A_1505 = arith.constant 112 : index
        %get3A_1506 = tpu.vector_load %arg6[%get3A_1504, %get3A_1505] {strides = array<i32>} : memref<128x128xf32, #tpu.memory_space<vmem>>, vector<16xf32>,
        %mul3A_1507 = vector.broadcast %squeeze3A_1417 : f32 to vector<16xf32>
        %mul3A_1508 = arith.mulf %get3A_1506, %mul3A_1507 : vector<16xf32>
        %add3A_1509 = arith.constant 14 : i32
        %add3A_1510 = arith.addi %add3A_43, %add3A_1509 : i32
        %swap3A_1511 = arith.index_cast %add3A_1510 : i32 to index
        %swap3A_1512 = arith.constant 112 : index
        %swap3A_1513 = tpu.vector_load %arg6[%swap3A_1511, %swap3A_1512] {strides = array<i32>} : memref<128x128xf32, #tpu.memory_space<vmem>>, vector<16xf32>,
        tpu.vector_store %arg6[%swap3A_1511, %swap3A_1512], %mul3A_1508 {strides = array<i32>} : memref<128x128xf32, #tpu.memory_space<vmem>>, vector<16xf32>,
        %slice3A_1514 = vector.extract_strided_slice %bitcast3A {offsets = [15], sizes = [1], strides = [1]} : vector<16xf32> to vector<1xf32>
        %squeeze3A_1515 = vector.extract %slice3A_1514[0] : f32 from vector<1xf32>
        %add3A_1516 = arith.constant 15 : i32
        %add3A_1517 = arith.addi %add3A_43, %add3A_1516 : i32
        %get3A_1518 = arith.index_cast %add3A_1517 : i32 to index
        %get3A_1519 = arith.constant 0 : index
        %get3A_1520 = tpu.vector_load %arg6[%get3A_1518, %get3A_1519] {strides = array<i32>} : memref<128x128xf32, #tpu.memory_space<vmem>>, vector<16xf32>,
        %mul3A_1521 = vector.broadcast %squeeze3A_1515 : f32 to vector<16xf32>
        %mul3A_1522 = arith.mulf %get3A_1520, %mul3A_1521 : vector<16xf32>
        %add3A_1523 = arith.constant 15 : i32
        %add3A_1524 = arith.addi %add3A_43, %add3A_1523 : i32
        %swap3A_1525 = arith.index_cast %add3A_1524 : i32 to index
        %swap3A_1526 = arith.constant 0 : index
        %swap3A_1527 = tpu.vector_load %arg6[%swap3A_1525, %swap3A_1526] {strides = array<i32>} : memref<128x128xf32, #tpu.memory_space<vmem>>, vector<16xf32>,
        tpu.vector_store %arg6[%swap3A_1525, %swap3A_1526], %mul3A_1522 {strides = array<i32>} : memref<128x128xf32, #tpu.memory_space<vmem>>, vector<16xf32>,
        %add3A_1528 = arith.constant 15 : i32
        %add3A_1529 = arith.addi %add3A_43, %add3A_1528 : i32
        %get3A_1530 = arith.index_cast %add3A_1529 : i32 to index
        %get3A_1531 = arith.constant 16 : index
        %get3A_1532 = tpu.vector_load %arg6[%get3A_1530, %get3A_1531] {strides = array<i32>} : memref<128x128xf32, #tpu.memory_space<vmem>>, vector<16xf32>,
        %mul3A_1533 = vector.broadcast %squeeze3A_1515 : f32 to vector<16xf32>
        %mul3A_1534 = arith.mulf %get3A_1532, %mul3A_1533 : vector<16xf32>
        %add3A_1535 = arith.constant 15 : i32
        %add3A_1536 = arith.addi %add3A_43, %add3A_1535 : i32
        %swap3A_1537 = arith.index_cast %add3A_1536 : i32 to index
        %swap3A_1538 = arith.constant 16 : index
        %swap3A_1539 = tpu.vector_load %arg6[%swap3A_1537, %swap3A_1538] {strides = array<i32>} : memref<128x128xf32, #tpu.memory_space<vmem>>, vector<16xf32>,
        tpu.vector_store %arg6[%swap3A_1537, %swap3A_1538], %mul3A_1534 {strides = array<i32>} : memref<128x128xf32, #tpu.memory_space<vmem>>, vector<16xf32>,
        %add3A_1540 = arith.constant 15 : i32
        %add3A_1541 = arith.addi %add3A_43, %add3A_1540 : i32
        %get3A_1542 = arith.index_cast %add3A_1541 : i32 to index
        %get3A_1543 = arith.constant 32 : index
        %get3A_1544 = tpu.vector_load %arg6[%get3A_1542, %get3A_1543] {strides = array<i32>} : memref<128x128xf32, #tpu.memory_space<vmem>>, vector<16xf32>,
        %mul3A_1545 = vector.broadcast %squeeze3A_1515 : f32 to vector<16xf32>
        %mul3A_1546 = arith.mulf %get3A_1544, %mul3A_1545 : vector<16xf32>
        %add3A_1547 = arith.constant 15 : i32
        %add3A_1548 = arith.addi %add3A_43, %add3A_1547 : i32
        %swap3A_1549 = arith.index_cast %add3A_1548 : i32 to index
        %swap3A_1550 = arith.constant 32 : index
        %swap3A_1551 = tpu.vector_load %arg6[%swap3A_1549, %swap3A_1550] {strides = array<i32>} : memref<128x128xf32, #tpu.memory_space<vmem>>, vector<16xf32>,
        tpu.vector_store %arg6[%swap3A_1549, %swap3A_1550], %mul3A_1546 {strides = array<i32>} : memref<128x128xf32, #tpu.memory_space<vmem>>, vector<16xf32>,
        %add3A_1552 = arith.constant 15 : i32
        %add3A_1553 = arith.addi %add3A_43, %add3A_1552 : i32
        %get3A_1554 = arith.index_cast %add3A_1553 : i32 to index
        %get3A_1555 = arith.constant 48 : index
        %get3A_1556 = tpu.vector_load %arg6[%get3A_1554, %get3A_1555] {strides = array<i32>} : memref<128x128xf32, #tpu.memory_space<vmem>>, vector<16xf32>,
        %mul3A_1557 = vector.broadcast %squeeze3A_1515 : f32 to vector<16xf32>
        %mul3A_1558 = arith.mulf %get3A_1556, %mul3A_1557 : vector<16xf32>
        %add3A_1559 = arith.constant 15 : i32
        %add3A_1560 = arith.addi %add3A_43, %add3A_1559 : i32
        %swap3A_1561 = arith.index_cast %add3A_1560 : i32 to index
        %swap3A_1562 = arith.constant 48 : index
        %swap3A_1563 = tpu.vector_load %arg6[%swap3A_1561, %swap3A_1562] {strides = array<i32>} : memref<128x128xf32, #tpu.memory_space<vmem>>, vector<16xf32>,
        tpu.vector_store %arg6[%swap3A_1561, %swap3A_1562], %mul3A_1558 {strides = array<i32>} : memref<128x128xf32, #tpu.memory_space<vmem>>, vector<16xf32>,
        %add3A_1564 = arith.constant 15 : i32
        %add3A_1565 = arith.addi %add3A_43, %add3A_1564 : i32
        %get3A_1566 = arith.index_cast %add3A_1565 : i32 to index
        %get3A_1567 = arith.constant 64 : index
        %get3A_1568 = tpu.vector_load %arg6[%get3A_1566, %get3A_1567] {strides = array<i32>} : memref<128x128xf32, #tpu.memory_space<vmem>>, vector<16xf32>,
        %mul3A_1569 = vector.broadcast %squeeze3A_1515 : f32 to vector<16xf32>
        %mul3A_1570 = arith.mulf %get3A_1568, %mul3A_1569 : vector<16xf32>
        %add3A_1571 = arith.constant 15 : i32
        %add3A_1572 = arith.addi %add3A_43, %add3A_1571 : i32
        %swap3A_1573 = arith.index_cast %add3A_1572 : i32 to index
        %swap3A_1574 = arith.constant 64 : index
        %swap3A_1575 = tpu.vector_load %arg6[%swap3A_1573, %swap3A_1574] {strides = array<i32>} : memref<128x128xf32, #tpu.memory_space<vmem>>, vector<16xf32>,
        tpu.vector_store %arg6[%swap3A_1573, %swap3A_1574], %mul3A_1570 {strides = array<i32>} : memref<128x128xf32, #tpu.memory_space<vmem>>, vector<16xf32>,
        %add3A_1576 = arith.constant 15 : i32
        %add3A_1577 = arith.addi %add3A_43, %add3A_1576 : i32
        %get3A_1578 = arith.index_cast %add3A_1577 : i32 to index
        %get3A_1579 = arith.constant 80 : index
        %get3A_1580 = tpu.vector_load %arg6[%get3A_1578, %get3A_1579] {strides = array<i32>} : memref<128x128xf32, #tpu.memory_space<vmem>>, vector<16xf32>,
        %mul3A_1581 = vector.broadcast %squeeze3A_1515 : f32 to vector<16xf32>
        %mul3A_1582 = arith.mulf %get3A_1580, %mul3A_1581 : vector<16xf32>
        %add3A_1583 = arith.constant 15 : i32
        %add3A_1584 = arith.addi %add3A_43, %add3A_1583 : i32
        %swap3A_1585 = arith.index_cast %add3A_1584 : i32 to index
        %swap3A_1586 = arith.constant 80 : index
        %swap3A_1587 = tpu.vector_load %arg6[%swap3A_1585, %swap3A_1586] {strides = array<i32>} : memref<128x128xf32, #tpu.memory_space<vmem>>, vector<16xf32>,
        tpu.vector_store %arg6[%swap3A_1585, %swap3A_1586], %mul3A_1582 {strides = array<i32>} : memref<128x128xf32, #tpu.memory_space<vmem>>, vector<16xf32>,
        %add3A_1588 = arith.constant 15 : i32
        %add3A_1589 = arith.addi %add3A_43, %add3A_1588 : i32
        %get3A_1590 = arith.index_cast %add3A_1589 : i32 to index
        %get3A_1591 = arith.constant 96 : index
        %get3A_1592 = tpu.vector_load %arg6[%get3A_1590, %get3A_1591] {strides = array<i32>} : memref<128x128xf32, #tpu.memory_space<vmem>>, vector<16xf32>,
        %mul3A_1593 = vector.broadcast %squeeze3A_1515 : f32 to vector<16xf32>
        %mul3A_1594 = arith.mulf %get3A_1592, %mul3A_1593 : vector<16xf32>
        %add3A_1595 = arith.constant 15 : i32
        %add3A_1596 = arith.addi %add3A_43, %add3A_1595 : i32
        %swap3A_1597 = arith.index_cast %add3A_1596 : i32 to index
        %swap3A_1598 = arith.constant 96 : index
        %swap3A_1599 = tpu.vector_load %arg6[%swap3A_1597, %swap3A_1598] {strides = array<i32>} : memref<128x128xf32, #tpu.memory_space<vmem>>, vector<16xf32>,
        tpu.vector_store %arg6[%swap3A_1597, %swap3A_1598], %mul3A_1594 {strides = array<i32>} : memref<128x128xf32, #tpu.memory_space<vmem>>, vector<16xf32>,
        %add3A_1600 = arith.constant 15 : i32
        %add3A_1601 = arith.addi %add3A_43, %add3A_1600 : i32
        %get3A_1602 = arith.index_cast %add3A_1601 : i32 to index
        %get3A_1603 = arith.constant 112 : index
        %get3A_1604 = tpu.vector_load %arg6[%get3A_1602, %get3A_1603] {strides = array<i32>} : memref<128x128xf32, #tpu.memory_space<vmem>>, vector<16xf32>,
        %mul3A_1605 = vector.broadcast %squeeze3A_1515 : f32 to vector<16xf32>
        %mul3A_1606 = arith.mulf %get3A_1604, %mul3A_1605 : vector<16xf32>
        %add3A_1607 = arith.constant 15 : i32
        %add3A_1608 = arith.addi %add3A_43, %add3A_1607 : i32
        %swap3A_1609 = arith.index_cast %add3A_1608 : i32 to index
        %swap3A_1610 = arith.constant 112 : index
        %swap3A_1611 = tpu.vector_load %arg6[%swap3A_1609, %swap3A_1610] {strides = array<i32>} : memref<128x128xf32, #tpu.memory_space<vmem>>, vector<16xf32>,
        tpu.vector_store %arg6[%swap3A_1609, %swap3A_1610], %mul3A_1606 {strides = array<i32>} : memref<128x128xf32, #tpu.memory_space<vmem>>, vector<16xf32>,
      }
      %scan3A_37 = arith.constant 8 : i32
      %run_scoped3A_38 = arith.constant 1 : i32
      "tpu.region"() ({
        %run_scoped3A_39 = tpu.sem_alloc : memref<!tpu.dma_semaphore, #tpu.memory_space<semaphore_mem>>
        %dma_start3A = arith.constant 0 : i32
        %dma_start3A_40 = tpu.memref_slice %arg5[%run_scoped3A_38, %dma_start3A] : memref<3x128xi32, #tpu.memory_space<vmem>> -> memref<1x128xi32, #tpu.memory_space<vmem>>
        %dma_start3A_41 = tpu.memref_squeeze %dma_start3A_40 : memref<1x128xi32, #tpu.memory_space<vmem>> -> memref<128xi32, #tpu.memory_space<vmem>>
        %dma_start3A_42 = arith.constant 0 : i32
        %dma_start3A_43 = arith.constant 0 : i32
        %dma_start3A_44 = tpu.memref_slice %arg7[%dma_start3A_42, %dma_start3A_43] : memref<10000x128xf32, #tpu.memory_space<vmem_shared>> -> memref<10000x128xf32, #tpu.memory_space<vmem_shared>>
        tpu.enqueue_indirect_dma source(%arg6 : memref<128x128xf32, #tpu.memory_space<vmem>>) target(%dma_start3A_44 : memref<10000x128xf32, #tpu.memory_space<vmem_shared>>) offsets(%dma_start3A_41 : memref<128xi32, #tpu.memory_space<vmem>>) semaphore(%run_scoped3A_39 : memref<!tpu.dma_semaphore, #tpu.memory_space<semaphore_mem>>) {add = true}
        %dma_wait3A = arith.constant 0 : i32
        %dma_wait3A_45 = tpu.memref_slice %arg5[%run_scoped3A_38, %dma_wait3A] : memref<3x128xi32, #tpu.memory_space<vmem>> -> memref<1x128xi32, #tpu.memory_space<vmem>>
        %dma_wait3A_46 = tpu.memref_squeeze %dma_wait3A_45 : memref<1x128xi32, #tpu.memory_space<vmem>> -> memref<128xi32, #tpu.memory_space<vmem>>
        %dma_wait3A_47 = arith.constant 0 : i32
        %dma_wait3A_48 = arith.constant 0 : i32
        %dma_wait3A_49 = tpu.memref_slice %arg7[%dma_wait3A_47, %dma_wait3A_48] : memref<10000x128xf32, #tpu.memory_space<vmem_shared>> -> memref<10000x128xf32, #tpu.memory_space<vmem_shared>>
        tpu.wait_indirect_dma semaphore(%run_scoped3A_39 : memref<!tpu.dma_semaphore, #tpu.memory_space<semaphore_mem>>) src(%arg6 : memref<128x128xf32, #tpu.memory_space<vmem>>) dst(%dma_wait3A_49 : memref<10000x128xf32, #tpu.memory_space<vmem_shared>>)
        tpu.yield
      }) : () -> ()
    }
    %scan3A_21 = arith.constant 157 : i32
    %barrier3A_22 = arith.constant 0 : index
    tpu.barrier barrier_id(%barrier3A_22)
    "tpu.region"() ({
      %run_scoped3A = tpu.sem_alloc : memref<!tpu.dma_semaphore, #tpu.memory_space<semaphore_mem>>
      %dma_start3A = arith.constant 0 : i32
      %dma_start3A_28 = tpu.memref_slice %arg4[%arg0, %mul3A_5, %dma_start3A] : memref<2x10000x128xf32, #tpu.memory_space<hbm>> -> memref<1x624x128xf32, #tpu.memory_space<hbm>>
      %dma_start3A_29 = tpu.memref_squeeze %dma_start3A_28 : memref<1x624x128xf32, #tpu.memory_space<hbm>> -> memref<624x128xf32, #tpu.memory_space<hbm>>
      %dma_start3A_30 = arith.constant 0 : i32
      %dma_start3A_31 = tpu.memref_slice %arg7[%mul3A_5, %dma_start3A_30] : memref<10000x128xf32, #tpu.memory_space<vmem_shared>> -> memref<624x128xf32, #tpu.memory_space<vmem_shared>>
      tpu.enqueue_dma source(%dma_start3A_31 : memref<624x128xf32, #tpu.memory_space<vmem_shared>>) target(%dma_start3A_29 : memref<624x128xf32, #tpu.memory_space<hbm>>) target_semaphore(%run_scoped3A : memref<!tpu.dma_semaphore, #tpu.memory_space<semaphore_mem>>)
      %dma_wait3A = arith.constant 0 : i32
      %dma_wait3A_32 = tpu.memref_slice %arg4[%arg0, %mul3A_5, %dma_wait3A] : memref<2x10000x128xf32, #tpu.memory_space<hbm>> -> memref<1x624x128xf32, #tpu.memory_space<hbm>>
      %dma_wait3A_33 = tpu.memref_squeeze %dma_wait3A_32 : memref<1x624x128xf32, #tpu.memory_space<hbm>> -> memref<624x128xf32, #tpu.memory_space<hbm>>
      %dma_wait3A_34 = arith.constant 0 : i32
      %dma_wait3A_35 = tpu.memref_slice %arg7[%mul3A_5, %dma_wait3A_34] : memref<10000x128xf32, #tpu.memory_space<vmem_shared>> -> memref<624x128xf32, #tpu.memory_space<vmem_shared>>
      tpu.wait_dma2 semaphore(%run_scoped3A : memref<!tpu.dma_semaphore, #tpu.memory_space<semaphore_mem>>) src(%dma_wait3A_35 : memref<624x128xf32, #tpu.memory_space<vmem_shared>>) dst(%dma_wait3A_33 : memref<624x128xf32, #tpu.memory_space<hbm>>)
      tpu.yield
    }) : () -> ()
    %eq3A_23 = arith.constant 0 : i32
    %eq3A_24 = arith.cmpi eq, %arg1, %eq3A_23 : i32
    %convert_element_type3A_25 = arith.extui %eq3A_24 : i1 to i32
    %cond3A_26 = arith.constant 0 : i32
    %cond3A_27 = arith.cmpi ne, %convert_element_type3A_25, %cond3A_26 : i32
    scf.if %cond3A_27 {
      "tpu.region"() ({
        %run_scoped3A = tpu.sem_alloc : memref<!tpu.dma_semaphore, #tpu.memory_space<semaphore_mem>>
        %dma_start3A = arith.constant 9984 : i32
        %dma_start3A_28 = arith.constant 0 : i32
        %dma_start3A_29 = tpu.memref_slice %arg4[%arg0, %dma_start3A, %dma_start3A_28] : memref<2x10000x128xf32, #tpu.memory_space<hbm>> -> memref<1x16x128xf32, #tpu.memory_space<hbm>>
        %dma_start3A_30 = tpu.memref_squeeze %dma_start3A_29 : memref<1x16x128xf32, #tpu.memory_space<hbm>> -> memref<16x128xf32, #tpu.memory_space<hbm>>
        %dma_start3A_31 = arith.constant 9984 : i32
        %dma_start3A_32 = arith.constant 0 : i32
        %dma_start3A_33 = tpu.memref_slice %arg7[%dma_start3A_31, %dma_start3A_32] : memref<10000x128xf32, #tpu.memory_space<vmem_shared>> -> memref<16x128xf32, #tpu.memory_space<vmem_shared>>
        tpu.enqueue_dma source(%dma_start3A_33 : memref<16x128xf32, #tpu.memory_space<vmem_shared>>) target(%dma_start3A_30 : memref<16x128xf32, #tpu.memory_space<hbm>>) target_semaphore(%run_scoped3A : memref<!tpu.dma_semaphore, #tpu.memory_space<semaphore_mem>>)
        %dma_wait3A = arith.constant 9984 : i32
        %dma_wait3A_34 = arith.constant 0 : i32
        %dma_wait3A_35 = tpu.memref_slice %arg4[%arg0, %dma_wait3A, %dma_wait3A_34] : memref<2x10000x128xf32, #tpu.memory_space<hbm>> -> memref<1x16x128xf32, #tpu.memory_space<hbm>>
        %dma_wait3A_36 = tpu.memref_squeeze %dma_wait3A_35 : memref<1x16x128xf32, #tpu.memory_space<hbm>> -> memref<16x128xf32, #tpu.memory_space<hbm>>
        %dma_wait3A_37 = arith.constant 9984 : i32
        %dma_wait3A_38 = arith.constant 0 : i32
        %dma_wait3A_39 = tpu.memref_slice %arg7[%dma_wait3A_37, %dma_wait3A_38] : memref<10000x128xf32, #tpu.memory_space<vmem_shared>> -> memref<16x128xf32, #tpu.memory_space<vmem_shared>>
        tpu.wait_dma2 semaphore(%run_scoped3A : memref<!tpu.dma_semaphore, #tpu.memory_space<semaphore_mem>>) src(%dma_wait3A_39 : memref<16x128xf32, #tpu.memory_space<vmem_shared>>) dst(%dma_wait3A_36 : memref<16x128xf32, #tpu.memory_space<hbm>>)
        tpu.yield
      }) : () -> ()
    } else {
    }
    return
  }
}

module attributes {stable_mosaic.version = 14 : i64} {
  func.func @_dense_in_body(%arg0: memref<10000x128xf32, #tpu.memory_space<vmem>>, %arg1: memref<1x128xf32, #tpu.memory_space<vmem>>, %arg2: memref<1x128xf32, #tpu.memory_space<vmem>>, %arg3: memref<128x128xf32, #tpu.memory_space<vmem>>, %arg4: memref<1x128xf32, #tpu.memory_space<vmem>>, %arg5: memref<128x128xf32, #tpu.memory_space<vmem>>, %arg6: memref<1x128xf32, #tpu.memory_space<vmem>>, %arg7: memref<10000x128xf32, #tpu.memory_space<vmem>>, %arg8: memref<20000x128xf32, #tpu.memory_space<vmem>>) attributes {dimension_semantics = [], scalar_prefetch = 0 : i64, scratch_operands = 0 : i64, tpu.core_type = #tpu.core_type<tc>} {
    %get3A = arith.constant 0 : index
    %get3A_0 = arith.constant 0 : index
    %get3A_1 = vector.load %arg0[%get3A, %get3A_0] : memref<10000x128xf32, #tpu.memory_space<vmem>>, vector<10000x128xf32>
    %reduce_sum3A = arith.constant dense<0.000000e+00> : vector<128xf32>
    %reduce_sum3A_2 = vector.multi_reduction <add>, %get3A_1, %reduce_sum3A [0] : vector<10000x128xf32> to vector<128xf32>
    %broadcast_in_dim3A = vector.shape_cast %reduce_sum3A_2 : vector<128xf32> to vector<1x128xf32>
    %div3A = arith.constant 1.000000e+04 : f32
    %div3A_3 = vector.broadcast %div3A : f32 to vector<1x128xf32>
    %div3A_4 = arith.divf %broadcast_in_dim3A, %div3A_3 : vector<1x128xf32>
    %sub3A = vector.broadcast %div3A_4 : vector<1x128xf32> to vector<10000x128xf32>
    %sub3A_5 = arith.subf %get3A_1, %sub3A : vector<10000x128xf32>
    %mul3A = arith.mulf %sub3A_5, %sub3A_5 : vector<10000x128xf32>
    %reduce_sum3A_6 = arith.constant dense<0.000000e+00> : vector<128xf32>
    %reduce_sum3A_7 = vector.multi_reduction <add>, %mul3A, %reduce_sum3A_6 [0] : vector<10000x128xf32> to vector<128xf32>
    %broadcast_in_dim3A_8 = vector.shape_cast %reduce_sum3A_7 : vector<128xf32> to vector<1x128xf32>
    %div3A_9 = arith.constant 1.000000e+04 : f32
    %div3A_10 = vector.broadcast %div3A_9 : f32 to vector<1x128xf32>
    %div3A_11 = arith.divf %broadcast_in_dim3A_8, %div3A_10 : vector<1x128xf32>
    %add3A = arith.constant 9.99999974E-6 : f32
    %add3A_12 = vector.broadcast %add3A : f32 to vector<1x128xf32>
    %add3A_13 = arith.addf %div3A_11, %add3A_12 : vector<1x128xf32>
    %rsqrt3A = math.rsqrt %add3A_13 : vector<1x128xf32>
    %mul3A_14 = vector.broadcast %rsqrt3A : vector<1x128xf32> to vector<10000x128xf32>
    %mul3A_15 = arith.mulf %sub3A_5, %mul3A_14 : vector<10000x128xf32>
    %get3A_16 = arith.constant 0 : index
    %get3A_17 = arith.constant 0 : index
    %get3A_18 = vector.load %arg1[%get3A_16, %get3A_17] : memref<1x128xf32, #tpu.memory_space<vmem>>, vector<1x128xf32>
    %mul3A_19 = vector.broadcast %get3A_18 : vector<1x128xf32> to vector<10000x128xf32>
    %mul3A_20 = arith.mulf %mul3A_15, %mul3A_19 : vector<10000x128xf32>
    %get3A_21 = arith.constant 0 : index
    %get3A_22 = arith.constant 0 : index
    %get3A_23 = vector.load %arg2[%get3A_21, %get3A_22] : memref<1x128xf32, #tpu.memory_space<vmem>>, vector<1x128xf32>
    %add3A_24 = vector.broadcast %get3A_23 : vector<1x128xf32> to vector<10000x128xf32>
    %add3A_25 = arith.addf %mul3A_20, %add3A_24 : vector<10000x128xf32>
    %swap3A = arith.constant 0 : index
    %swap3A_26 = arith.constant 0 : index
    %swap3A_27 = vector.load %arg7[%swap3A, %swap3A_26] : memref<10000x128xf32, #tpu.memory_space<vmem>>, vector<10000x128xf32>
    tpu.vector_store %arg7[%swap3A, %swap3A_26], %add3A_25 {strides = array<i32>} : memref<10000x128xf32, #tpu.memory_space<vmem>>, vector<10000x128xf32>,
    %get3A_28 = arith.constant 0 : index
    %get3A_29 = arith.constant 0 : index
    %get3A_30 = vector.load %arg3[%get3A_28, %get3A_29] : memref<128x128xf32, #tpu.memory_space<vmem>>, vector<128x128xf32>
    %dot_general3A = arith.constant dense<0.000000e+00> : vector<10000x128xf32>
    %dot_general3A_31 = tpu.matmul %add3A_25, %get3A_30, %dot_general3A {dimension_numbers = #tpu.dot_dimension_numbers<[1], [1], [0], [0], [0, 0, 1, 0], [], []>, transpose_lhs_hint = false} : vector<10000x128xf32>, vector<128x128xf32>, vector<10000x128xf32> -> vector<10000x128xf32>
    %get3A_32 = arith.constant 0 : index
    %get3A_33 = arith.constant 0 : index
    %get3A_34 = vector.load %arg4[%get3A_32, %get3A_33] : memref<1x128xf32, #tpu.memory_space<vmem>>, vector<1x128xf32>
    %add3A_35 = vector.broadcast %get3A_34 : vector<1x128xf32> to vector<10000x128xf32>
    %add3A_36 = arith.addf %dot_general3A_31, %add3A_35 : vector<10000x128xf32>
    %swap3A_37 = arith.constant 0 : index
    %swap3A_38 = arith.constant 0 : index
    %swap3A_39 = vector.load %arg8[%swap3A_37, %swap3A_38] : memref<20000x128xf32, #tpu.memory_space<vmem>>, vector<10000x128xf32>
    tpu.vector_store %arg8[%swap3A_37, %swap3A_38], %add3A_36 {strides = array<i32>} : memref<20000x128xf32, #tpu.memory_space<vmem>>, vector<10000x128xf32>,
    %get3A_40 = arith.constant 0 : index
    %get3A_41 = arith.constant 0 : index
    %get3A_42 = vector.load %arg5[%get3A_40, %get3A_41] : memref<128x128xf32, #tpu.memory_space<vmem>>, vector<128x128xf32>
    %dot_general3A_43 = arith.constant dense<0.000000e+00> : vector<10000x128xf32>
    %dot_general3A_44 = tpu.matmul %add3A_25, %get3A_42, %dot_general3A_43 {dimension_numbers = #tpu.dot_dimension_numbers<[1], [1], [0], [0], [0, 0, 1, 0], [], []>, transpose_lhs_hint = false} : vector<10000x128xf32>, vector<128x128xf32>, vector<10000x128xf32> -> vector<10000x128xf32>
    %get3A_45 = arith.constant 0 : index
    %get3A_46 = arith.constant 0 : index
    %get3A_47 = vector.load %arg6[%get3A_45, %get3A_46] : memref<1x128xf32, #tpu.memory_space<vmem>>, vector<1x128xf32>
    %add3A_48 = vector.broadcast %get3A_47 : vector<1x128xf32> to vector<10000x128xf32>
    %add3A_49 = arith.addf %dot_general3A_44, %add3A_48 : vector<10000x128xf32>
    %swap3A_50 = arith.constant 10000 : index
    %swap3A_51 = arith.constant 0 : index
    %swap3A_52 = vector.load %arg8[%swap3A_50, %swap3A_51] : memref<20000x128xf32, #tpu.memory_space<vmem>>, vector<10000x128xf32>
    tpu.vector_store %arg8[%swap3A_50, %swap3A_51], %add3A_49 {strides = array<i32>} : memref<20000x128xf32, #tpu.memory_space<vmem>>, vector<10000x128xf32>,
    return
  }
}

module attributes {stable_mosaic.version = 14 : i64} {
  func.func @_dense_out_body(%arg0: memref<10000x128xf32, #tpu.memory_space<vmem>>, %arg1: memref<2x10000x128xf32, #tpu.memory_space<vmem>>, %arg2: memref<256x256xf32, #tpu.memory_space<vmem>>, %arg3: memref<1x256xf32, #tpu.memory_space<vmem>>, %arg4: memref<256x128xf32, #tpu.memory_space<vmem>>, %arg5: memref<10000x128xf32, #tpu.memory_space<vmem>>) attributes {dimension_semantics = [], scalar_prefetch = 0 : i64, scratch_operands = 0 : i64, tpu.core_type = #tpu.core_type<tc>} {
    %get3A = arith.constant 0 : index
    %get3A_0 = arith.constant 0 : index
    %get3A_1 = vector.load %arg0[%get3A, %get3A_0] : memref<10000x128xf32, #tpu.memory_space<vmem>>, vector<10000x128xf32>
    %get3A_2 = arith.constant 0 : index
    %get3A_3 = arith.constant 0 : index
    %get3A_4 = vector.load %arg2[%get3A_2, %get3A_3] : memref<256x256xf32, #tpu.memory_space<vmem>>, vector<256x256xf32>
    %get3A_5 = arith.constant 0 : index
    %get3A_6 = arith.constant 0 : index
    %get3A_7 = arith.constant 0 : index
    %get3A_8 = vector.load %arg1[%get3A_5, %get3A_6, %get3A_7] : memref<2x10000x128xf32, #tpu.memory_space<vmem>>, vector<1x10000x128xf32>
    %get3A_9 = vector.shape_cast %get3A_8 : vector<1x10000x128xf32> to vector<10000x128xf32>
    %slice3A = vector.extract_strided_slice %get3A_4 {offsets = [0, 0], sizes = [256, 128], strides = [1, 1]} : vector<256x256xf32> to vector<256x128xf32>
    %dot_general3A = arith.constant dense<0.000000e+00> : vector<10000x256xf32>
    %dot_general3A_10 = tpu.matmul %get3A_9, %slice3A, %dot_general3A {dimension_numbers = #tpu.dot_dimension_numbers<[1], [1], [0], [0], [0, 0, 1, 0], [], []>, transpose_lhs_hint = false} : vector<10000x128xf32>, vector<256x128xf32>, vector<10000x256xf32> -> vector<10000x256xf32>
    %get3A_11 = arith.constant 1 : index
    %get3A_12 = arith.constant 0 : index
    %get3A_13 = arith.constant 0 : index
    %get3A_14 = vector.load %arg1[%get3A_11, %get3A_12, %get3A_13] : memref<2x10000x128xf32, #tpu.memory_space<vmem>>, vector<1x10000x128xf32>
    %get3A_15 = vector.shape_cast %get3A_14 : vector<1x10000x128xf32> to vector<10000x128xf32>
    %slice3A_16 = vector.extract_strided_slice %get3A_4 {offsets = [0, 128], sizes = [256, 128], strides = [1, 1]} : vector<256x256xf32> to vector<256x128xf32>
    %dot_general3A_17 = arith.constant dense<0.000000e+00> : vector<10000x256xf32>
    %dot_general3A_18 = tpu.matmul %get3A_15, %slice3A_16, %dot_general3A_17 {dimension_numbers = #tpu.dot_dimension_numbers<[1], [1], [0], [0], [0, 0, 1, 0], [], []>, transpose_lhs_hint = false} : vector<10000x128xf32>, vector<256x128xf32>, vector<10000x256xf32> -> vector<10000x256xf32>
    %add3A = arith.addf %dot_general3A_10, %dot_general3A_18 : vector<10000x256xf32>
    %get3A_19 = arith.constant 0 : index
    %get3A_20 = arith.constant 0 : index
    %get3A_21 = vector.load %arg3[%get3A_19, %get3A_20] : memref<1x256xf32, #tpu.memory_space<vmem>>, vector<1x256xf32>
    %add3A_22 = vector.broadcast %get3A_21 : vector<1x256xf32> to vector<10000x256xf32>
    %add3A_23 = arith.addf %add3A, %add3A_22 : vector<10000x256xf32>
    %get3A_24 = arith.constant 0 : index
    %get3A_25 = arith.constant 0 : index
    %get3A_26 = vector.load %arg4[%get3A_24, %get3A_25] : memref<256x128xf32, #tpu.memory_space<vmem>>, vector<256x128xf32>
    %dot_general3A_27 = arith.constant dense<0.000000e+00> : vector<10000x256xf32>
    %dot_general3A_28 = tpu.matmul %get3A_1, %get3A_26, %dot_general3A_27 {dimension_numbers = #tpu.dot_dimension_numbers<[1], [1], [0], [0], [0, 0, 1, 0], [], []>, transpose_lhs_hint = false} : vector<10000x128xf32>, vector<256x128xf32>, vector<10000x256xf32> -> vector<10000x256xf32>
    %add3A_29 = arith.addf %add3A_23, %dot_general3A_28 : vector<10000x256xf32>
    %slice3A_30 = vector.extract_strided_slice %add3A_29 {offsets = [0, 0], sizes = [10000, 128], strides = [1, 1]} : vector<10000x256xf32> to vector<10000x128xf32>
    %logistic3A = arith.negf %slice3A_30 : vector<10000x128xf32>
    %logistic3A_31 = math.exp %logistic3A : vector<10000x128xf32>
    %logistic3A_32 = arith.constant 1.000000e+00 : f32
    %logistic3A_33 = vector.broadcast %logistic3A_32 : f32 to vector<10000x128xf32>
    %logistic3A_34 = arith.addf %logistic3A_33, %logistic3A_31 : vector<10000x128xf32>
    %logistic3A_35 = arith.divf %logistic3A_33, %logistic3A_34 : vector<10000x128xf32>
    %slice3A_36 = vector.extract_strided_slice %add3A_29 {offsets = [0, 128], sizes = [10000, 128], strides = [1, 1]} : vector<10000x256xf32> to vector<10000x128xf32>
    %tanh3A = math.tanh %slice3A_36 : vector<10000x128xf32>
    %sub3A = arith.subf %get3A_1, %tanh3A : vector<10000x128xf32>
    %mul3A = arith.mulf %logistic3A_35, %sub3A : vector<10000x128xf32>
    %add3A_37 = arith.addf %tanh3A, %mul3A : vector<10000x128xf32>
    %swap3A = arith.constant 0 : index
    %swap3A_38 = arith.constant 0 : index
    %swap3A_39 = vector.load %arg5[%swap3A, %swap3A_38] : memref<10000x128xf32, #tpu.memory_space<vmem>>, vector<10000x128xf32>
    tpu.vector_store %arg5[%swap3A, %swap3A_38], %add3A_37 {strides = array<i32>} : memref<10000x128xf32, #tpu.memory_space<vmem>>, vector<10000x128xf32>,
    return
  }
}

</mosaic_0001>

<sc_bundles>
// kernel: kernel.5.cloned.1.call-start
scs
__scs_entry_jumppad:
0x0: {  	(pc) =	sbr.rel $0x88, $3  }
0x1: {  	(tag) =	ssettag $0x0;
	lr =	simm.s32 $0x1  }
0x2: {  	[smem:$0x3F94] =	sst lr;
	_ =	strace $0xD0000000  }
0x3: {  	_ = 	snop  }
0x4: {  	_ = 	snop  }
0x5: {  	_ = 	snop  }
0x6: {  	_ = 	snop  }
0x7: {  	_ = 	snop  }
__scs_overlays_trampoline_lowered:
0x8: {  	[smem:$0x3FA3] =	sst s0  }
0x9: {  	[smem:$0x3FA4] =	sst s1  }
0xa: {  	[smem:$0x3FA5] =	sst s2  }
0xb: {  	[smem:$0x3FA6] =	sst s3  }
0xc: {  	[smem:$0x3FA7] =	sst s4  }
0xd: {  	[smem:$0x3FA8] =	sst s5  }
0xe: {  	[smem:$0x3FA9] =	sst s6  }
0xf: {  	[smem:$0x3FAA] =	sst s7  }
0x10: {  	[smem:$0x3FAB] =	sst s8  }
0x11: {  	[smem:$0x3FAC] =	sst s9;
	s0 =	simm.s32 @!p0 $0x0  }
0x12: {  	s1 =	sld [smem:$0x3F92];
	s0 =	simm.s32 @p0 $0x1  }
0x13: {  	[smem:$0x3FAD] =	sst s0;
	s0 =	simm.s32 @!p1 $0x0  }
0x14: {  	s2 =	sld [smem:$0x3F91];
	s0 =	simm.s32 @p1 $0x1  }
0x15: {  	[smem:$0x3FAE] =	sst s0;
	s0 =	simm.s32 @!p2 $0x0  }
0x16: {  	s3 =	sld [smem:$0x3FDB];
	s0 =	simm.s32 @p2 $0x1  }
0x17: {  	s4 =	simm.s32 $0x1BF5;
	[smem:$0x3FB0] =	sst s0  }
0x18: {  	s0 =	sld [smem:$0x3F93];
	_ =	swait.ge [sflag:s4], $0x0  }
0x19: {  	s7 =	sld [smem:$0x3F94]  }
0x1a: {  	s8 =	sadd.s32 $0xFFFFE003, lr  }
0x1b: {  	s9 =	sadd.s32 $0xFFFFFEF7, lr;
	s5 =	simm.s32 $0xFFFFFFFF;
	p2 =	slt.u32 s8, $0xFFFFF086  }
0x1c: {  	p1 =	slt.u32 s9, $0xF7A;
	s5 =	simm.s32 @!p2 $0x0  }
0x1d: {  	s5 =	simm.s32 @p1 $0x1;
	p0 =	seq.s32 s7, s2  }
0x1e: {  	s7 =	smul.u32 @!p0 $0xF7A, s2;
	p2 =	seq.s32 @!p0 s5, $0x0  }
0x1f: {  	s9 =	smul.u32 $0xF7A, s1;
	s8 =	simm.s32 @!p0 $0x1BF5;
	p2 =	por !p2, p0  }
0x20: {  	[sflag:s8] =	ssyncset.s32 @!p0 $0xFFFFF086;
	s6 =	sadd.s32 @!p0 s3, s7;
	s7 =	simm.s32 @!p0 $0x108  }
0x21: {  	s3 =	sadd.s32 s3, s9;
	s6 =	sadd.s32 @!p0 $0x88, s6;
	s7 =	simm.s32 @p2 $0x1082  }
0x22: {  	[simem:s7], [sflag:s8] =	dma.local @!p0 [hbm:s6], $0xF7A  }
0x23: {  	s9 =	sor.u32 $0xD0000000, s2;
	s6 =	simm.s32 $0x108;
	_ =	swait.ge @!p0 [sflag:s8], $0x0  }
0x24: {  	s3 =	sadd.s32 $0x88, s3;
	s6 =	simm.s32 @!p1 $0x1082;
	[sflag:s4] =	ssyncset.s32 $0xFFFFF086  }
0x25: {  	[simem:s6], [sflag:s4] =	dma.local [hbm:s3], $0xF7A  }
0x26: {  	[smem:$0x3F94] =	sst s1;
	(tag) =	ssettag s2;
	_ =	strace s9  }
0x27: {  	s1 =	sld [smem:$0x3FA4]  }
0x28: {  	s2 =	sld [smem:$0x3FA5]  }
0x29: {  	s4 =	sld [smem:$0x3FA7]  }
0x2a: {  	p0 =	seq.s32 s5, $0x0;
	s5 =	sld [smem:$0x3FA8]  }
0x2b: {  	s6 =	sld [smem:$0x3FA9]  }
0x2c: {  	s7 =	sld [smem:$0x3FAA]  }
0x2d: {  	s3 =	simm.s32 $0x108;
	s8 =	sld [smem:$0x3FAB]  }
0x2e: {  	s3 =	simm.s32 @!p0 $0x1082;
	s9 =	sld [smem:$0x3FAC]  }
0x2f: {  	lr =	sadd.s32 s0, s3;
	s0 =	sld [smem:$0x3FA3]  }
0x30: {  	s3 =	sld [smem:$0x3FA6]  }
0x31: {  	[smem:$0x3FAF] =	sst s10  }
0x32: {  	s10 =	sld [smem:$0x3FAD];
	_ =	sdelay $0x3  }
0x33: {  	p0 =	seq.s32 s10, $0x1;
	s10 =	sld [smem:$0x3FAF];
	_ =	sdelay $0x3  }
0x34: {  	[smem:$0x3FAF] =	sst s10  }
0x35: {  	s10 =	sld [smem:$0x3FAE];
	_ =	sdelay $0x3  }
0x36: {  	p1 =	seq.s32 s10, $0x1;
	s10 =	sld [smem:$0x3FAF];
	_ =	sdelay $0x3  }
0x37: {  	[smem:$0x3FAF] =	sst s10  }
0x38: {  	s10 =	sld [smem:$0x3FB0]  }
0x39: {  	_ = 	snop;
	(pc) =	sbr.ind lr, $3  }
0x3a: {  	_ = 	snop  }
0x3b: {  	_ = 	snop  }
0x3c: {  	p2 =	seq.s32 s10, $0x1;
	s10 =	sld [smem:$0x3FAF]  }
0x3d: {  	_ =	shalt  }
0x3e: {  	_ =	shalt  }
0x3f: {  	_ =	shalt  }
0x40: {  	_ =	shalt  }
0x41: {  	_ =	shalt  }
0x42: {  	_ =	shalt  }
0x43: {  	_ =	shalt  }
0x44: {  	_ =	shalt  }
0x45: {  	_ =	shalt  }
0x46: {  	_ =	shalt  }
0x47: {  	_ =	shalt  }
0x48: {  	_ =	shalt  }
0x49: {  	_ =	shalt  }
0x4a: {  	_ =	shalt  }
0x4b: {  	_ =	shalt  }
0x4c: {  	_ =	shalt  }
0x4d: {  	_ =	shalt  }
0x4e: {  	_ =	shalt  }
0x4f: {  	_ =	shalt  }
0x50: {  	_ =	shalt  }
0x51: {  	_ =	shalt  }
0x52: {  	_ =	shalt  }
0x53: {  	_ =	shalt  }
0x54: {  	_ =	shalt  }
0x55: {  	_ =	shalt  }
0x56: {  	_ =	shalt  }
0x57: {  	_ =	shalt  }
0x58: {  	_ =	shalt  }
0x59: {  	_ =	shalt  }
0x5a: {  	_ =	shalt  }
0x5b: {  	_ =	shalt  }
0x5c: {  	_ =	shalt  }
0x5d: {  	_ =	shalt  }
0x5e: {  	_ =	shalt  }
0x5f: {  	_ =	shalt  }
0x60: {  	_ =	shalt  }
0x61: {  	_ =	shalt  }
0x62: {  	_ =	shalt  }
0x63: {  	_ =	shalt  }
0x64: {  	_ =	shalt  }
0x65: {  	_ =	shalt  }
0x66: {  	_ =	shalt  }
0x67: {  	_ =	shalt  }
0x68: {  	_ =	shalt  }
0x69: {  	_ =	shalt  }
0x6a: {  	_ =	shalt  }
0x6b: {  	_ =	shalt  }
0x6c: {  	_ =	shalt  }
0x6d: {  	_ =	shalt  }
0x6e: {  	_ =	shalt  }
0x6f: {  	_ =	shalt  }
0x70: {  	_ =	shalt  }
0x71: {  	_ =	shalt  }
0x72: {  	_ =	shalt  }
0x73: {  	_ =	shalt  }
0x74: {  	_ =	shalt  }
0x75: {  	_ =	shalt  }
0x76: {  	_ =	shalt  }
0x77: {  	_ =	shalt  }
0x78: {  	_ =	shalt  }
0x79: {  	_ =	shalt  }
0x7a: {  	_ =	shalt  }
0x7b: {  	_ =	shalt  }
0x7c: {  	_ =	shalt  }
0x7d: {  	_ =	shalt  }
0x7e: {  	_ =	shalt  }
0x7f: {  	_ =	shalt  }
0x80: {  	_ =	shalt  }
0x81: {  	_ =	shalt  }
0x82: {  	_ =	shalt  }
0x83: {  	_ =	shalt  }
0x84: {  	_ =	shalt  }
0x85: {  	_ =	shalt  }
0x86: {  	_ =	shalt  }
0x87: {  	_ =	shalt  }
.Lfunc_end0:
.L_simem_size_0:
called_computation_lowered:
.L_overlay_start_0:
0x88: {  	s2 =	sld [smem:$0x3FD9]  }
0x89: {  	s3 =	sld [smem:$0x3FFE];
	_ =	sdelay $0x1  }
0x8a: {  	s1 =	srdreg.scid  }
0x8b: {  	s0 =	sand.u32 $0x1, s1  }
0x8c: {  	s16 =	sshll.u32 s0, $0xA;
	s2 =	sadd.s32 s3, s2  }
0x8d: {  	s2 =	sadd.s32 s2, s16  }
0x8e: {  	[smem:$0x3FBB] =	sst s2  }
0x8f: {  	_ = 	snop  }
0x90: {  	(tm) =	ssettm $0x1  }
0x91: {  	s17 =	sld [smem:$0x3FFB];
	_ =	sdelay $0x3  }
0x92: {  	_ =	strace s17  }
0x93: {  	s2 =	sld [smem:$0x3FFC];
	_ =	sdelay $0x3  }
0x94: {  	_ =	strace s2  }
0x95: {  	s2 =	sld [smem:$0x3FFD];
	_ =	sdelay $0x3  }
0x96: {  	_ =	strace s2  }
0x97: {  	_ =	strace $0x8FFFFFFF  }
0x98: {  	s18 =	sld [smem:$0x3FDB];
	_ =	sdelay $0x1  }
0x99: {  	s19 =	simm.s32 $_scs_section_size  }
0x9a: {  	s4 =	simm.s32 $_size__tile_overlayer_lowered;
	s5 =	simm.s32 $_tile_overlayer_lowered  }
0x9b: {  	s22 =	simm.s32 $0x1BFF;
	s21 =	sshll.u32 s5, $0x1;
	s2 =	sadd.s32 s19, s18  }
0x9c: {  	s6 =	simm.s32 $0x0;
	s20 =	sshll.u32 s4, $0x1;
	s4 =	sadd.s32 s21, s2  }
0x9d: {  	[timem:s6], [sflag:s22] =	dma.local [hbm:s4], s20  }
0x9e: {  	_ =	swait.ge [sflag:s22], s20  }
0x9f: {  	s3 =	ssub.s32 $0x0, s20;
	[sflag:s22] =	ssyncset.done $0x0  }
0xa0: {  	[sflag:s22] =	ssyncadd.s32 s3;
	_ =	sdelay $0x1  }
0xa1: {  	s23 =	simm.s32 $0x1B8B  }
0xa2: {  	_ =	swait.ge [sflag:s23], $0x1  }
0xa3: {  	[sflag:s23] =	ssyncset.done $0x0  }
0xa4: {  	s25 =	simm.s32 $0x1B8E;
	s24 =	sld [smem:$0x3FFE];
	[sflag:s23] =	ssyncadd.s32 $0xFFFFFFFF  }
0xa5: {  	s26 =	simm.s32 $execute0_lowered;
	[smem:$0x3FD2] =	sst s25  }
0xa6: {  	s4 =	sshll.u32 s26, $0x1;
	_ =	strace $0x80000046;
	[dreg:$0x1] =	wrdreg $0xFFFFFFFF  }
0xa7: {  	s28 =	simm.s32 $_size_execute0_lowered;
	s2 =	sadd.s32 s2, s4;
	[dreg:$0x0] =	wrdreg $0x0  }
0xa8: {  	s4 =	sshll.u32 s28, $0x1;
	[dreg:$0x2] =	wrdreg s2  }
0xa9: {  	[dreg:$0x3] =	wrdreg s4  }
0xaa: {  	[dreg:$0x4] =	wrdreg $0xC0  }
0xab: {  	_ =	task [dreg:s6], $0x5FFFF  }
0xac: {  	[dreg:$0x1] =	wrdreg $0xFFFFFFFF  }
0xad: {  	[dreg:$0x0] =	wrdreg $0x60  }
0xae: {  	[dreg:$0x2] =	wrdreg s24  }
0xaf: {  	[dreg:$0x3] =	wrdreg $0x42000  }
0xb0: {  	[dreg:$0x4] =	wrdreg $0x9  }
0xb1: {  	_ =	task.clear_ibuf [dreg:s6], $0x5FFFF;
	_ =	strace $0x90000046  }
0xb2: {  	s29 =	simm.s32 $0x9;
	_ =	strace $0x80000048  }
0xb3: {  	_ =	swait.ge [sflag:s29], $0x1  }
0xb4: {  	[sflag:s29] =	ssyncadd.s32 $0xFFFFFFFF  }
0xb5: {  	_ =	strace $0x90000048  }
0xb6: {  	_ =	sfence  }
0xb7: {  	s30 =	sld [smem:$0x0];
	_ =	sdelay $0x2  }
0xb8: {  	s31 =	sshll.u32 s1, $0xD;
	s1 =	sshrl.u32 s1, $0x2  }
0xb9: {  	s3 =	sand.u32 $0x4000, s31;
	s1 =	sadd.s32 s1, s30  }
0xba: {  	s0 =	sor.u32 s3, s0;
	s1 =	sshll.u32 s1, $0x11  }
0xbb: {  	s0 =	sor.u32 s1, s0  }
0xbc: {  	s0 =	sadd.s32 $0x8F2B, s0  }
0xbd: {  	[sflag:s0] =	ssyncadd.remote.s32 $0x1  }
0xbe: {  	_ =	sfence.sel $0xFFFF  }
0xbf: {  	[dreg:$0x0] =	wrdreg $0xFFFFFFFF;
	(pc) =	sbr.abs _section_cstart, $3  }
0xc0: {  	[dreg:$0x1] =	wrdreg $0xFFFFFFFF  }
0xc1: {  	_ =	task.clear_ibuf [dreg:s6], $0x2FFFF;
	_ =	strace $0x9FFFFFFF  }
0xc2: {  	(tm) =	ssettm $0x7FFFFFFF  }
0xc3: {  	_ =	shalt  }
tec
execute0_lowered:
.L_overlay_start_1:
0x0: {  	(tag) =	ssettag $0x1  }
0x1: {  	s5 =	rddreg [dreg:$0x0]  }
0x2: {  	s1 =	rddreg [dreg:$0x1]  }
0x3: {  	s0 =	rddreg [dreg:$0x2]  }
0x4: {  	s2 =	simm.s32 $0x0;
	s17 =	stileid.u32;
	s6 =	srdreg.scid  }
0x5: {  	[smem:$0x7FF] =	sst s2;
	s7 =	smul.u32 $0x4E000, s17;
	s3 =	sadd.s32 $0x4FE00, s5  }
0x6: {  	s4 =	sadd.s32 $0x1600, s5;
	s9 =	sand.u32 $0x1, s6;
	s10 =	smul.u32 $0x13800, s17  }
0x7: {  	s13 =	sadd.s32 $0x9E000, s5;
	s15 =	smul.u32 $0x13A00, s17;
	p0 =	sne.s32 s17, $0x0  }
0x8: {  	s31 =	sshll.u32 s17, $0x6;
	s17 =	simm.s32 $0x80;
	_ =	strace $0x80000047  }
0x9: {  	s6 =	ssub.s32 $0x2, s9;
	s11 =	smul.u32 $0x138800, s9;
	s29 =	sshrl.u32 s7, $0x2  }
0xa: {  	s12 =	smul.u32 $0x13A000, s9;
	s30 =	sshrl.u32 s6, $0x1;
	s5 =	sadd.s32 s29, s1  }
0xb: {  	s14 =	ssub.s32 s6, s30;
	s16 =	sadd.s32 s10, s11;
	s10 =	sadd.s32 $0x138000, s1  }
0xc: {  	s18 =	sshrl.u32 s11, $0x3;
	s11 =	sadd.s32 s15, s12;
	s15 =	simm.s32 $0x200  }
0xd: {  	s6 =	sadd.s32 $0x4000, s5;
	s7 =	sadd.s32 $0x8000, s5;
	s8 =	sadd.s32 $0xC000, s5  }
0xe: {  	s9 =	sadd.s32 $0x10000, s5;
	s16 =	sshrl.u32 s16, $0x3;
	s14 =	smax.u32 s14, $0x1  }
0xf: {  	s19 =	sshrl.u32 s5, $0x3;
	s12 =	sadd.s32 s13, s16;
	s13 =	sadd.s32 s13, s18  }
0x10: {  	v0 =	vimm.f32 $0.0e+00;
	s16 =	simm.s32 $0x1;
	s18 =	sor.u32 $0x1C01, s31;
	s13 =	sadd.s32 $0x27000, s13  }
.LBB2_1:
0x11: {  	s20 =	simm.s32 $0x0;
	s21 =	simm.s32 $0x200  }
.LBB2_2:
0x12: {  	p1 =	sne.s32 s21, $0xFE00;
	[tilespmem:s20+$0x270] =	vst v0  }
0x13: {  	[tilespmem:s20+$0x200] =	vst v0  }
0x14: {  	[tilespmem:s20+$0x210] =	vst v0  }
.Ltmp0:
0x15: {  	[tilespmem:s20+$0x220] =	vst v0;
	(pc) =	sbr.rel @p1 .LBB2_2-.Ltmp0, $4  }
0x16: {  	[tilespmem:s20+$0x230] =	vst v0  }
0x17: {  	[tilespmem:s20+$0x240] =	vst v0  }
0x18: {  	[tilespmem:s20+$0x250] =	vst v0  }
0x19: {  	[tilespmem:s20+$0x260] =	vst v0;
	s20 =	sshra.s32 s21, $0x2;
	s21 =	sadd.s32 $0x200, s21  }
0x1a: {  	[tilespmem:s20+$0x270] =	vst v0  }
0x1b: {  	[tilespmem:s20+$0x200] =	vst v0  }
0x1c: {  	[tilespmem:s20+$0x210] =	vst v0  }
0x1d: {  	[tilespmem:s20+$0x220] =	vst v0  }
0x1e: {  	[tilespmem:s20+$0x230] =	vst v0  }
0x1f: {  	[tilespmem:s20+$0x240] =	vst v0  }
0x20: {  	[tilespmem:s20+$0x250] =	vst v0  }
0x21: {  	[tilespmem:s20+$0x260] =	vst v0  }
0x22: {  	[spmem:s5] =	stream.linear.scatter [tilespmem:s15], [sflag:$0x1], $0x4000, $0x38;
	[tilespmem:$0x17A80] =	vst v63  }
0x23: {  	_ =	swait.ge [sflag:s16], $0x4000  }
0x24: {  	[sflag:s16] =	ssyncset.done $0x0  }
0x25: {  	[sflag:s16] =	ssyncadd.s32 $0xFFFFC000  }
0x26: {  	[spmem:s6] =	stream.linear.scatter [tilespmem:s15], [sflag:$0x1], $0x4000, $0x38;
	[tilespmem:$0x17A80] =	vst v63  }
0x27: {  	_ =	swait.ge [sflag:s16], $0x4000  }
0x28: {  	[sflag:s16] =	ssyncset.done $0x0  }
0x29: {  	[sflag:s16] =	ssyncadd.s32 $0xFFFFC000  }
0x2a: {  	[spmem:s7] =	stream.linear.scatter [tilespmem:s15], [sflag:$0x1], $0x4000, $0x38;
	[tilespmem:$0x17A80] =	vst v63  }
0x2b: {  	_ =	swait.ge [sflag:s16], $0x4000  }
0x2c: {  	[sflag:s16] =	ssyncset.done $0x0  }
0x2d: {  	[sflag:s16] =	ssyncadd.s32 $0xFFFFC000  }
0x2e: {  	[spmem:s8] =	stream.linear.scatter [tilespmem:s15], [sflag:$0x1], $0x4000, $0x38;
	[tilespmem:$0x17A80] =	vst v63  }
0x2f: {  	_ =	swait.ge [sflag:s16], $0x4000  }
0x30: {  	[sflag:s16] =	ssyncset.done $0x0  }
0x31: {  	[sflag:s16] =	ssyncadd.s32 $0xFFFFC000  }
0x32: {  	[spmem:s9] =	stream.linear.scatter [tilespmem:s15], [sflag:$0x1], $0x3800, $0x38;
	[tilespmem:$0x17A80] =	vst v63  }
0x33: {  	_ =	swait.ge [sflag:s16], $0x3800  }
0x34: {  	[sflag:s16] =	ssyncset.done $0x0  }
0x35: {  	s20 =	simm.s32 @!p0 $0x200;
	[sflag:s16] =	ssyncadd.s32 $0xFFFFC800  }
0x36: {  	[spmem:s10] =	stream.linear.scatter @!p0 [tilespmem:s20], [sflag:$0x1], $0x800, $0x38;
	[tilespmem:$0x17A80] =	vst v63  }
0x37: {  	s20 =	simm.s32 @!p0 $0x1  }
0x38: {  	_ =	swait.ge @!p0 [sflag:s20], $0x800  }
0x39: {  	[sflag:s20] =	ssyncset.done @!p0 $0x0  }
0x3a: {  	[sflag:s20] =	ssyncadd.s32 @!p0 $0xFFFFF800  }
0x3b: {  	s21 =	simm.s32 $0x0;
	s20 =	simm.s32 $0x0;
	[bflag:$0x0] =	sbarrier.arrive $0xFFFF  }
.LBB2_4:
0x3c: {  	s22 =	sshll.u32 s21, $0x9  }
0x3d: {  	s22 =	sadd.s32 s22, s11  }
0x3e: {  	s22 =	sshrl.u32 s22, $0x3  }
0x3f: {  	s22 =	sadd.s32 s4, s22  }
0x40: {  	[tilespmem:s20], [sflag:$0x1] =	stream.linear.gather [hbm4b:s22+s20], $0x180, $0x38;
	[tilespmem:$0x17A80] =	vst v63  }
0x41: {  	_ =	swait.ge [sflag:s16], $0x180  }
0x42: {  	[sflag:s16] =	ssyncset.done $0x0  }
0x43: {  	[sflag:s16] =	ssyncadd.s32 $0xFFFFFE80  }
0x44: {  	[tilespmem:s15], [sflag:$0x1] =	stream.indirect.gather [hbm4b:s3+s17], $0x80, s20, s17, $0xb8;
	[tilespmem:$0x17A80] =	vst v63  }
0x45: {  	_ =	swait.ge [sflag:s16], $0x4000  }
0x46: {  	s31 =	simm.s32 $0x0;
	[sflag:s16] =	ssyncset.done $0x0  }
0x47: {  	s22 =	sand.u32 $0x3FFFFFF0, s31;
	[sflag:s16] =	ssyncadd.s32 $0xFFFFC000  }
0x48: {  	s23 =	simm.s32 $0x0;
	v1 =	vld [tilespmem:s22+$0x100]  }
0x49: {  	s22 =	sand.u32 $0x3FFFF800, s23  }
0x4a: {  	v3 =	vld [tilespmem:s22+$0x220]  }
0x4b: {  	v4 =	vld [tilespmem:s22+$0x230]  }
0x4c: {  	v10 =	vld [tilespmem:s22+$0x260]  }
0x4d: {  	v11 =	vld [tilespmem:s22+$0x270];
	v2 =	vbroadcast v1, $0x0  }
0x4e: {  	v12 =	vld [tilespmem:s22+$0x280]  }
0x4f: {  	v13 =	vld [tilespmem:s22+$0x290];
	v3 =	vmul.f32 v3, v2  }
0x50: {  	v14 =	vld [tilespmem:s22+$0x2A0];
	v4 =	vmul.f32 v4, v2  }
0x51: {  	v9 =	vld [tilespmem:s22+$0x2B0];
	v23 =	vbroadcast v1, $0x1;
	v22 =	vmul.f32 v10, v2;
	[tilespmem:s22+$0x220] =	vst v3  }
0x52: {  	v7 =	vld [tilespmem:s22+$0x2C0];
	v11 =	vmul.f32 v11, v2;
	[tilespmem:s22+$0x230] =	vst v4  }
0x53: {  	v8 =	vld [tilespmem:s22+$0x2D0];
	v12 =	vmul.f32 v12, v23;
	[tilespmem:s22+$0x260] =	vst v22  }
0x54: {  	v25 =	vld [tilespmem:s22+$0x2F0];
	v13 =	vmul.f32 v13, v23;
	[tilespmem:s22+$0x270] =	vst v11  }
0x55: {  	v26 =	vld [tilespmem:s22+$0x300];
	v14 =	vmul.f32 v14, v23;
	[tilespmem:s22+$0x280] =	vst v12  }
0x56: {  	v27 =	vld [tilespmem:s22+$0x310];
	v9 =	vmul.f32 v9, v23;
	[tilespmem:s22+$0x290] =	vst v13  }
0x57: {  	v6 =	vld [tilespmem:s22+$0x770];
	v7 =	vmul.f32 v7, v23;
	[tilespmem:s22+$0x2A0] =	vst v14  }
0x58: {  	v24 =	vld [tilespmem:s22+$0x2E0];
	v15 =	vbroadcast v1, $0x2;
	v8 =	vmul.f32 v8, v23;
	[tilespmem:s22+$0x2B0] =	vst v9  }
0x59: {  	v28 =	vld [tilespmem:s22+$0x320];
	v10 =	vmul.f32 v25, v23;
	[tilespmem:s22+$0x2C0] =	vst v7  }
0x5a: {  	v29 =	vld [tilespmem:s22+$0x330];
	v5 =	vbroadcast v1, $0xA;
	v32 =	vmul.f32 v26, v15;
	[tilespmem:s22+$0x2D0] =	vst v8  }
0x5b: {  	v30 =	vld [tilespmem:s22+$0x340];
	v34 =	vmul.f32 v27, v15;
	[tilespmem:s22+$0x2F0] =	vst v10  }
0x5c: {  	v33 =	vld [tilespmem:s22+$0x360];
	v3 =	vmul.f32 v6, v5;
	[tilespmem:s22+$0x300] =	vst v32  }
0x5d: {  	v35 =	vld [tilespmem:s22+$0x370];
	v11 =	vmul.f32 v24, v23;
	[tilespmem:s22+$0x310] =	vst v34  }
0x5e: {  	v36 =	vld [tilespmem:s22+$0x380];
	v9 =	vmul.f32 v28, v15;
	[tilespmem:s22+$0x770] =	vst v3  }
0x5f: {  	v31 =	vld [tilespmem:s22+$0x350];
	v7 =	vmul.f32 v29, v15;
	[tilespmem:s22+$0x2E0] =	vst v11  }
0x60: {  	v37 =	vld [tilespmem:s22+$0x390];
	v8 =	vmul.f32 v30, v15;
	[tilespmem:s22+$0x320] =	vst v9  }
0x61: {  	v38 =	vld [tilespmem:s22+$0x3A0];
	v41 =	vbroadcast v1, $0x3;
	v10 =	vmul.f32 v33, v15;
	[tilespmem:s22+$0x330] =	vst v7  }
0x62: {  	v39 =	vld [tilespmem:s22+$0x3B0];
	v12 =	vmul.f32 v35, v15;
	[tilespmem:s22+$0x340] =	vst v8  }
0x63: {  	v42 =	vld [tilespmem:s22+$0x3D0];
	v13 =	vmul.f32 v36, v41;
	[tilespmem:s22+$0x360] =	vst v10  }
0x64: {  	v43 =	vld [tilespmem:s22+$0x3E0];
	v11 =	vmul.f32 v31, v15;
	[tilespmem:s22+$0x370] =	vst v12  }
0x65: {  	v44 =	vld [tilespmem:s22+$0x3F0];
	v9 =	vmul.f32 v37, v41;
	[tilespmem:s22+$0x380] =	vst v13  }
0x66: {  	v40 =	vld [tilespmem:s22+$0x3C0];
	v7 =	vmul.f32 v38, v41;
	[tilespmem:s22+$0x350] =	vst v11  }
0x67: {  	v45 =	vld [tilespmem:s22+$0x400];
	v8 =	vmul.f32 v39, v41;
	[tilespmem:s22+$0x390] =	vst v9  }
0x68: {  	v46 =	vld [tilespmem:s22+$0x410];
	v10 =	vmul.f32 v42, v41;
	[tilespmem:s22+$0x3A0] =	vst v7  }
0x69: {  	v47 =	vld [tilespmem:s22+$0x420];
	v12 =	vmul.f32 v43, v41;
	[tilespmem:s22+$0x3B0] =	vst v8  }
0x6a: {  	v49 =	vld [tilespmem:s22+$0x440];
	v50 =	vbroadcast v1, $0x4;
	v13 =	vmul.f32 v44, v41;
	[tilespmem:s22+$0x3D0] =	vst v10  }
0x6b: {  	v51 =	vld [tilespmem:s22+$0x450];
	v11 =	vmul.f32 v40, v41;
	[tilespmem:s22+$0x3E0] =	vst v12  }
0x6c: {  	v52 =	vld [tilespmem:s22+$0x460];
	v9 =	vmul.f32 v45, v50;
	[tilespmem:s22+$0x3F0] =	vst v13  }
0x6d: {  	v48 =	vld [tilespmem:s22+$0x430];
	v7 =	vmul.f32 v46, v50;
	[tilespmem:s22+$0x3C0] =	vst v11  }
0x6e: {  	v53 =	vld [tilespmem:s22+$0x470];
	v8 =	vmul.f32 v47, v50;
	[tilespmem:s22+$0x400] =	vst v9  }
0x6f: {  	v54 =	vld [tilespmem:s22+$0x480];
	v10 =	vmul.f32 v49, v50;
	[tilespmem:s22+$0x410] =	vst v7  }
0x70: {  	v55 =	vld [tilespmem:s22+$0x490];
	v12 =	vmul.f32 v51, v50;
	[tilespmem:s22+$0x420] =	vst v8  }
0x71: {  	v57 =	vld [tilespmem:s22+$0x4B0];
	v13 =	vmul.f32 v52, v50;
	[tilespmem:s22+$0x440] =	vst v10  }
0x72: {  	v58 =	vld [tilespmem:s22+$0x4C0];
	v59 =	vbroadcast v1, $0x5;
	v11 =	vmul.f32 v48, v50;
	[tilespmem:s22+$0x450] =	vst v12  }
0x73: {  	v60 =	vld [tilespmem:s22+$0x4D0];
	v9 =	vmul.f32 v53, v50;
	[tilespmem:s22+$0x460] =	vst v13  }
0x74: {  	v56 =	vld [tilespmem:s22+$0x4A0];
	v7 =	vmul.f32 v54, v59;
	[tilespmem:s22+$0x430] =	vst v11  }
0x75: {  	v61 =	vld [tilespmem:s22+$0x4E0];
	v8 =	vmul.f32 v55, v59;
	[tilespmem:s22+$0x470] =	vst v9  }
0x76: {  	v62 =	vld [tilespmem:s22+$0x4F0];
	v10 =	vmul.f32 v57, v59;
	[tilespmem:s22+$0x480] =	vst v7  }
0x77: {  	v63 =	vld [tilespmem:s22+$0x500];
	v12 =	vmul.f32 v58, v59;
	[tilespmem:s22+$0x490] =	vst v8  }
0x78: {  	v19 =	vld [tilespmem:s22+$0x520];
	v13 =	vmul.f32 v60, v59;
	[tilespmem:s22+$0x4B0] =	vst v10  }
0x79: {  	v20 =	vld [tilespmem:s22+$0x530];
	v11 =	vmul.f32 v56, v59;
	[tilespmem:s22+$0x4C0] =	vst v12  }
0x7a: {  	v21 =	vld [tilespmem:s22+$0x540];
	v22 =	vbroadcast v1, $0x6;
	v9 =	vmul.f32 v61, v59;
	[tilespmem:s22+$0x4D0] =	vst v13  }
0x7b: {  	v18 =	vld [tilespmem:s22+$0x510];
	v7 =	vmul.f32 v62, v59;
	[tilespmem:s22+$0x4A0] =	vst v11  }
0x7c: {  	v23 =	vld [tilespmem:s22+$0x550];
	v8 =	vmul.f32 v63, v22;
	[tilespmem:s22+$0x4E0] =	vst v9  }
0x7d: {  	v24 =	vld [tilespmem:s22+$0x560];
	v10 =	vmul.f32 v19, v22;
	[tilespmem:s22+$0x4F0] =	vst v7  }
0x7e: {  	v25 =	vld [tilespmem:s22+$0x570];
	v12 =	vmul.f32 v20, v22;
	[tilespmem:s22+$0x500] =	vst v8  }
0x7f: {  	v27 =	vld [tilespmem:s22+$0x590];
	v13 =	vmul.f32 v21, v22;
	[tilespmem:s22+$0x520] =	vst v10  }
0x80: {  	v28 =	vld [tilespmem:s22+$0x5A0];
	v11 =	vmul.f32 v18, v22;
	[tilespmem:s22+$0x530] =	vst v12  }
0x81: {  	v29 =	vld [tilespmem:s22+$0x5B0];
	v9 =	vmul.f32 v23, v22;
	[tilespmem:s22+$0x540] =	vst v13  }
0x82: {  	v31 =	vbroadcast v1, $0x7;
	v53 =	vld [tilespmem:s22+$0x700];
	v7 =	vmul.f32 v24, v22;
	[tilespmem:s22+$0x510] =	vst v11  }
0x83: {  	v57 =	vld [tilespmem:s22+$0x740];
	v8 =	vmul.f32 v25, v22;
	[tilespmem:s22+$0x550] =	vst v9  }
0x84: {  	v58 =	vld [tilespmem:s22+$0x750];
	v10 =	vmul.f32 v27, v31;
	[tilespmem:s22+$0x560] =	vst v7  }
0x85: {  	v26 =	vld [tilespmem:s22+$0x580];
	v12 =	vmul.f32 v28, v31;
	[tilespmem:s22+$0x570] =	vst v8  }
0x86: {  	v30 =	vld [tilespmem:s22+$0x5C0];
	v13 =	vmul.f32 v29, v31;
	[tilespmem:s22+$0x590] =	vst v10  }
0x87: {  	v32 =	vld [tilespmem:s22+$0x5D0];
	v59 =	vmul.f32 v53, v5;
	[tilespmem:s22+$0x5A0] =	vst v12  }
0x88: {  	v33 =	vld [tilespmem:s22+$0x5E0];
	v18 =	vmul.f32 v57, v5;
	[tilespmem:s22+$0x5B0] =	vst v13  }
0x89: {  	v35 =	vld [tilespmem:s22+$0x600];
	v20 =	vmul.f32 v58, v5;
	[tilespmem:s22+$0x700] =	vst v59  }
0x8a: {  	v36 =	vld [tilespmem:s22+$0x610];
	v11 =	vmul.f32 v26, v31;
	[tilespmem:s22+$0x740] =	vst v18  }
0x8b: {  	v37 =	vld [tilespmem:s22+$0x620];
	v9 =	vmul.f32 v30, v31;
	[tilespmem:s22+$0x750] =	vst v20  }
0x8c: {  	v4 =	vld [tilespmem:s22+$0x780];
	v40 =	vbroadcast v1, $0x8;
	v7 =	vmul.f32 v32, v31;
	[tilespmem:s22+$0x580] =	vst v11  }
0x8d: {  	v6 =	vld [tilespmem:s22+$0x790];
	v8 =	vmul.f32 v33, v31;
	[tilespmem:s22+$0x5C0] =	vst v9  }
0x8e: {  	v3 =	vld [tilespmem:s22+$0x9D0];
	v10 =	vmul.f32 v35, v40;
	[tilespmem:s22+$0x5D0] =	vst v7  }
0x8f: {  	v61 =	vld [tilespmem:s22+$0x200];
	v23 =	vbroadcast v1, $0xB;
	v12 =	vmul.f32 v36, v40;
	[tilespmem:s22+$0x5E0] =	vst v8  }
0x90: {  	v34 =	vld [tilespmem:s22+$0x5F0];
	v13 =	vmul.f32 v37, v40;
	[tilespmem:s22+$0x600] =	vst v10  }
0x91: {  	v38 =	vld [tilespmem:s22+$0x630];
	v27 =	vbroadcast v1, $0xF;
	v4 =	vmul.f32 v4, v23;
	[tilespmem:s22+$0x610] =	vst v12  }
0x92: {  	v39 =	vld [tilespmem:s22+$0x640];
	v6 =	vmul.f32 v6, v23;
	[tilespmem:s22+$0x620] =	vst v13  }
0x93: {  	v41 =	vld [tilespmem:s22+$0x650];
	v3 =	vmul.f32 v3, v27;
	[tilespmem:s22+$0x780] =	vst v4  }
0x94: {  	v43 =	vld [tilespmem:s22+$0x670];
	v24 =	vmul.f32 v2, v61;
	[tilespmem:s22+$0x790] =	vst v6  }
0x95: {  	v44 =	vld [tilespmem:s22+$0x680];
	v11 =	vmul.f32 v34, v31;
	[tilespmem:s22+$0x9D0] =	vst v3  }
0x96: {  	v45 =	vld [tilespmem:s22+$0x690];
	v9 =	vmul.f32 v38, v40;
	[tilespmem:s22+$0x200] =	vst v24  }
0x97: {  	v63 =	vld [tilespmem:s22+$0x240];
	v7 =	vmul.f32 v39, v40;
	[tilespmem:s22+$0x5F0] =	vst v11  }
0x98: {  	v49 =	vbroadcast v1, $0x9;
	v29 =	vld [tilespmem:s22+$0x7F0];
	v8 =	vmul.f32 v41, v40;
	[tilespmem:s22+$0x630] =	vst v9  }
0x99: {  	v42 =	vld [tilespmem:s22+$0x660];
	v10 =	vmul.f32 v43, v40;
	[tilespmem:s22+$0x640] =	vst v7  }
0x9a: {  	v46 =	vld [tilespmem:s22+$0x6A0];
	v12 =	vmul.f32 v44, v49;
	[tilespmem:s22+$0x650] =	vst v8  }
0x9b: {  	v47 =	vld [tilespmem:s22+$0x6B0];
	v13 =	vmul.f32 v45, v49;
	[tilespmem:s22+$0x670] =	vst v10  }
0x9c: {  	v48 =	vld [tilespmem:s22+$0x6C0];
	v3 =	vmul.f32 v63, v2;
	[tilespmem:s22+$0x680] =	vst v12  }
0x9d: {  	v51 =	vld [tilespmem:s22+$0x6E0];
	v6 =	vmul.f32 v29, v23;
	[tilespmem:s22+$0x690] =	vst v13  }
0x9e: {  	v52 =	vld [tilespmem:s22+$0x6F0];
	v11 =	vmul.f32 v42, v40;
	[tilespmem:s22+$0x240] =	vst v3  }
0x9f: {  	v28 =	vld [tilespmem:s22+$0x7E0];
	v9 =	vmul.f32 v46, v49;
	[tilespmem:s22+$0x7F0] =	vst v6  }
0xa0: {  	v26 =	vld [tilespmem:s22+$0x7D0];
	v7 =	vmul.f32 v47, v49;
	[tilespmem:s22+$0x660] =	vst v11  }
0xa1: {  	v30 =	vld [tilespmem:s22+$0x800];
	v8 =	vmul.f32 v48, v49;
	[tilespmem:s22+$0x6A0] =	vst v9  }
0xa2: {  	v50 =	vld [tilespmem:s22+$0x6D0];
	v10 =	vmul.f32 v51, v49;
	[tilespmem:s22+$0x6B0] =	vst v7  }
0xa3: {  	v54 =	vld [tilespmem:s22+$0x710];
	v12 =	vmul.f32 v52, v49;
	[tilespmem:s22+$0x6C0] =	vst v8  }
0xa4: {  	v55 =	vld [tilespmem:s22+$0x720];
	v35 =	vbroadcast v1, $0xC;
	v40 =	vmul.f32 v28, v23;
	[tilespmem:s22+$0x6E0] =	vst v10  }
0xa5: {  	v56 =	vld [tilespmem:s22+$0x730];
	v32 =	vmul.f32 v26, v23;
	[tilespmem:s22+$0x6F0] =	vst v12  }
0xa6: {  	v60 =	vld [tilespmem:s22+$0x760];
	v15 =	vmul.f32 v30, v35;
	[tilespmem:s22+$0x7E0] =	vst v40  }
0xa7: {  	v62 =	vld [tilespmem:s22+$0x210];
	v11 =	vmul.f32 v50, v49;
	[tilespmem:s22+$0x7D0] =	vst v32  }
0xa8: {  	v19 =	vld [tilespmem:s22+$0x250];
	v9 =	vmul.f32 v54, v5;
	[tilespmem:s22+$0x800] =	vst v15  }
0xa9: {  	v33 =	vld [tilespmem:s22+$0x830];
	v7 =	vmul.f32 v55, v5;
	[tilespmem:s22+$0x6D0] =	vst v11  }
0xaa: {  	v61 =	vld [tilespmem:s22+$0x9F0];
	v8 =	vmul.f32 v56, v5;
	[tilespmem:s22+$0x710] =	vst v9  }
0xab: {  	v38 =	vld [tilespmem:s22+$0x870];
	v5 =	vmul.f32 v60, v5;
	[tilespmem:s22+$0x720] =	vst v7  }
0xac: {  	v21 =	vld [tilespmem:s22+$0x7A0];
	v12 =	vmul.f32 v62, v2;
	[tilespmem:s22+$0x730] =	vst v8  }
0xad: {  	v22 =	vld [tilespmem:s22+$0x7B0];
	v2 =	vmul.f32 v19, v2;
	[tilespmem:s22+$0x760] =	vst v5  }
0xae: {  	v25 =	vld [tilespmem:s22+$0x7C0];
	v62 =	vmul.f32 v33, v35;
	[tilespmem:s22+$0x210] =	vst v12  }
0xaf: {  	v31 =	vld [tilespmem:s22+$0x810];
	v63 =	vmul.f32 v61, v27;
	[tilespmem:s22+$0x250] =	vst v2  }
0xb0: {  	v34 =	vld [tilespmem:s22+$0x840];
	v15 =	vmul.f32 v38, v35;
	[tilespmem:s22+$0x830] =	vst v62  }
0xb1: {  	v41 =	vld [tilespmem:s22+$0x8A0];
	v7 =	vmul.f32 v21, v23;
	[tilespmem:s22+$0x9F0] =	vst v63  }
0xb2: {  	v46 =	vld [tilespmem:s22+$0x8E0];
	v8 =	vmul.f32 v22, v23;
	[tilespmem:s22+$0x870] =	vst v15  }
0xb3: {  	v36 =	vld [tilespmem:s22+$0x850];
	v5 =	vmul.f32 v25, v23;
	[tilespmem:s22+$0x7A0] =	vst v7  }
0xb4: {  	v44 =	vbroadcast v1, $0xD;
	v9 =	vmul.f32 v31, v35;
	v2 =	vld [tilespmem:s22+$0x890];
	[tilespmem:s22+$0x7B0] =	vst v8  }
0xb5: {  	v37 =	vld [tilespmem:s22+$0x860];
	v12 =	vmul.f32 v34, v35;
	[tilespmem:s22+$0x7C0] =	vst v5  }
0xb6: {  	v39 =	vld [tilespmem:s22+$0x880];
	v11 =	vmul.f32 v41, v44;
	[tilespmem:s22+$0x810] =	vst v9  }
0xb7: {  	v42 =	vld [tilespmem:s22+$0x8B0];
	v51 =	vmul.f32 v46, v44;
	[tilespmem:s22+$0x840] =	vst v12  }
0xb8: {  	v48 =	vld [tilespmem:s22+$0x910];
	v8 =	vmul.f32 v36, v35;
	[tilespmem:s22+$0x8A0] =	vst v11  }
0xb9: {  	v49 =	vld [tilespmem:s22+$0x920];
	[tilespmem:s22+$0x8E0] =	vst v51;
	v2 =	vmul.f32 v2, v44  }
0xba: {  	v50 =	vld [tilespmem:s22+$0x930];
	v5 =	vmul.f32 v37, v35;
	[tilespmem:s22+$0x850] =	vst v8  }
0xbb: {  	v1 =	vbroadcast v1, $0xE;
	v9 =	vmul.f32 v39, v44;
	[tilespmem:s22+$0x890] =	vst v2;
	v2 =	vld [tilespmem:s22+$0x900]  }
0xbc: {  	v60 =	vld [tilespmem:s22+$0x9E0];
	v12 =	vmul.f32 v42, v44;
	[tilespmem:s22+$0x860] =	vst v5  }
0xbd: {  	v45 =	vld [tilespmem:s22+$0x8D0];
	v11 =	vmul.f32 v48, v1;
	[tilespmem:s22+$0x880] =	vst v9  }
0xbe: {  	v47 =	vld [tilespmem:s22+$0x8F0];
	v10 =	vmul.f32 v49, v1;
	[tilespmem:s22+$0x8B0] =	vst v12  }
0xbf: {  	v43 =	vld [tilespmem:s22+$0x8C0];
	v6 =	vmul.f32 v50, v1;
	[tilespmem:s22+$0x910] =	vst v11  }
0xc0: {  	v55 =	vld [tilespmem:s22+$0x980];
	[tilespmem:s22+$0x920] =	vst v10;
	v2 =	vmul.f32 v2, v1  }
0xc1: {  	v57 =	vld [tilespmem:s22+$0x9A0];
	v4 =	vmul.f32 v60, v27;
	[tilespmem:s22+$0x930] =	vst v6  }
0xc2: {  	v5 =	vmul.f32 v45, v44;
	[tilespmem:s22+$0x900] =	vst v2;
	v2 =	vld [tilespmem:s22+$0x970]  }
0xc3: {  	v52 =	vld [tilespmem:s22+$0x940];
	v9 =	vmul.f32 v47, v44;
	[tilespmem:s22+$0x9E0] =	vst v4  }
0xc4: {  	v56 =	vld [tilespmem:s22+$0x990];
	v8 =	vmul.f32 v43, v44;
	[tilespmem:s22+$0x8D0] =	vst v5  }
0xc5: {  	v54 =	vld [tilespmem:s22+$0x960];
	v11 =	vmul.f32 v55, v27;
	[tilespmem:s22+$0x8F0] =	vst v9  }
0xc6: {  	v58 =	vld [tilespmem:s22+$0x9B0];
	v6 =	vmul.f32 v57, v27;
	[tilespmem:s22+$0x8C0] =	vst v8  }
0xc7: {  	v53 =	vld [tilespmem:s22+$0x950];
	[tilespmem:s22+$0x980] =	vst v11;
	v2 =	vmul.f32 v2, v1  }
0xc8: {  	v59 =	vld [tilespmem:s22+$0x9C0];
	v5 =	vmul.f32 v52, v1;
	[tilespmem:s22+$0x9A0] =	vst v6  }
0xc9: {  	[tilespmem:s22+$0x970] =	vst v2;
	v2 =	vmul.f32 v56, v27  }
0xca: {  	v3 =	vld [tilespmem:s22+$0x820];
	v9 =	vmul.f32 v54, v1;
	[tilespmem:s22+$0x940] =	vst v5  }
0xcb: {  	[tilespmem:s22+$0x990] =	vst v2;
	v2 =	vmul.f32 v58, v27  }
0xcc: {  	[tilespmem:s22+$0x960] =	vst v9;
	v1 =	vmul.f32 v53, v1  }
0xcd: {  	[tilespmem:s22+$0x9B0] =	vst v2;
	v2 =	vmul.f32 v59, v27  }
0xce: {  	[tilespmem:s22+$0x950] =	vst v1  }
0xcf: {  	s23 =	simm.s32 $0x1;
	[tilespmem:s22+$0x9C0] =	vst v2;
	v2 =	vmul.f32 v3, v35  }
.LBB2_5:
0xd0: {  	s24 =	sshll.u32 s23, $0x4  }
0xd1: {  	p1 =	sne.s32 s23, $0x7;
	[tilespmem:s22+$0x820] =	vst v2;
	s22 =	smov.u32 s23;
	s23 =	sadd.s32 $0x1, s23  }
0xd2: {  	s24 =	sand.u32 $0x3FFFFFF0, s24  }
0xd3: {  	s22 =	sshll.u32 s22, $0xB;
	v1 =	vld [tilespmem:s24+$0x100]  }
0xd4: {  	s22 =	sand.u32 $0x3FFFF800, s22  }
0xd5: {  	v8 =	vld [tilespmem:s22+$0x2C0]  }
0xd6: {  	v9 =	vld [tilespmem:s22+$0x2D0]  }
0xd7: {  	v10 =	vld [tilespmem:s22+$0x2B0]  }
0xd8: {  	v2 =	vbroadcast v1, $0x0;
	v3 =	vld [tilespmem:s22+$0x220];
	v7 =	vbroadcast v1, $0x4  }
0xd9: {  	v5 =	vld [tilespmem:s22+$0x230]  }
0xda: {  	v6 =	vld [tilespmem:s22+$0x770]  }
0xdb: {  	v11 =	vld [tilespmem:s22+$0x260]  }
0xdc: {  	v12 =	vld [tilespmem:s22+$0x270]  }
0xdd: {  	v4 =	vbroadcast v1, $0xA;
	v3 =	vmul.f32 v3, v2;
	v13 =	vld [tilespmem:s22+$0x280]  }
0xde: {  	v5 =	vmul.f32 v5, v2;
	v14 =	vld [tilespmem:s22+$0x290]  }
0xdf: {  	[tilespmem:s22+$0x220] =	vst v3;
	v15 =	vld [tilespmem:s22+$0x2A0];
	v3 =	vmul.f32 v6, v4  }
0xe0: {  	[tilespmem:s22+$0x230] =	vst v5;
	v6 =	vmul.f32 v11, v2;
	v11 =	vbroadcast v1, $0x1;
	v5 =	vld [tilespmem:s22+$0x780]  }
0xe1: {  	v12 =	vmul.f32 v12, v2;
	[tilespmem:s22+$0x770] =	vst v3;
	v3 =	vld [tilespmem:s22+$0x9D0]  }
0xe2: {  	[tilespmem:s22+$0x260] =	vst v6;
	v13 =	vmul.f32 v13, v11;
	v6 =	vld [tilespmem:s22+$0x790]  }
0xe3: {  	[tilespmem:s22+$0x270] =	vst v12;
	v12 =	vmul.f32 v14, v11;
	v14 =	vld [tilespmem:s22+$0x2E0]  }
0xe4: {  	[tilespmem:s22+$0x280] =	vst v13;
	v13 =	vmul.f32 v15, v11;
	v15 =	vld [tilespmem:s22+$0x2F0]  }
0xe5: {  	v10 =	vmul.f32 v10, v11;
	[tilespmem:s22+$0x290] =	vst v12;
	v12 =	vld [tilespmem:s22+$0x300]  }
0xe6: {  	v8 =	vmul.f32 v8, v11;
	[tilespmem:s22+$0x2A0] =	vst v13;
	v13 =	vld [tilespmem:s22+$0x310]  }
0xe7: {  	v9 =	vmul.f32 v9, v11;
	[tilespmem:s22+$0x2B0] =	vst v10;
	v10 =	vld [tilespmem:s22+$0x320]  }
0xe8: {  	[tilespmem:s22+$0x2C0] =	vst v8;
	v8 =	vmul.f32 v14, v11;
	v14 =	vbroadcast v1, $0x2;
	v16 =	vld [tilespmem:s22+$0x330]  }
0xe9: {  	[tilespmem:s22+$0x2D0] =	vst v9;
	v9 =	vmul.f32 v15, v11;
	v11 =	vld [tilespmem:s22+$0x340]  }
0xea: {  	[tilespmem:s22+$0x2E0] =	vst v8;
	v8 =	vmul.f32 v12, v14;
	v12 =	vld [tilespmem:s22+$0x350]  }
0xeb: {  	[tilespmem:s22+$0x2F0] =	vst v9;
	v9 =	vmul.f32 v13, v14;
	v13 =	vld [tilespmem:s22+$0x360]  }
0xec: {  	[tilespmem:s22+$0x300] =	vst v8;
	v8 =	vmul.f32 v10, v14;
	v10 =	vld [tilespmem:s22+$0x370]  }
0xed: {  	[tilespmem:s22+$0x310] =	vst v9;
	v9 =	vmul.f32 v16, v14;
	v15 =	vld [tilespmem:s22+$0x380]  }
0xee: {  	[tilespmem:s22+$0x320] =	vst v8;
	v8 =	vmul.f32 v11, v14;
	v11 =	vld [tilespmem:s22+$0x390]  }
0xef: {  	[tilespmem:s22+$0x330] =	vst v9;
	v9 =	vmul.f32 v12, v14;
	v12 =	vld [tilespmem:s22+$0x3A0]  }
0xf0: {  	[tilespmem:s22+$0x340] =	vst v8;
	v8 =	vmul.f32 v13, v14;
	v13 =	vbroadcast v1, $0x3;
	v16 =	vld [tilespmem:s22+$0x3B0]  }
0xf1: {  	[tilespmem:s22+$0x350] =	vst v9;
	v9 =	vmul.f32 v10, v14;
	v10 =	vld [tilespmem:s22+$0x3C0]  }
0xf2: {  	[tilespmem:s22+$0x360] =	vst v8;
	v8 =	vmul.f32 v15, v13;
	v14 =	vld [tilespmem:s22+$0x3D0]  }
0xf3: {  	[tilespmem:s22+$0x370] =	vst v9;
	v9 =	vmul.f32 v11, v13;
	v11 =	vld [tilespmem:s22+$0x3E0]  }
0xf4: {  	[tilespmem:s22+$0x380] =	vst v8;
	v8 =	vmul.f32 v12, v13;
	v12 =	vld [tilespmem:s22+$0x3F0]  }
0xf5: {  	[tilespmem:s22+$0x390] =	vst v9;
	v9 =	vmul.f32 v16, v13;
	v15 =	vld [tilespmem:s22+$0x400]  }
0xf6: {  	[tilespmem:s22+$0x3A0] =	vst v8;
	v8 =	vmul.f32 v10, v13;
	v10 =	vld [tilespmem:s22+$0x410]  }
0xf7: {  	[tilespmem:s22+$0x3B0] =	vst v9;
	v9 =	vmul.f32 v14, v13;
	v14 =	vld [tilespmem:s22+$0x420]  }
0xf8: {  	[tilespmem:s22+$0x3C0] =	vst v8;
	v8 =	vmul.f32 v11, v13;
	v11 =	vld [tilespmem:s22+$0x430]  }
0xf9: {  	[tilespmem:s22+$0x3D0] =	vst v9;
	v9 =	vmul.f32 v12, v13;
	v12 =	vld [tilespmem:s22+$0x440]  }
0xfa: {  	[tilespmem:s22+$0x3E0] =	vst v8;
	v8 =	vmul.f32 v15, v7;
	v13 =	vld [tilespmem:s22+$0x450]  }
0xfb: {  	[tilespmem:s22+$0x3F0] =	vst v9;
	v9 =	vmul.f32 v10, v7;
	v10 =	vld [tilespmem:s22+$0x460]  }
0xfc: {  	[tilespmem:s22+$0x400] =	vst v8;
	v8 =	vmul.f32 v14, v7;
	v14 =	vld [tilespmem:s22+$0x470]  }
0xfd: {  	[tilespmem:s22+$0x410] =	vst v9;
	v9 =	vmul.f32 v11, v7;
	v11 =	vld [tilespmem:s22+$0x480]  }
0xfe: {  	[tilespmem:s22+$0x420] =	vst v8;
	v8 =	vmul.f32 v12, v7;
	v12 =	vld [tilespmem:s22+$0x490]  }
0xff: {  	[tilespmem:s22+$0x430] =	vst v9;
	v9 =	vmul.f32 v13, v7;
	v13 =	vld [tilespmem:s22+$0x4A0]  }
0x100: {  	[tilespmem:s22+$0x440] =	vst v8;
	v8 =	vmul.f32 v10, v7;
	v10 =	vbroadcast v1, $0x5;
	v15 =	vld [tilespmem:s22+$0x4B0]  }
0x101: {  	[tilespmem:s22+$0x450] =	vst v9;
	v7 =	vmul.f32 v14, v7;
	v9 =	vld [tilespmem:s22+$0x4C0]  }
0x102: {  	[tilespmem:s22+$0x460] =	vst v8;
	v8 =	vmul.f32 v11, v10;
	v11 =	vld [tilespmem:s22+$0x4D0]  }
0x103: {  	[tilespmem:s22+$0x470] =	vst v7;
	v7 =	vmul.f32 v12, v10;
	v12 =	vld [tilespmem:s22+$0x4E0]  }
0x104: {  	[tilespmem:s22+$0x480] =	vst v8;
	v8 =	vmul.f32 v13, v10;
	v13 =	vld [tilespmem:s22+$0x4F0]  }
0x105: {  	[tilespmem:s22+$0x490] =	vst v7;
	v7 =	vmul.f32 v15, v10;
	v14 =	vld [tilespmem:s22+$0x500]  }
0x106: {  	[tilespmem:s22+$0x4A0] =	vst v8;
	v8 =	vmul.f32 v9, v10;
	v9 =	vld [tilespmem:s22+$0x510]  }
0x107: {  	[tilespmem:s22+$0x4B0] =	vst v7;
	v7 =	vmul.f32 v11, v10;
	v11 =	vld [tilespmem:s22+$0x520]  }
0x108: {  	[tilespmem:s22+$0x4C0] =	vst v8;
	v8 =	vmul.f32 v12, v10;
	v12 =	vbroadcast v1, $0x6;
	v15 =	vld [tilespmem:s22+$0x530]  }
0x109: {  	[tilespmem:s22+$0x4D0] =	vst v7;
	v7 =	vmul.f32 v13, v10;
	v10 =	vld [tilespmem:s22+$0x540]  }
0x10a: {  	[tilespmem:s22+$0x4E0] =	vst v8;
	v8 =	vmul.f32 v14, v12;
	v13 =	vld [tilespmem:s22+$0x550]  }
0x10b: {  	[tilespmem:s22+$0x4F0] =	vst v7;
	v7 =	vmul.f32 v9, v12;
	v9 =	vld [tilespmem:s22+$0x560]  }
0x10c: {  	[tilespmem:s22+$0x500] =	vst v8;
	v8 =	vmul.f32 v11, v12;
	v11 =	vld [tilespmem:s22+$0x570]  }
0x10d: {  	[tilespmem:s22+$0x510] =	vst v7;
	v7 =	vmul.f32 v15, v12;
	v14 =	vld [tilespmem:s22+$0x580]  }
0x10e: {  	[tilespmem:s22+$0x520] =	vst v8;
	v8 =	vmul.f32 v10, v12;
	v10 =	vld [tilespmem:s22+$0x590]  }
0x10f: {  	[tilespmem:s22+$0x530] =	vst v7;
	v7 =	vmul.f32 v13, v12;
	v13 =	vld [tilespmem:s22+$0x5A0]  }
0x110: {  	[tilespmem:s22+$0x540] =	vst v8;
	v8 =	vmul.f32 v9, v12;
	v9 =	vbroadcast v1, $0x7;
	v15 =	vld [tilespmem:s22+$0x5B0]  }
0x111: {  	[tilespmem:s22+$0x550] =	vst v7;
	v7 =	vmul.f32 v11, v12;
	v11 =	vld [tilespmem:s22+$0x5C0]  }
0x112: {  	[tilespmem:s22+$0x560] =	vst v8;
	v8 =	vmul.f32 v14, v9;
	v12 =	vld [tilespmem:s22+$0x5D0]  }
0x113: {  	[tilespmem:s22+$0x570] =	vst v7;
	v7 =	vmul.f32 v10, v9;
	v10 =	vld [tilespmem:s22+$0x5E0]  }
0x114: {  	[tilespmem:s22+$0x580] =	vst v8;
	v8 =	vmul.f32 v13, v9;
	v13 =	vld [tilespmem:s22+$0x5F0]  }
0x115: {  	[tilespmem:s22+$0x590] =	vst v7;
	v7 =	vmul.f32 v15, v9;
	v14 =	vld [tilespmem:s22+$0x600]  }
0x116: {  	[tilespmem:s22+$0x5A0] =	vst v8;
	v8 =	vmul.f32 v11, v9;
	v11 =	vld [tilespmem:s22+$0x610]  }
0x117: {  	[tilespmem:s22+$0x5B0] =	vst v7;
	v7 =	vmul.f32 v12, v9;
	v12 =	vld [tilespmem:s22+$0x620]  }
0x118: {  	[tilespmem:s22+$0x5C0] =	vst v8;
	v8 =	vmul.f32 v10, v9;
	v10 =	vbroadcast v1, $0x8;
	v15 =	vld [tilespmem:s22+$0x630]  }
0x119: {  	[tilespmem:s22+$0x5D0] =	vst v7;
	v7 =	vmul.f32 v13, v9;
	v9 =	vld [tilespmem:s22+$0x640]  }
0x11a: {  	[tilespmem:s22+$0x5E0] =	vst v8;
	v8 =	vmul.f32 v14, v10;
	v13 =	vld [tilespmem:s22+$0x650]  }
0x11b: {  	[tilespmem:s22+$0x5F0] =	vst v7;
	v7 =	vmul.f32 v11, v10;
	v11 =	vld [tilespmem:s22+$0x660]  }
0x11c: {  	[tilespmem:s22+$0x600] =	vst v8;
	v8 =	vmul.f32 v12, v10;
	v12 =	vld [tilespmem:s22+$0x670]  }
0x11d: {  	[tilespmem:s22+$0x610] =	vst v7;
	v7 =	vmul.f32 v15, v10;
	v14 =	vld [tilespmem:s22+$0x680]  }
0x11e: {  	[tilespmem:s22+$0x620] =	vst v8;
	v8 =	vmul.f32 v9, v10;
	v9 =	vld [tilespmem:s22+$0x690]  }
0x11f: {  	[tilespmem:s22+$0x630] =	vst v7;
	v7 =	vmul.f32 v13, v10;
	v13 =	vld [tilespmem:s22+$0x6A0]  }
0x120: {  	[tilespmem:s22+$0x640] =	vst v8;
	v8 =	vmul.f32 v11, v10;
	v11 =	vbroadcast v1, $0x9;
	v15 =	vld [tilespmem:s22+$0x6B0]  }
0x121: {  	[tilespmem:s22+$0x650] =	vst v7;
	v7 =	vmul.f32 v12, v10;
	v10 =	vld [tilespmem:s22+$0x6C0]  }
0x122: {  	[tilespmem:s22+$0x660] =	vst v8;
	v8 =	vmul.f32 v14, v11;
	v12 =	vld [tilespmem:s22+$0x6D0]  }
0x123: {  	[tilespmem:s22+$0x670] =	vst v7;
	v7 =	vmul.f32 v9, v11;
	v9 =	vld [tilespmem:s22+$0x6E0]  }
0x124: {  	[tilespmem:s22+$0x680] =	vst v8;
	v8 =	vmul.f32 v13, v11;
	v13 =	vld [tilespmem:s22+$0x6F0]  }
0x125: {  	[tilespmem:s22+$0x690] =	vst v7;
	v7 =	vmul.f32 v15, v11;
	v14 =	vld [tilespmem:s22+$0x700]  }
0x126: {  	[tilespmem:s22+$0x6A0] =	vst v8;
	v8 =	vmul.f32 v10, v11;
	v10 =	vld [tilespmem:s22+$0x710]  }
0x127: {  	[tilespmem:s22+$0x6B0] =	vst v7;
	v7 =	vmul.f32 v12, v11;
	v12 =	vld [tilespmem:s22+$0x720]  }
0x128: {  	[tilespmem:s22+$0x6C0] =	vst v8;
	v8 =	vmul.f32 v9, v11;
	v9 =	vld [tilespmem:s22+$0x730]  }
0x129: {  	[tilespmem:s22+$0x6D0] =	vst v7;
	v7 =	vmul.f32 v13, v11;
	v11 =	vld [tilespmem:s22+$0x740]  }
0x12a: {  	[tilespmem:s22+$0x6E0] =	vst v8;
	v8 =	vmul.f32 v14, v4;
	v13 =	vld [tilespmem:s22+$0x750]  }
0x12b: {  	[tilespmem:s22+$0x6F0] =	vst v7;
	v7 =	vmul.f32 v10, v4;
	v10 =	vld [tilespmem:s22+$0x760]  }
0x12c: {  	v14 =	vld [tilespmem:s22+$0x200];
	[tilespmem:s22+$0x700] =	vst v8;
	v8 =	vmul.f32 v12, v4  }
0x12d: {  	v12 =	vld [tilespmem:s22+$0x210];
	[tilespmem:s22+$0x710] =	vst v7;
	v7 =	vmul.f32 v9, v4  }
0x12e: {  	v9 =	vld [tilespmem:s22+$0x240];
	[tilespmem:s22+$0x720] =	vst v8;
	v8 =	vmul.f32 v11, v4  }
0x12f: {  	v11 =	vld [tilespmem:s22+$0x250];
	[tilespmem:s22+$0x730] =	vst v7;
	v7 =	vmul.f32 v13, v4  }
0x130: {  	[tilespmem:s22+$0x740] =	vst v8;
	v8 =	vmul.f32 v10, v4;
	v10 =	vbroadcast v1, $0xB;
	v13 =	vld [tilespmem:s22+$0x7A0]  }
0x131: {  	v4 =	vbroadcast v1, $0xF;
	v14 =	vmul.f32 v2, v14;
	[tilespmem:s22+$0x750] =	vst v7;
	v7 =	vld [tilespmem:s22+$0x7B0]  }
0x132: {  	v12 =	vmul.f32 v12, v2;
	[tilespmem:s22+$0x760] =	vst v8;
	v5 =	vmul.f32 v5, v10;
	v8 =	vld [tilespmem:s22+$0x7C0]  }
0x133: {  	v6 =	vmul.f32 v6, v10;
	[tilespmem:s22+$0x200] =	vst v14;
	v9 =	vmul.f32 v9, v2;
	v14 =	vld [tilespmem:s22+$0x7D0]  }
0x134: {  	v3 =	vmul.f32 v3, v4;
	v11 =	vmul.f32 v11, v2;
	[tilespmem:s22+$0x780] =	vst v5;
	v2 =	vld [tilespmem:s22+$0x7E0]  }
0x135: {  	[tilespmem:s22+$0x790] =	vst v6;
	v5 =	vmul.f32 v13, v10;
	v6 =	vld [tilespmem:s22+$0x7F0]  }
0x136: {  	v7 =	vmul.f32 v7, v10;
	v13 =	vld [tilespmem:s22+$0x800];
	[tilespmem:s22+$0x9D0] =	vst v3  }
0x137: {  	[tilespmem:s22+$0x210] =	vst v12;
	v3 =	vmul.f32 v8, v10;
	v8 =	vld [tilespmem:s22+$0x810]  }
0x138: {  	[tilespmem:s22+$0x240] =	vst v9;
	v9 =	vmul.f32 v14, v10;
	v12 =	vld [tilespmem:s22+$0x820]  }
0x139: {  	v14 =	vbroadcast v1, $0xC;
	[tilespmem:s22+$0x7A0] =	vst v5;
	v5 =	vmul.f32 v2, v10;
	v15 =	vld [tilespmem:s22+$0x830]  }
0x13a: {  	[tilespmem:s22+$0x7D0] =	vst v9;
	v6 =	vmul.f32 v6, v10;
	v9 =	vld [tilespmem:s22+$0x840]  }
0x13b: {  	[tilespmem:s22+$0x7B0] =	vst v7;
	v2 =	vmul.f32 v13, v14;
	v7 =	vld [tilespmem:s22+$0x850]  }
0x13c: {  	[tilespmem:s22+$0x7C0] =	vst v3;
	v3 =	vmul.f32 v8, v14;
	v8 =	vld [tilespmem:s22+$0x860]  }
0x13d: {  	[tilespmem:s22+$0x800] =	vst v2;
	v2 =	vmul.f32 v12, v14;
	v10 =	vld [tilespmem:s22+$0x870]  }
0x13e: {  	[tilespmem:s22+$0x810] =	vst v3;
	v3 =	vld [tilespmem:s22+$0x880]  }
0x13f: {  	[tilespmem:s22+$0x250] =	vst v11;
	v9 =	vmul.f32 v9, v14;
	v11 =	vld [tilespmem:s22+$0x890]  }
0x140: {  	[tilespmem:s22+$0x7E0] =	vst v5;
	v5 =	vmul.f32 v7, v14;
	v7 =	vld [tilespmem:s22+$0x8A0]  }
0x141: {  	[tilespmem:s22+$0x840] =	vst v9;
	v8 =	vmul.f32 v8, v14;
	v9 =	vbroadcast v1, $0xD;
	v12 =	vld [tilespmem:s22+$0x8B0]  }
0x142: {  	[tilespmem:s22+$0x850] =	vst v5;
	v5 =	vmul.f32 v10, v14;
	v10 =	vld [tilespmem:s22+$0x8C0]  }
0x143: {  	[tilespmem:s22+$0x860] =	vst v8;
	v3 =	vmul.f32 v3, v9;
	v8 =	vld [tilespmem:s22+$0x8D0]  }
0x144: {  	[tilespmem:s22+$0x870] =	vst v5;
	v5 =	vmul.f32 v11, v9;
	v11 =	vld [tilespmem:s22+$0x8E0]  }
0x145: {  	[tilespmem:s22+$0x880] =	vst v3;
	v3 =	vmul.f32 v7, v9;
	v7 =	vld [tilespmem:s22+$0x8F0]  }
0x146: {  	[tilespmem:s22+$0x890] =	vst v5;
	v5 =	vmul.f32 v12, v9;
	v12 =	vld [tilespmem:s22+$0x900]  }
0x147: {  	[tilespmem:s22+$0x8A0] =	vst v3;
	v3 =	vmul.f32 v10, v9;
	v10 =	vld [tilespmem:s22+$0x910]  }
0x148: {  	[tilespmem:s22+$0x8B0] =	vst v5;
	v5 =	vmul.f32 v8, v9;
	v8 =	vld [tilespmem:s22+$0x920]  }
0x149: {  	v1 =	vbroadcast v1, $0xE;
	[tilespmem:s22+$0x7F0] =	vst v6;
	v6 =	vmul.f32 v11, v9;
	v11 =	vld [tilespmem:s22+$0x930]  }
0x14a: {  	[tilespmem:s22+$0x8D0] =	vst v5;
	v5 =	vmul.f32 v7, v9;
	v7 =	vld [tilespmem:s22+$0x940]  }
0x14b: {  	[tilespmem:s22+$0x8E0] =	vst v6;
	v6 =	vmul.f32 v12, v1;
	v9 =	vld [tilespmem:s22+$0x950]  }
0x14c: {  	[tilespmem:s22+$0x8F0] =	vst v5;
	v5 =	vmul.f32 v10, v1;
	v10 =	vld [tilespmem:s22+$0x960]  }
0x14d: {  	[tilespmem:s22+$0x900] =	vst v6;
	v6 =	vmul.f32 v8, v1;
	v8 =	vld [tilespmem:s22+$0x970]  }
0x14e: {  	[tilespmem:s22+$0x910] =	vst v5;
	v5 =	vmul.f32 v11, v1;
	v11 =	vld [tilespmem:s22+$0x980]  }
0x14f: {  	[tilespmem:s22+$0x920] =	vst v6;
	v6 =	vmul.f32 v7, v1;
	v7 =	vld [tilespmem:s22+$0x990]  }
0x150: {  	[tilespmem:s22+$0x930] =	vst v5;
	v5 =	vmul.f32 v9, v1;
	v9 =	vld [tilespmem:s22+$0x9A0]  }
0x151: {  	[tilespmem:s22+$0x940] =	vst v6;
	v6 =	vmul.f32 v10, v1;
	v10 =	vld [tilespmem:s22+$0x9B0]  }
0x152: {  	[tilespmem:s22+$0x8C0] =	vst v3;
	v1 =	vmul.f32 v8, v1;
	v3 =	vld [tilespmem:s22+$0x9C0]  }
0x153: {  	[tilespmem:s22+$0x960] =	vst v6;
	v6 =	vmul.f32 v11, v4;
	v8 =	vld [tilespmem:s22+$0x9E0]  }
0x154: {  	[tilespmem:s22+$0x970] =	vst v1;
	v1 =	vmul.f32 v7, v4;
	v7 =	vld [tilespmem:s22+$0x9F0]  }
0x155: {  	[tilespmem:s22+$0x980] =	vst v6;
	v6 =	vmul.f32 v9, v4  }
0x156: {  	[tilespmem:s22+$0x990] =	vst v1;
	v1 =	vmul.f32 v10, v4  }
0x157: {  	v9 =	vmul.f32 v15, v14;
	[tilespmem:s22+$0x9A0] =	vst v6  }
0x158: {  	[tilespmem:s22+$0x9B0] =	vst v1;
	v1 =	vmul.f32 v3, v4  }
.Ltmp1:
0x159: {  	[tilespmem:s22+$0x830] =	vst v9;
	v3 =	vmul.f32 v7, v4;
	(pc) =	sbr.rel @p1 .LBB2_5-.Ltmp1, $4  }
0x15a: {  	[tilespmem:s22+$0x9C0] =	vst v1  }
0x15b: {  	v1 =	vmul.f32 v8, v4;
	[tilespmem:s22+$0x9F0] =	vst v3  }
0x15c: {  	[tilespmem:s22+$0x950] =	vst v5  }
0x15d: {  	[tilespmem:s22+$0x9E0] =	vst v1  }
0x15e: {  	s21 =	sadd.s32 $0x1, s21  }
0x15f: {  	p1 =	sne.s32 s21, $0x9D  }
.Ltmp2:
0x160: {  	[tilespmem:s22+$0x820] =	vst v2;
	(pc) =	sbr.rel @p1 .LBB2_4-.Ltmp2, $4  }
0x161: {  	[spmem:s1] =	stream.indirect.scatter.add.f32 [tilespmem:s15], [sflag:$0x1], $0x80, s17, s17, $0xb8;
	[tilespmem:$0x17A80] =	vst v63  }
0x162: {  	_ =	swait.ge [sflag:s16], $0x4000  }
0x163: {  	[sflag:s16] =	ssyncset.done $0x0  }
0x164: {  	[sflag:s16] =	ssyncadd.s32 $0xFFFFC000  }
0x165: {  	[bflag:$0x0] =	sbarrier.arrive $0xFFFF  }
0x166: {  	[hbm:s12], [sflag:s18] =	dma.local [spmem:s19], $0x2700  }
0x167: {  	_ =	swait.ge [sflag:s16], $0x2700  }
0x168: {  	s2 =	sadd.s32 $0x1, s2;
	[sflag:s16] =	ssyncset.done $0x0  }
0x169: {  	s20 =	sshrl.u32 @!p0 s10, $0x3;
	p1 =	sne.s32 s2, s14;
	[sflag:s16] =	ssyncadd.s32 $0xFFFFD900  }
0x16a: {  	[hbm:s13], [sflag:s18] =	dma.local @!p0 [spmem:s20], $0x100  }
.Ltmp3:
0x16b: {  	_ = 	snop;
	(pc) =	sbr.rel @p1 .LBB2_1-.Ltmp3, $4  }
0x16c: {  	s20 =	simm.s32 @!p0 $0x1  }
0x16d: {  	_ =	swait.ge @!p0 [sflag:s20], $0x100  }
0x16e: {  	[sflag:s20] =	ssyncset.done @!p0 $0x0  }
0x16f: {  	[sflag:s20] =	ssyncadd.s32 @!p0 $0xFFFFFF00  }
0x170: {  	_ =	sfence.sel $0x180000  }
0x171: {  	[bflag:$0x0] =	sbarrier.arrive $0xFFFF  }
0x172: {  	_ =	strace $0x90000047  }
0x173: {  	s0 =	sadd.s32 @!p0 $0x100000, s0;
	[bflag:$0x2] =	sbarrier.arrive $0xFFFF  }
0x174: {  	[sflag:s0] =	ssyncadd.tile.s32 @!p0 $0x1;
	_ =	shalt  }
.Lfunc_end2:
_tile_overlayer_lowered:
.L_overlay_start_2:
0x175: {  	(tag) =	ssettag $0x2  }
0x176: {  	s0 =	rddreg [dreg:$0x0];
	s2 =	stileid.u32  }
0x177: {  	s1 =	rddreg [dreg:$0x1];
	p0 =	sne.s32 s2, $0x0  }
0x178: {  	s3 =	rddreg [dreg:$0x2];
	[bflag:$0x3] =	sbarrier.arrive $0xFFFF;
	s2 =	simm.s32 @!p0 $0x1C01  }
0x179: {  	[timem:s3], [sflag:s2] =	dma.local @!p0 [hbm:s0], s1  }
0x17a: {  	s0 =	simm.s32 @!p0 $0x1  }
0x17b: {  	_ =	swait.ge @!p0 [sflag:s0], s1  }
0x17c: {  	s1 =	ssub.s32 @!p0 $0x0, s1;
	[sflag:s0] =	ssyncset.done @!p0 $0x0  }
0x17d: {  	[sflag:s0] =	ssyncadd.s32 @!p0 s1  }
0x17e: {  	[bflag:$0x3] =	sbarrier.arrive $0xFFFF  }
0x17f: {  	_ =	shalt  }

</sc_bundles>
